<compile_context>
chip_gen: v7x
topology: tpu7x:2x2x1
jax: 0.10.2.dev20260603
libtpu: 0.0.44.dev20260713+nightly
codegen_flags: <defaults>
</compile_context>

<pallas_src>
import functools

import jax
import jax.numpy as jnp
from jax import lax
from jax.experimental import pallas as pl
from jax.experimental.pallas import tpu as pltpu
from jax.experimental.pallas import tpu_sc as plsc

N_NODES = 10000
N_EDGES = 320000
NPAD = 10240

NC = 2
NS = 16
NW = NC * NS
BATCH = 80
ROWS_PER_TILE = NPAD // NS

EPT_W = N_EDGES // NW
NB_W = EPT_W // BATCH
EPT_S = N_EDGES // NS
NB_S = EPT_S // BATCH

_mesh = plsc.VectorSubcoreMesh(core_axis_name="c", subcore_axis_name="s")
_sc_params = pltpu.CompilerParams(use_tc_tiling_on_sc=False)


_DEG_NBUF = 5
_DEG_ROUNDS = NB_W // _DEG_NBUF


@functools.partial(
    pl.kernel,
    out_type=(
        jax.ShapeDtypeStruct((NC, NPAD, 8), jnp.float32),
        jax.ShapeDtypeStruct((NC, NPAD, 8), jnp.float32),
    ),
    mesh=_mesh,
    scratch_types=[
        pltpu.VMEM((NB_W, BATCH), jnp.int32),
        pltpu.VMEM((NB_W, BATCH), jnp.int32),
        pltpu.VMEM((BATCH, 8), jnp.float32),
        pltpu.VMEM_SHARED((NPAD, 8), jnp.float32),
        pltpu.VMEM_SHARED((NPAD, 8), jnp.float32),
    ] + [pltpu.SemaphoreType.DMA] * (2 * _DEG_NBUF),
    compiler_params=_sc_params,
)
def _sc_degrees(src_h, dst_h, ones_h, z8_h, out_o, out_i,
                idx_s, idx_d, ones_v, acc_o, acc_i, *sems):
    osem = sems[:_DEG_NBUF]
    isem = sems[_DEG_NBUF:]
    c = lax.axis_index("c")
    s = lax.axis_index("s")
    wid = c * NS + s
    r0 = s * ROWS_PER_TILE
    pltpu.sync_copy(z8_h, acc_o.at[pl.ds(r0, ROWS_PER_TILE)])
    pltpu.sync_copy(z8_h, acc_i.at[pl.ds(r0, ROWS_PER_TILE)])
    pltpu.sync_copy(src_h.at[wid], idx_s)
    pltpu.sync_copy(dst_h.at[wid], idx_d)
    pltpu.sync_copy(ones_h, ones_v)
    plsc.subcore_barrier()

    def round_body(g, carry):
        handles = []
        for b in range(_DEG_NBUF):
            i = g * _DEG_NBUF + b
            handles.append(pltpu.async_copy(
                ones_v, acc_o.at[idx_s.at[i]], osem[b], add=True))
            handles.append(pltpu.async_copy(
                ones_v, acc_i.at[idx_d.at[i]], isem[b], add=True))
        for h in handles:
            h.wait()
        return carry

    lax.fori_loop(0, _DEG_ROUNDS, round_body, 0)
    plsc.subcore_barrier()
    pltpu.sync_copy(acc_o.at[pl.ds(r0, ROWS_PER_TILE)],
                    out_o.at[c, pl.ds(r0, ROWS_PER_TILE)])
    pltpu.sync_copy(acc_i.at[pl.ds(r0, ROWS_PER_TILE)],
                    out_i.at[c, pl.ds(r0, ROWS_PER_TILE)])


_B_NBUF = 5
_B_ROUNDS = NB_S // _B_NBUF


@functools.partial(
    pl.kernel,
    out_type=jax.ShapeDtypeStruct((NC, NPAD, 64), jnp.float32),
    mesh=_mesh,
    scratch_types=[
        pltpu.VMEM((_B_NBUF, 2, BATCH), jnp.int32),
        pltpu.VMEM((_B_NBUF, BATCH, 64), jnp.float32),
        pltpu.VMEM_SHARED((NPAD, 64), jnp.float32),
    ] + [pltpu.SemaphoreType.DMA] * (3 * _B_NBUF),
    compiler_params=_sc_params,
)
def _sc_agg_colsplit(e2_h, tbl_h, z_h, out_h, ring, rows, acc, *sems):
    gsem = sems[:_B_NBUF]
    ssem = sems[_B_NBUF:2 * _B_NBUF]
    isem = sems[2 * _B_NBUF:]
    c = lax.axis_index("c")
    s = lax.axis_index("s")
    r0 = s * ROWS_PER_TILE
    for r in range(ROWS_PER_TILE // 128):
        pltpu.sync_copy(z_h, acc.at[pl.ds(r0 + r * 128, 128)])
    plsc.subcore_barrier()

    for b in range(_B_NBUF):
        pltpu.async_copy(e2_h.at[c, s, b], ring.at[b], isem[b])
    for b in range(_B_NBUF):
        pltpu.make_async_copy(e2_h.at[c, s, b], ring.at[b], isem[b]).wait()
        pltpu.async_copy(tbl_h.at[ring.at[b, 0]], rows.at[b], gsem[b])

    def round_body(g, carry):
        handles = []
        for b in range(_B_NBUF):
            i = g * _B_NBUF + b
            nxt = i + _B_NBUF
            pltpu.make_async_copy(
                tbl_h.at[ring.at[b, 0]], rows.at[b], gsem[b]).wait()
            handles.append(pltpu.async_copy(
                rows.at[b], acc.at[ring.at[b, 1]], ssem[b], add=True))

            @pl.when(nxt < NB_S)
            def _():
                pltpu.async_copy(e2_h.at[c, s, nxt], ring.at[b], isem[b])
        for b in range(_B_NBUF):
            i = g * _B_NBUF + b
            nxt = i + _B_NBUF
            handles[b].wait()

            @pl.when(nxt < NB_S)
            def _():
                pltpu.make_async_copy(
                    e2_h.at[c, s, nxt], ring.at[b], isem[b]).wait()
                pltpu.async_copy(
                    tbl_h.at[ring.at[b, 0]], rows.at[b], gsem[b])
        return carry

    lax.fori_loop(0, _B_ROUNDS, round_body, 0)
    plsc.subcore_barrier()
    pltpu.sync_copy(acc.at[pl.ds(r0, ROWS_PER_TILE)],
                    out_h.at[c, pl.ds(r0, ROWS_PER_TILE)])


_C_NBUF = 5
_C_ROUNDS = NB_W // _C_NBUF


@functools.partial(
    pl.kernel,
    out_type=jax.ShapeDtypeStruct((NC, NPAD, 32), jnp.float32),
    mesh=_mesh,
    scratch_types=[
        pltpu.VMEM((NB_W, BATCH), jnp.int32),
        pltpu.VMEM((NB_W, BATCH), jnp.int32),
        pltpu.VMEM((_C_NBUF, BATCH, 32), jnp.float32),
        pltpu.VMEM_SHARED((NPAD, 32), jnp.float32),
    ] + [pltpu.SemaphoreType.DMA] * (2 * _C_NBUF),
    compiler_params=_sc_params,
)
def _sc_agg32(src_h, dst_h, tbl_h, z_h, out_h,
              idx_g, idx_c, rows, acc, *sems):
    gsem = sems[:_C_NBUF]
    ssem = sems[_C_NBUF:]
    c = lax.axis_index("c")
    s = lax.axis_index("s")
    wid = c * NS + s
    r0 = s * ROWS_PER_TILE
    for r in range(ROWS_PER_TILE // 128):
        pltpu.sync_copy(z_h, acc.at[pl.ds(r0 + r * 128, 128)])
    pltpu.sync_copy(src_h.at[wid], idx_g)
    pltpu.sync_copy(dst_h.at[wid], idx_c)
    plsc.subcore_barrier()

    for b in range(_C_NBUF):
        pltpu.async_copy(tbl_h.at[idx_g.at[b]], rows.at[b], gsem[b])

    def round_body(g, carry):
        handles = []
        for b in range(_C_NBUF):
            i = g * _C_NBUF + b
            pltpu.make_async_copy(
                tbl_h.at[idx_g.at[i]], rows.at[b], gsem[b]).wait()
            handles.append(pltpu.async_copy(
                rows.at[b], acc.at[idx_c.at[i]], ssem[b], add=True))
        for b in range(_C_NBUF):
            handles[b].wait()
            nxt = (g + 1) * _C_NBUF + b

            @pl.when(nxt < NB_W)
            def _():
                pltpu.async_copy(
                    tbl_h.at[idx_g.at[nxt]], rows.at[b], gsem[b])
        return carry

    lax.fori_loop(0, _C_ROUNDS, round_body, 0)
    plsc.subcore_barrier()
    pltpu.sync_copy(acc.at[pl.ds(r0, ROWS_PER_TILE)],
                    out_h.at[c, pl.ds(r0, ROWS_PER_TILE)])


def _tc_norms_body(dego_ref, degi_ref, x_ref, xs_ref, ns_ref, nd_ref):
    do = (dego_ref[0] + dego_ref[1])[:, :1]
    di = (degi_ref[0] + degi_ref[1])[:, :1]
    ns = lax.rsqrt(jnp.maximum(do, 1.0))
    nd = lax.rsqrt(jnp.maximum(di, 1.0))
    ns_ref[...] = ns
    nd_ref[...] = nd
    xs = x_ref[...] * ns
    xs_ref[0] = xs[:, :64]
    xs_ref[1] = xs[:, 64:]


def _tc_norms(deg_o, deg_i, x_pad):
    blk = 2048
    grid = NPAD // blk
    return pl.pallas_call(
        _tc_norms_body,
        grid=(grid,),
        in_specs=[
            pl.BlockSpec((NC, blk, 8), lambda i: (0, i, 0)),
            pl.BlockSpec((NC, blk, 8), lambda i: (0, i, 0)),
            pl.BlockSpec((blk, 128), lambda i: (i, 0)),
        ],
        out_specs=[
            pl.BlockSpec((2, blk, 64), lambda i: (0, i, 0)),
            pl.BlockSpec((blk, 1), lambda i: (i, 0)),
            pl.BlockSpec((blk, 1), lambda i: (i, 0)),
        ],
        out_shape=[
            jax.ShapeDtypeStruct((2, NPAD, 64), jnp.float32),
            jax.ShapeDtypeStruct((NPAD, 1), jnp.float32),
            jax.ShapeDtypeStruct((NPAD, 1), jnp.float32),
        ],
    )(deg_o, deg_i, x_pad)


def _tc_mid_body(a_ref, nd_ref, ns_ref, w1_ref, b1_ref, w2_ref, t_ref):
    agg = jnp.concatenate([a_ref[0], a_ref[1]], axis=1) * nd_ref[...]
    h = jnp.dot(agg, w1_ref[...], preferred_element_type=jnp.float32)
    h = jnp.maximum(h + b1_ref[...][None, :], 0.0)
    t_ref[...] = jnp.dot(h * ns_ref[...], w2_ref[...],
                         preferred_element_type=jnp.float32)


def _tc_mid(agg0, nd, ns, W1, b1, W2):
    blk = 1024
    grid = NPAD // blk
    return pl.pallas_call(
        _tc_mid_body,
        grid=(grid,),
        in_specs=[
            pl.BlockSpec((NC, blk, 64), lambda i: (0, i, 0)),
            pl.BlockSpec((blk, 1), lambda i: (i, 0)),
            pl.BlockSpec((blk, 1), lambda i: (i, 0)),
            pl.BlockSpec((128, 256), lambda i: (0, 0)),
            pl.BlockSpec((256,), lambda i: (0,)),
            pl.BlockSpec((256, 32), lambda i: (0, 0)),
        ],
        out_specs=pl.BlockSpec((blk, 32), lambda i: (i, 0)),
        out_shape=jax.ShapeDtypeStruct((NPAD, 32), jnp.float32),
    )(agg0, nd, ns, W1, b1, W2)


def _tc_final_body(a_ref, nd_ref, b2_ref, o_ref):
    agg = (a_ref[0] + a_ref[1]) * nd_ref[...]
    o_ref[...] = jax.nn.sigmoid(agg + b2_ref[...][None, :])


def _tc_final(agg1, nd, b2):
    blk = 1024
    grid = NPAD // blk
    return pl.pallas_call(
        _tc_final_body,
        grid=(grid,),
        in_specs=[
            pl.BlockSpec((NC, blk, 32), lambda i: (0, i, 0)),
            pl.BlockSpec((blk, 1), lambda i: (i, 0)),
            pl.BlockSpec((32,), lambda i: (0,)),
        ],
        out_specs=pl.BlockSpec((blk, 32), lambda i: (i, 0)),
        out_shape=jax.ShapeDtypeStruct((NPAD, 32), jnp.float32),
    )(agg1, nd, b2)


def kernel(x, edge_index, W1, b1, W2, b2):
    src = edge_index[0].astype(jnp.int32)
    dst = edge_index[1].astype(jnp.int32)
    src_w = src.reshape(NW, NB_W, BATCH)
    dst_w = dst.reshape(NW, NB_W, BATCH)
    src_s = src.reshape(NS, NB_S, BATCH)
    dst_s = dst.reshape(NS, NB_S, BATCH)
    e2 = jnp.stack([jnp.stack([src_s, dst_s], axis=2),
                    jnp.stack([src_s + NPAD, dst_s], axis=2)])

    ones8 = jnp.ones((BATCH, 8), jnp.float32)
    z8 = jnp.zeros((ROWS_PER_TILE, 8), jnp.float32)
    deg_o, deg_i = _sc_degrees(src_w, dst_w, ones8, z8)

    x_pad = jnp.pad(x, ((0, NPAD - N_NODES), (0, 0)))
    xs_pair, ns, nd = _tc_norms(deg_o, deg_i, x_pad)

    z64 = jnp.zeros((128, 64), jnp.float32)
    agg0 = _sc_agg_colsplit(e2, xs_pair.reshape(2 * NPAD, 64), z64)

    t = _tc_mid(agg0, nd, ns, W1, b1, W2)

    z32 = jnp.zeros((128, 32), jnp.float32)
    agg1 = _sc_agg32(src_w, dst_w, t, z32)

    out = _tc_final(agg1, nd, b2)
    return out[:N_NODES]

# --- scband reference (transcript-rebuilt; emitter-appended) ---
"""Pipeline reference for scband-gcn-dev-38938173505667 (READ-ONLY COPY).

The authoritative reference and input builder live on the scoring server;
editing this copy changes nothing except your own understanding.
"""

import jax, jax.numpy as jnp
import numpy as np

N_NODES = 10000
N_EDGES = 320000
IN_FEATS = 128
HIDDEN = 256
NUM_CLASSES = 32


def setup_inputs(seed: int = 0) -> dict:
    key = jax.random.key(seed)
    k1, k2, k3, k4, k5, k6 = jax.random.split(key, 6)
    x = jax.random.normal(k1, (N_NODES, IN_FEATS), dtype=jnp.float32)
    edge_index = jax.random.randint(k2, (2, N_EDGES), 0, N_NODES, dtype=jnp.int64)
    # GraphConv layer 0: in_feats -> hidden; GraphConv layer 1: hidden -> num_classes
    W1 = jax.random.normal(k3, (IN_FEATS, HIDDEN), dtype=jnp.float32) * (1.0 / np.sqrt(IN_FEATS))
    b1 = jnp.zeros((HIDDEN,), dtype=jnp.float32)
    W2 = jax.random.normal(k4, (HIDDEN, NUM_CLASSES), dtype=jnp.float32) * (1.0 / np.sqrt(HIDDEN))
    b2 = jnp.zeros((NUM_CLASSES,), dtype=jnp.float32)
    return {"x": x, "edge_index": edge_index, "W1": W1, "b1": b1, "W2": W2, "b2": b2}


def _graph_conv(h, src, dst, norm_src, norm_dst, W, b, n_nodes):
    # DGL GraphConv with norm='both': h' = D_in^{-1/2} A D_out^{-1/2} h W + b
    h = h * norm_src[:, None]
    msgs = jnp.take(h, src, axis=0)              # gather (SparseCore)
    agg = jax.ops.segment_sum(msgs, dst, num_segments=n_nodes)  # scatter-add
    agg = agg * norm_dst[:, None]
    return agg @ W + b


def reference(x, edge_index, W1, b1, W2, b2):
    src = edge_index[0]
    dst = edge_index[1]
    n = x.shape[0]
    ones = jnp.ones((src.shape[0],), dtype=jnp.float32)
    deg_out = jax.ops.segment_sum(ones, src, num_segments=n)
    deg_in = jax.ops.segment_sum(ones, dst, num_segments=n)
    norm_src = jnp.power(jnp.clip(deg_out, 1.0), -0.5)
    norm_dst = jnp.power(jnp.clip(deg_in, 1.0), -0.5)
    # layer 0: GraphConv -> relu -> dropout (identity in deterministic reference)
    h = _graph_conv(x, src, dst, norm_src, norm_dst, W1, b1, n)
    h = jax.nn.relu(h)
    # layer 1 (output): GraphConv -> sigmoid
    h = _graph_conv(h, src, dst, norm_src, norm_dst, W2, b2, n)
    h = jax.nn.sigmoid(h)
    return h

if __name__ == "__main__":
    import jax
    _d = setup_inputs()
    print(jax.jit(kernel)(*tuple(_d.values())))

</pallas_src>

<mosaic_0001>
#map = affine_map<(d0, d1) -> (0, 0, 0)>
#map1 = affine_map<(d0, d1) -> (0, 0)>
module attributes {stable_mosaic.version = 14 : i64} {
  func.func @_sc_degrees(%arg0: i32, %arg1: i32, %arg2: memref<32x125x80xi32, #tpu.memory_space<hbm>>, %arg3: memref<32x125x80xi32, #tpu.memory_space<hbm>>, %arg4: memref<80x8xf32, #tpu.memory_space<hbm>>, %arg5: memref<640x8xf32, #tpu.memory_space<hbm>>, %arg6: memref<2x10240x8xf32, #tpu.memory_space<hbm>>, %arg7: memref<2x10240x8xf32, #tpu.memory_space<hbm>>, %arg8: memref<125x80xi32, #tpu.memory_space<vmem>>, %arg9: memref<125x80xi32, #tpu.memory_space<vmem>>, %arg10: memref<80x8xf32, #tpu.memory_space<vmem>>, %arg11: memref<10240x8xf32, #tpu.memory_space<vmem_shared>>, %arg12: memref<10240x8xf32, #tpu.memory_space<vmem_shared>>, %arg13: memref<!tpu.dma_semaphore, #tpu.memory_space<semaphore_mem>>, %arg14: memref<!tpu.dma_semaphore, #tpu.memory_space<semaphore_mem>>, %arg15: memref<!tpu.dma_semaphore, #tpu.memory_space<semaphore_mem>>, %arg16: memref<!tpu.dma_semaphore, #tpu.memory_space<semaphore_mem>>, %arg17: memref<!tpu.dma_semaphore, #tpu.memory_space<semaphore_mem>>, %arg18: memref<!tpu.dma_semaphore, #tpu.memory_space<semaphore_mem>>, %arg19: memref<!tpu.dma_semaphore, #tpu.memory_space<semaphore_mem>>, %arg20: memref<!tpu.dma_semaphore, #tpu.memory_space<semaphore_mem>>, %arg21: memref<!tpu.dma_semaphore, #tpu.memory_space<semaphore_mem>>, %arg22: memref<!tpu.dma_semaphore, #tpu.memory_space<semaphore_mem>>) attributes {dimension_semantics = [#tpu.dimension_semantics<core_parallel>, #tpu.dimension_semantics<subcore_parallel>], iteration_bounds = array<i64: 2, 16>, scalar_prefetch = 0 : i64, scratch_operands = 15 : i64, tpu.core_type = #tpu.core_type<sc_vector_subcore>, window_params = [{transform_indices = #map}, {transform_indices = #map}, {transform_indices = #map1}, {transform_indices = #map1}, {transform_indices = #map}, {transform_indices = #map}]} {
    %mul3A = arith.constant 16 : i32
    %mul3A_0 = arith.muli %arg0, %mul3A : i32
    %add3A = arith.addi %mul3A_0, %arg1 : i32
    %mul3A_1 = arith.constant 640 : i32
    %mul3A_2 = arith.muli %arg1, %mul3A_1 : i32
    "tpu.region"() ({
      %run_scoped3A = tpu.sem_alloc : memref<!tpu.dma_semaphore, #tpu.memory_space<semaphore_mem>>
      %dma_start3A = arith.constant 0 : i32
      %dma_start3A_9 = tpu.memref_slice %arg11[%mul3A_2, %dma_start3A] : memref<10240x8xf32, #tpu.memory_space<vmem_shared>> -> memref<640x8xf32, #tpu.memory_space<vmem_shared>>
      tpu.enqueue_dma source(%arg5 : memref<640x8xf32, #tpu.memory_space<hbm>>) target(%dma_start3A_9 : memref<640x8xf32, #tpu.memory_space<vmem_shared>>) target_semaphore(%run_scoped3A : memref<!tpu.dma_semaphore, #tpu.memory_space<semaphore_mem>>)
      %dma_wait3A = arith.constant 0 : i32
      %dma_wait3A_10 = tpu.memref_slice %arg11[%mul3A_2, %dma_wait3A] : memref<10240x8xf32, #tpu.memory_space<vmem_shared>> -> memref<640x8xf32, #tpu.memory_space<vmem_shared>>
      tpu.wait_dma2 semaphore(%run_scoped3A : memref<!tpu.dma_semaphore, #tpu.memory_space<semaphore_mem>>) src(%arg5 : memref<640x8xf32, #tpu.memory_space<hbm>>) dst(%dma_wait3A_10 : memref<640x8xf32, #tpu.memory_space<vmem_shared>>)
      tpu.yield
    }) : () -> ()
    "tpu.region"() ({
      %run_scoped3A = tpu.sem_alloc : memref<!tpu.dma_semaphore, #tpu.memory_space<semaphore_mem>>
      %dma_start3A = arith.constant 0 : i32
      %dma_start3A_9 = tpu.memref_slice %arg12[%mul3A_2, %dma_start3A] : memref<10240x8xf32, #tpu.memory_space<vmem_shared>> -> memref<640x8xf32, #tpu.memory_space<vmem_shared>>
      tpu.enqueue_dma source(%arg5 : memref<640x8xf32, #tpu.memory_space<hbm>>) target(%dma_start3A_9 : memref<640x8xf32, #tpu.memory_space<vmem_shared>>) target_semaphore(%run_scoped3A : memref<!tpu.dma_semaphore, #tpu.memory_space<semaphore_mem>>)
      %dma_wait3A = arith.constant 0 : i32
      %dma_wait3A_10 = tpu.memref_slice %arg12[%mul3A_2, %dma_wait3A] : memref<10240x8xf32, #tpu.memory_space<vmem_shared>> -> memref<640x8xf32, #tpu.memory_space<vmem_shared>>
      tpu.wait_dma2 semaphore(%run_scoped3A : memref<!tpu.dma_semaphore, #tpu.memory_space<semaphore_mem>>) src(%arg5 : memref<640x8xf32, #tpu.memory_space<hbm>>) dst(%dma_wait3A_10 : memref<640x8xf32, #tpu.memory_space<vmem_shared>>)
      tpu.yield
    }) : () -> ()
    "tpu.region"() ({
      %run_scoped3A = tpu.sem_alloc : memref<!tpu.dma_semaphore, #tpu.memory_space<semaphore_mem>>
      %dma_start3A = arith.constant 0 : i32
      %dma_start3A_9 = arith.constant 0 : i32
      %dma_start3A_10 = tpu.memref_slice %arg2[%add3A, %dma_start3A, %dma_start3A_9] : memref<32x125x80xi32, #tpu.memory_space<hbm>> -> memref<1x125x80xi32, #tpu.memory_space<hbm>>
      %dma_start3A_11 = tpu.memref_squeeze %dma_start3A_10 : memref<1x125x80xi32, #tpu.memory_space<hbm>> -> memref<125x80xi32, #tpu.memory_space<hbm>>
      %dma_start3A_12 = arith.constant 0 : i32
      %dma_start3A_13 = arith.constant 0 : i32
      %dma_start3A_14 = tpu.memref_slice %arg2[%add3A, %dma_start3A_12, %dma_start3A_13] : memref<32x125x80xi32, #tpu.memory_space<hbm>> -> memref<1x125x80xi32, #tpu.memory_space<hbm>>
      %dma_start3A_15 = tpu.memref_squeeze %dma_start3A_14 : memref<1x125x80xi32, #tpu.memory_space<hbm>> -> memref<125x80xi32, #tpu.memory_space<hbm>>
      tpu.enqueue_dma source(%dma_start3A_15 : memref<125x80xi32, #tpu.memory_space<hbm>>) target(%arg8 : memref<125x80xi32, #tpu.memory_space<vmem>>) target_semaphore(%run_scoped3A : memref<!tpu.dma_semaphore, #tpu.memory_space<semaphore_mem>>)
      %dma_wait3A = arith.constant 0 : i32
      %dma_wait3A_16 = arith.constant 0 : i32
      %dma_wait3A_17 = tpu.memref_slice %arg2[%add3A, %dma_wait3A, %dma_wait3A_16] : memref<32x125x80xi32, #tpu.memory_space<hbm>> -> memref<1x125x80xi32, #tpu.memory_space<hbm>>
      %dma_wait3A_18 = tpu.memref_squeeze %dma_wait3A_17 : memref<1x125x80xi32, #tpu.memory_space<hbm>> -> memref<125x80xi32, #tpu.memory_space<hbm>>
      %dma_wait3A_19 = arith.constant 0 : i32
      %dma_wait3A_20 = arith.constant 0 : i32
      %dma_wait3A_21 = tpu.memref_slice %arg2[%add3A, %dma_wait3A_19, %dma_wait3A_20] : memref<32x125x80xi32, #tpu.memory_space<hbm>> -> memref<1x125x80xi32, #tpu.memory_space<hbm>>
      %dma_wait3A_22 = tpu.memref_squeeze %dma_wait3A_21 : memref<1x125x80xi32, #tpu.memory_space<hbm>> -> memref<125x80xi32, #tpu.memory_space<hbm>>
      tpu.wait_dma2 semaphore(%run_scoped3A : memref<!tpu.dma_semaphore, #tpu.memory_space<semaphore_mem>>) src(%dma_wait3A_22 : memref<125x80xi32, #tpu.memory_space<hbm>>) dst(%arg8 : memref<125x80xi32, #tpu.memory_space<vmem>>)
      tpu.yield
    }) : () -> ()
    "tpu.region"() ({
      %run_scoped3A = tpu.sem_alloc : memref<!tpu.dma_semaphore, #tpu.memory_space<semaphore_mem>>
      %dma_start3A = arith.constant 0 : i32
      %dma_start3A_9 = arith.constant 0 : i32
      %dma_start3A_10 = tpu.memref_slice %arg3[%add3A, %dma_start3A, %dma_start3A_9] : memref<32x125x80xi32, #tpu.memory_space<hbm>> -> memref<1x125x80xi32, #tpu.memory_space<hbm>>
      %dma_start3A_11 = tpu.memref_squeeze %dma_start3A_10 : memref<1x125x80xi32, #tpu.memory_space<hbm>> -> memref<125x80xi32, #tpu.memory_space<hbm>>
      %dma_start3A_12 = arith.constant 0 : i32
      %dma_start3A_13 = arith.constant 0 : i32
      %dma_start3A_14 = tpu.memref_slice %arg3[%add3A, %dma_start3A_12, %dma_start3A_13] : memref<32x125x80xi32, #tpu.memory_space<hbm>> -> memref<1x125x80xi32, #tpu.memory_space<hbm>>
      %dma_start3A_15 = tpu.memref_squeeze %dma_start3A_14 : memref<1x125x80xi32, #tpu.memory_space<hbm>> -> memref<125x80xi32, #tpu.memory_space<hbm>>
      tpu.enqueue_dma source(%dma_start3A_15 : memref<125x80xi32, #tpu.memory_space<hbm>>) target(%arg9 : memref<125x80xi32, #tpu.memory_space<vmem>>) target_semaphore(%run_scoped3A : memref<!tpu.dma_semaphore, #tpu.memory_space<semaphore_mem>>)
      %dma_wait3A = arith.constant 0 : i32
      %dma_wait3A_16 = arith.constant 0 : i32
      %dma_wait3A_17 = tpu.memref_slice %arg3[%add3A, %dma_wait3A, %dma_wait3A_16] : memref<32x125x80xi32, #tpu.memory_space<hbm>> -> memref<1x125x80xi32, #tpu.memory_space<hbm>>
      %dma_wait3A_18 = tpu.memref_squeeze %dma_wait3A_17 : memref<1x125x80xi32, #tpu.memory_space<hbm>> -> memref<125x80xi32, #tpu.memory_space<hbm>>
      %dma_wait3A_19 = arith.constant 0 : i32
      %dma_wait3A_20 = arith.constant 0 : i32
      %dma_wait3A_21 = tpu.memref_slice %arg3[%add3A, %dma_wait3A_19, %dma_wait3A_20] : memref<32x125x80xi32, #tpu.memory_space<hbm>> -> memref<1x125x80xi32, #tpu.memory_space<hbm>>
      %dma_wait3A_22 = tpu.memref_squeeze %dma_wait3A_21 : memref<1x125x80xi32, #tpu.memory_space<hbm>> -> memref<125x80xi32, #tpu.memory_space<hbm>>
      tpu.wait_dma2 semaphore(%run_scoped3A : memref<!tpu.dma_semaphore, #tpu.memory_space<semaphore_mem>>) src(%dma_wait3A_22 : memref<125x80xi32, #tpu.memory_space<hbm>>) dst(%arg9 : memref<125x80xi32, #tpu.memory_space<vmem>>)
      tpu.yield
    }) : () -> ()
    "tpu.region"() ({
      %run_scoped3A = tpu.sem_alloc : memref<!tpu.dma_semaphore, #tpu.memory_space<semaphore_mem>>
      tpu.enqueue_dma source(%arg4 : memref<80x8xf32, #tpu.memory_space<hbm>>) target(%arg10 : memref<80x8xf32, #tpu.memory_space<vmem>>) target_semaphore(%run_scoped3A : memref<!tpu.dma_semaphore, #tpu.memory_space<semaphore_mem>>)
      tpu.wait_dma2 semaphore(%run_scoped3A : memref<!tpu.dma_semaphore, #tpu.memory_space<semaphore_mem>>) src(%arg4 : memref<80x8xf32, #tpu.memory_space<hbm>>) dst(%arg10 : memref<80x8xf32, #tpu.memory_space<vmem>>)
      tpu.yield
    }) : () -> ()
    %barrier3A = arith.constant 0 : index
    tpu.barrier barrier_id(%barrier3A)
    %scan3A = arith.constant 0 : i32
    %scan3A_3 = arith.constant 0 : i32
    %scan3A_4 = arith.constant 25 : i32
    %scan3A_5 = arith.addi %scan3A_3, %scan3A_4 : i32
    %scan3A_6 = arith.constant 1 : i32
    scf.for %scan3A_9 = %scan3A_3 to %scan3A_5 step %scan3A_6  : i32 {
      %mul3A_10 = arith.constant 5 : i32
      %mul3A_11 = arith.muli %scan3A_9, %mul3A_10 : i32
      %add3A_12 = arith.constant 0 : i32
      %add3A_13 = arith.addi %mul3A_11, %add3A_12 : i32
      %dma_start3A = arith.constant 0 : i32
      %dma_start3A_14 = tpu.memref_slice %arg8[%add3A_13, %dma_start3A] : memref<125x80xi32, #tpu.memory_space<vmem>> -> memref<1x80xi32, #tpu.memory_space<vmem>>
      %dma_start3A_15 = tpu.memref_squeeze %dma_start3A_14 : memref<1x80xi32, #tpu.memory_space<vmem>> -> memref<80xi32, #tpu.memory_space<vmem>>
      %dma_start3A_16 = arith.constant 0 : i32
      %dma_start3A_17 = arith.constant 0 : i32
      %dma_start3A_18 = tpu.memref_slice %arg11[%dma_start3A_16, %dma_start3A_17] : memref<10240x8xf32, #tpu.memory_space<vmem_shared>> -> memref<10240x8xf32, #tpu.memory_space<vmem_shared>>
      tpu.enqueue_indirect_dma source(%arg10 : memref<80x8xf32, #tpu.memory_space<vmem>>) target(%dma_start3A_18 : memref<10240x8xf32, #tpu.memory_space<vmem_shared>>) offsets(%dma_start3A_15 : memref<80xi32, #tpu.memory_space<vmem>>) semaphore(%arg13 : memref<!tpu.dma_semaphore, #tpu.memory_space<semaphore_mem>>) {add = true}
      %dma_start3A_19 = arith.constant 0 : i32
      %dma_start3A_20 = tpu.memref_slice %arg9[%add3A_13, %dma_start3A_19] : memref<125x80xi32, #tpu.memory_space<vmem>> -> memref<1x80xi32, #tpu.memory_space<vmem>>
      %dma_start3A_21 = tpu.memref_squeeze %dma_start3A_20 : memref<1x80xi32, #tpu.memory_space<vmem>> -> memref<80xi32, #tpu.memory_space<vmem>>
      %dma_start3A_22 = arith.constant 0 : i32
      %dma_start3A_23 = arith.constant 0 : i32
      %dma_start3A_24 = tpu.memref_slice %arg12[%dma_start3A_22, %dma_start3A_23] : memref<10240x8xf32, #tpu.memory_space<vmem_shared>> -> memref<10240x8xf32, #tpu.memory_space<vmem_shared>>
      tpu.enqueue_indirect_dma source(%arg10 : memref<80x8xf32, #tpu.memory_space<vmem>>) target(%dma_start3A_24 : memref<10240x8xf32, #tpu.memory_space<vmem_shared>>) offsets(%dma_start3A_21 : memref<80xi32, #tpu.memory_space<vmem>>) semaphore(%arg18 : memref<!tpu.dma_semaphore, #tpu.memory_space<semaphore_mem>>) {add = true}
      %mul3A_25 = arith.constant 5 : i32
      %mul3A_26 = arith.muli %scan3A_9, %mul3A_25 : i32
      %add3A_27 = arith.constant 1 : i32
      %add3A_28 = arith.addi %mul3A_26, %add3A_27 : i32
      %dma_start3A_29 = arith.constant 0 : i32
      %dma_start3A_30 = tpu.memref_slice %arg8[%add3A_28, %dma_start3A_29] : memref<125x80xi32, #tpu.memory_space<vmem>> -> memref<1x80xi32, #tpu.memory_space<vmem>>
      %dma_start3A_31 = tpu.memref_squeeze %dma_start3A_30 : memref<1x80xi32, #tpu.memory_space<vmem>> -> memref<80xi32, #tpu.memory_space<vmem>>
      %dma_start3A_32 = arith.constant 0 : i32
      %dma_start3A_33 = arith.constant 0 : i32
      %dma_start3A_34 = tpu.memref_slice %arg11[%dma_start3A_32, %dma_start3A_33] : memref<10240x8xf32, #tpu.memory_space<vmem_shared>> -> memref<10240x8xf32, #tpu.memory_space<vmem_shared>>
      tpu.enqueue_indirect_dma source(%arg10 : memref<80x8xf32, #tpu.memory_space<vmem>>) target(%dma_start3A_34 : memref<10240x8xf32, #tpu.memory_space<vmem_shared>>) offsets(%dma_start3A_31 : memref<80xi32, #tpu.memory_space<vmem>>) semaphore(%arg14 : memref<!tpu.dma_semaphore, #tpu.memory_space<semaphore_mem>>) {add = true}
      %dma_start3A_35 = arith.constant 0 : i32
      %dma_start3A_36 = tpu.memref_slice %arg9[%add3A_28, %dma_start3A_35] : memref<125x80xi32, #tpu.memory_space<vmem>> -> memref<1x80xi32, #tpu.memory_space<vmem>>
      %dma_start3A_37 = tpu.memref_squeeze %dma_start3A_36 : memref<1x80xi32, #tpu.memory_space<vmem>> -> memref<80xi32, #tpu.memory_space<vmem>>
      %dma_start3A_38 = arith.constant 0 : i32
      %dma_start3A_39 = arith.constant 0 : i32
      %dma_start3A_40 = tpu.memref_slice %arg12[%dma_start3A_38, %dma_start3A_39] : memref<10240x8xf32, #tpu.memory_space<vmem_shared>> -> memref<10240x8xf32, #tpu.memory_space<vmem_shared>>
      tpu.enqueue_indirect_dma source(%arg10 : memref<80x8xf32, #tpu.memory_space<vmem>>) target(%dma_start3A_40 : memref<10240x8xf32, #tpu.memory_space<vmem_shared>>) offsets(%dma_start3A_37 : memref<80xi32, #tpu.memory_space<vmem>>) semaphore(%arg19 : memref<!tpu.dma_semaphore, #tpu.memory_space<semaphore_mem>>) {add = true}
      %mul3A_41 = arith.constant 5 : i32
      %mul3A_42 = arith.muli %scan3A_9, %mul3A_41 : i32
      %add3A_43 = arith.constant 2 : i32
      %add3A_44 = arith.addi %mul3A_42, %add3A_43 : i32
      %dma_start3A_45 = arith.constant 0 : i32
      %dma_start3A_46 = tpu.memref_slice %arg8[%add3A_44, %dma_start3A_45] : memref<125x80xi32, #tpu.memory_space<vmem>> -> memref<1x80xi32, #tpu.memory_space<vmem>>
      %dma_start3A_47 = tpu.memref_squeeze %dma_start3A_46 : memref<1x80xi32, #tpu.memory_space<vmem>> -> memref<80xi32, #tpu.memory_space<vmem>>
      %dma_start3A_48 = arith.constant 0 : i32
      %dma_start3A_49 = arith.constant 0 : i32
      %dma_start3A_50 = tpu.memref_slice %arg11[%dma_start3A_48, %dma_start3A_49] : memref<10240x8xf32, #tpu.memory_space<vmem_shared>> -> memref<10240x8xf32, #tpu.memory_space<vmem_shared>>
      tpu.enqueue_indirect_dma source(%arg10 : memref<80x8xf32, #tpu.memory_space<vmem>>) target(%dma_start3A_50 : memref<10240x8xf32, #tpu.memory_space<vmem_shared>>) offsets(%dma_start3A_47 : memref<80xi32, #tpu.memory_space<vmem>>) semaphore(%arg15 : memref<!tpu.dma_semaphore, #tpu.memory_space<semaphore_mem>>) {add = true}
      %dma_start3A_51 = arith.constant 0 : i32
      %dma_start3A_52 = tpu.memref_slice %arg9[%add3A_44, %dma_start3A_51] : memref<125x80xi32, #tpu.memory_space<vmem>> -> memref<1x80xi32, #tpu.memory_space<vmem>>
      %dma_start3A_53 = tpu.memref_squeeze %dma_start3A_52 : memref<1x80xi32, #tpu.memory_space<vmem>> -> memref<80xi32, #tpu.memory_space<vmem>>
      %dma_start3A_54 = arith.constant 0 : i32
      %dma_start3A_55 = arith.constant 0 : i32
      %dma_start3A_56 = tpu.memref_slice %arg12[%dma_start3A_54, %dma_start3A_55] : memref<10240x8xf32, #tpu.memory_space<vmem_shared>> -> memref<10240x8xf32, #tpu.memory_space<vmem_shared>>
      tpu.enqueue_indirect_dma source(%arg10 : memref<80x8xf32, #tpu.memory_space<vmem>>) target(%dma_start3A_56 : memref<10240x8xf32, #tpu.memory_space<vmem_shared>>) offsets(%dma_start3A_53 : memref<80xi32, #tpu.memory_space<vmem>>) semaphore(%arg20 : memref<!tpu.dma_semaphore, #tpu.memory_space<semaphore_mem>>) {add = true}
      %mul3A_57 = arith.constant 5 : i32
      %mul3A_58 = arith.muli %scan3A_9, %mul3A_57 : i32
      %add3A_59 = arith.constant 3 : i32
      %add3A_60 = arith.addi %mul3A_58, %add3A_59 : i32
      %dma_start3A_61 = arith.constant 0 : i32
      %dma_start3A_62 = tpu.memref_slice %arg8[%add3A_60, %dma_start3A_61] : memref<125x80xi32, #tpu.memory_space<vmem>> -> memref<1x80xi32, #tpu.memory_space<vmem>>
      %dma_start3A_63 = tpu.memref_squeeze %dma_start3A_62 : memref<1x80xi32, #tpu.memory_space<vmem>> -> memref<80xi32, #tpu.memory_space<vmem>>
      %dma_start3A_64 = arith.constant 0 : i32
      %dma_start3A_65 = arith.constant 0 : i32
      %dma_start3A_66 = tpu.memref_slice %arg11[%dma_start3A_64, %dma_start3A_65] : memref<10240x8xf32, #tpu.memory_space<vmem_shared>> -> memref<10240x8xf32, #tpu.memory_space<vmem_shared>>
      tpu.enqueue_indirect_dma source(%arg10 : memref<80x8xf32, #tpu.memory_space<vmem>>) target(%dma_start3A_66 : memref<10240x8xf32, #tpu.memory_space<vmem_shared>>) offsets(%dma_start3A_63 : memref<80xi32, #tpu.memory_space<vmem>>) semaphore(%arg16 : memref<!tpu.dma_semaphore, #tpu.memory_space<semaphore_mem>>) {add = true}
      %dma_start3A_67 = arith.constant 0 : i32
      %dma_start3A_68 = tpu.memref_slice %arg9[%add3A_60, %dma_start3A_67] : memref<125x80xi32, #tpu.memory_space<vmem>> -> memref<1x80xi32, #tpu.memory_space<vmem>>
      %dma_start3A_69 = tpu.memref_squeeze %dma_start3A_68 : memref<1x80xi32, #tpu.memory_space<vmem>> -> memref<80xi32, #tpu.memory_space<vmem>>
      %dma_start3A_70 = arith.constant 0 : i32
      %dma_start3A_71 = arith.constant 0 : i32
      %dma_start3A_72 = tpu.memref_slice %arg12[%dma_start3A_70, %dma_start3A_71] : memref<10240x8xf32, #tpu.memory_space<vmem_shared>> -> memref<10240x8xf32, #tpu.memory_space<vmem_shared>>
      tpu.enqueue_indirect_dma source(%arg10 : memref<80x8xf32, #tpu.memory_space<vmem>>) target(%dma_start3A_72 : memref<10240x8xf32, #tpu.memory_space<vmem_shared>>) offsets(%dma_start3A_69 : memref<80xi32, #tpu.memory_space<vmem>>) semaphore(%arg21 : memref<!tpu.dma_semaphore, #tpu.memory_space<semaphore_mem>>) {add = true}
      %mul3A_73 = arith.constant 5 : i32
      %mul3A_74 = arith.muli %scan3A_9, %mul3A_73 : i32
      %add3A_75 = arith.constant 4 : i32
      %add3A_76 = arith.addi %mul3A_74, %add3A_75 : i32
      %dma_start3A_77 = arith.constant 0 : i32
      %dma_start3A_78 = tpu.memref_slice %arg8[%add3A_76, %dma_start3A_77] : memref<125x80xi32, #tpu.memory_space<vmem>> -> memref<1x80xi32, #tpu.memory_space<vmem>>
      %dma_start3A_79 = tpu.memref_squeeze %dma_start3A_78 : memref<1x80xi32, #tpu.memory_space<vmem>> -> memref<80xi32, #tpu.memory_space<vmem>>
      %dma_start3A_80 = arith.constant 0 : i32
      %dma_start3A_81 = arith.constant 0 : i32
      %dma_start3A_82 = tpu.memref_slice %arg11[%dma_start3A_80, %dma_start3A_81] : memref<10240x8xf32, #tpu.memory_space<vmem_shared>> -> memref<10240x8xf32, #tpu.memory_space<vmem_shared>>
      tpu.enqueue_indirect_dma source(%arg10 : memref<80x8xf32, #tpu.memory_space<vmem>>) target(%dma_start3A_82 : memref<10240x8xf32, #tpu.memory_space<vmem_shared>>) offsets(%dma_start3A_79 : memref<80xi32, #tpu.memory_space<vmem>>) semaphore(%arg17 : memref<!tpu.dma_semaphore, #tpu.memory_space<semaphore_mem>>) {add = true}
      %dma_start3A_83 = arith.constant 0 : i32
      %dma_start3A_84 = tpu.memref_slice %arg9[%add3A_76, %dma_start3A_83] : memref<125x80xi32, #tpu.memory_space<vmem>> -> memref<1x80xi32, #tpu.memory_space<vmem>>
      %dma_start3A_85 = tpu.memref_squeeze %dma_start3A_84 : memref<1x80xi32, #tpu.memory_space<vmem>> -> memref<80xi32, #tpu.memory_space<vmem>>
      %dma_start3A_86 = arith.constant 0 : i32
      %dma_start3A_87 = arith.constant 0 : i32
      %dma_start3A_88 = tpu.memref_slice %arg12[%dma_start3A_86, %dma_start3A_87] : memref<10240x8xf32, #tpu.memory_space<vmem_shared>> -> memref<10240x8xf32, #tpu.memory_space<vmem_shared>>
      tpu.enqueue_indirect_dma source(%arg10 : memref<80x8xf32, #tpu.memory_space<vmem>>) target(%dma_start3A_88 : memref<10240x8xf32, #tpu.memory_space<vmem_shared>>) offsets(%dma_start3A_85 : memref<80xi32, #tpu.memory_space<vmem>>) semaphore(%arg22 : memref<!tpu.dma_semaphore, #tpu.memory_space<semaphore_mem>>) {add = true}
      %dma_wait3A = arith.constant 0 : i32
      %dma_wait3A_89 = tpu.memref_slice %arg8[%add3A_13, %dma_wait3A] : memref<125x80xi32, #tpu.memory_space<vmem>> -> memref<1x80xi32, #tpu.memory_space<vmem>>
      %dma_wait3A_90 = tpu.memref_squeeze %dma_wait3A_89 : memref<1x80xi32, #tpu.memory_space<vmem>> -> memref<80xi32, #tpu.memory_space<vmem>>
      %dma_wait3A_91 = arith.constant 0 : i32
      %dma_wait3A_92 = arith.constant 0 : i32
      %dma_wait3A_93 = tpu.memref_slice %arg11[%dma_wait3A_91, %dma_wait3A_92] : memref<10240x8xf32, #tpu.memory_space<vmem_shared>> -> memref<10240x8xf32, #tpu.memory_space<vmem_shared>>
      tpu.wait_indirect_dma semaphore(%arg13 : memref<!tpu.dma_semaphore, #tpu.memory_space<semaphore_mem>>) src(%arg10 : memref<80x8xf32, #tpu.memory_space<vmem>>) dst(%dma_wait3A_93 : memref<10240x8xf32, #tpu.memory_space<vmem_shared>>)
      %dma_wait3A_94 = arith.constant 0 : i32
      %dma_wait3A_95 = tpu.memref_slice %arg9[%add3A_13, %dma_wait3A_94] : memref<125x80xi32, #tpu.memory_space<vmem>> -> memref<1x80xi32, #tpu.memory_space<vmem>>
      %dma_wait3A_96 = tpu.memref_squeeze %dma_wait3A_95 : memref<1x80xi32, #tpu.memory_space<vmem>> -> memref<80xi32, #tpu.memory_space<vmem>>
      %dma_wait3A_97 = arith.constant 0 : i32
      %dma_wait3A_98 = arith.constant 0 : i32
      %dma_wait3A_99 = tpu.memref_slice %arg12[%dma_wait3A_97, %dma_wait3A_98] : memref<10240x8xf32, #tpu.memory_space<vmem_shared>> -> memref<10240x8xf32, #tpu.memory_space<vmem_shared>>
      tpu.wait_indirect_dma semaphore(%arg18 : memref<!tpu.dma_semaphore, #tpu.memory_space<semaphore_mem>>) src(%arg10 : memref<80x8xf32, #tpu.memory_space<vmem>>) dst(%dma_wait3A_99 : memref<10240x8xf32, #tpu.memory_space<vmem_shared>>)
      %dma_wait3A_100 = arith.constant 0 : i32
      %dma_wait3A_101 = tpu.memref_slice %arg8[%add3A_28, %dma_wait3A_100] : memref<125x80xi32, #tpu.memory_space<vmem>> -> memref<1x80xi32, #tpu.memory_space<vmem>>
      %dma_wait3A_102 = tpu.memref_squeeze %dma_wait3A_101 : memref<1x80xi32, #tpu.memory_space<vmem>> -> memref<80xi32, #tpu.memory_space<vmem>>
      %dma_wait3A_103 = arith.constant 0 : i32
      %dma_wait3A_104 = arith.constant 0 : i32
      %dma_wait3A_105 = tpu.memref_slice %arg11[%dma_wait3A_103, %dma_wait3A_104] : memref<10240x8xf32, #tpu.memory_space<vmem_shared>> -> memref<10240x8xf32, #tpu.memory_space<vmem_shared>>
      tpu.wait_indirect_dma semaphore(%arg14 : memref<!tpu.dma_semaphore, #tpu.memory_space<semaphore_mem>>) src(%arg10 : memref<80x8xf32, #tpu.memory_space<vmem>>) dst(%dma_wait3A_105 : memref<10240x8xf32, #tpu.memory_space<vmem_shared>>)
      %dma_wait3A_106 = arith.constant 0 : i32
      %dma_wait3A_107 = tpu.memref_slice %arg9[%add3A_28, %dma_wait3A_106] : memref<125x80xi32, #tpu.memory_space<vmem>> -> memref<1x80xi32, #tpu.memory_space<vmem>>
      %dma_wait3A_108 = tpu.memref_squeeze %dma_wait3A_107 : memref<1x80xi32, #tpu.memory_space<vmem>> -> memref<80xi32, #tpu.memory_space<vmem>>
      %dma_wait3A_109 = arith.constant 0 : i32
      %dma_wait3A_110 = arith.constant 0 : i32
      %dma_wait3A_111 = tpu.memref_slice %arg12[%dma_wait3A_109, %dma_wait3A_110] : memref<10240x8xf32, #tpu.memory_space<vmem_shared>> -> memref<10240x8xf32, #tpu.memory_space<vmem_shared>>
      tpu.wait_indirect_dma semaphore(%arg19 : memref<!tpu.dma_semaphore, #tpu.memory_space<semaphore_mem>>) src(%arg10 : memref<80x8xf32, #tpu.memory_space<vmem>>) dst(%dma_wait3A_111 : memref<10240x8xf32, #tpu.memory_space<vmem_shared>>)
      %dma_wait3A_112 = arith.constant 0 : i32
      %dma_wait3A_113 = tpu.memref_slice %arg8[%add3A_44, %dma_wait3A_112] : memref<125x80xi32, #tpu.memory_space<vmem>> -> memref<1x80xi32, #tpu.memory_space<vmem>>
      %dma_wait3A_114 = tpu.memref_squeeze %dma_wait3A_113 : memref<1x80xi32, #tpu.memory_space<vmem>> -> memref<80xi32, #tpu.memory_space<vmem>>
      %dma_wait3A_115 = arith.constant 0 : i32
      %dma_wait3A_116 = arith.constant 0 : i32
      %dma_wait3A_117 = tpu.memref_slice %arg11[%dma_wait3A_115, %dma_wait3A_116] : memref<10240x8xf32, #tpu.memory_space<vmem_shared>> -> memref<10240x8xf32, #tpu.memory_space<vmem_shared>>
      tpu.wait_indirect_dma semaphore(%arg15 : memref<!tpu.dma_semaphore, #tpu.memory_space<semaphore_mem>>) src(%arg10 : memref<80x8xf32, #tpu.memory_space<vmem>>) dst(%dma_wait3A_117 : memref<10240x8xf32, #tpu.memory_space<vmem_shared>>)
      %dma_wait3A_118 = arith.constant 0 : i32
      %dma_wait3A_119 = tpu.memref_slice %arg9[%add3A_44, %dma_wait3A_118] : memref<125x80xi32, #tpu.memory_space<vmem>> -> memref<1x80xi32, #tpu.memory_space<vmem>>
      %dma_wait3A_120 = tpu.memref_squeeze %dma_wait3A_119 : memref<1x80xi32, #tpu.memory_space<vmem>> -> memref<80xi32, #tpu.memory_space<vmem>>
      %dma_wait3A_121 = arith.constant 0 : i32
      %dma_wait3A_122 = arith.constant 0 : i32
      %dma_wait3A_123 = tpu.memref_slice %arg12[%dma_wait3A_121, %dma_wait3A_122] : memref<10240x8xf32, #tpu.memory_space<vmem_shared>> -> memref<10240x8xf32, #tpu.memory_space<vmem_shared>>
      tpu.wait_indirect_dma semaphore(%arg20 : memref<!tpu.dma_semaphore, #tpu.memory_space<semaphore_mem>>) src(%arg10 : memref<80x8xf32, #tpu.memory_space<vmem>>) dst(%dma_wait3A_123 : memref<10240x8xf32, #tpu.memory_space<vmem_shared>>)
      %dma_wait3A_124 = arith.constant 0 : i32
      %dma_wait3A_125 = tpu.memref_slice %arg8[%add3A_60, %dma_wait3A_124] : memref<125x80xi32, #tpu.memory_space<vmem>> -> memref<1x80xi32, #tpu.memory_space<vmem>>
      %dma_wait3A_126 = tpu.memref_squeeze %dma_wait3A_125 : memref<1x80xi32, #tpu.memory_space<vmem>> -> memref<80xi32, #tpu.memory_space<vmem>>
      %dma_wait3A_127 = arith.constant 0 : i32
      %dma_wait3A_128 = arith.constant 0 : i32
      %dma_wait3A_129 = tpu.memref_slice %arg11[%dma_wait3A_127, %dma_wait3A_128] : memref<10240x8xf32, #tpu.memory_space<vmem_shared>> -> memref<10240x8xf32, #tpu.memory_space<vmem_shared>>
      tpu.wait_indirect_dma semaphore(%arg16 : memref<!tpu.dma_semaphore, #tpu.memory_space<semaphore_mem>>) src(%arg10 : memref<80x8xf32, #tpu.memory_space<vmem>>) dst(%dma_wait3A_129 : memref<10240x8xf32, #tpu.memory_space<vmem_shared>>)
      %dma_wait3A_130 = arith.constant 0 : i32
      %dma_wait3A_131 = tpu.memref_slice %arg9[%add3A_60, %dma_wait3A_130] : memref<125x80xi32, #tpu.memory_space<vmem>> -> memref<1x80xi32, #tpu.memory_space<vmem>>
      %dma_wait3A_132 = tpu.memref_squeeze %dma_wait3A_131 : memref<1x80xi32, #tpu.memory_space<vmem>> -> memref<80xi32, #tpu.memory_space<vmem>>
      %dma_wait3A_133 = arith.constant 0 : i32
      %dma_wait3A_134 = arith.constant 0 : i32
      %dma_wait3A_135 = tpu.memref_slice %arg12[%dma_wait3A_133, %dma_wait3A_134] : memref<10240x8xf32, #tpu.memory_space<vmem_shared>> -> memref<10240x8xf32, #tpu.memory_space<vmem_shared>>
      tpu.wait_indirect_dma semaphore(%arg21 : memref<!tpu.dma_semaphore, #tpu.memory_space<semaphore_mem>>) src(%arg10 : memref<80x8xf32, #tpu.memory_space<vmem>>) dst(%dma_wait3A_135 : memref<10240x8xf32, #tpu.memory_space<vmem_shared>>)
      %dma_wait3A_136 = arith.constant 0 : i32
      %dma_wait3A_137 = tpu.memref_slice %arg8[%add3A_76, %dma_wait3A_136] : memref<125x80xi32, #tpu.memory_space<vmem>> -> memref<1x80xi32, #tpu.memory_space<vmem>>
      %dma_wait3A_138 = tpu.memref_squeeze %dma_wait3A_137 : memref<1x80xi32, #tpu.memory_space<vmem>> -> memref<80xi32, #tpu.memory_space<vmem>>
      %dma_wait3A_139 = arith.constant 0 : i32
      %dma_wait3A_140 = arith.constant 0 : i32
      %dma_wait3A_141 = tpu.memref_slice %arg11[%dma_wait3A_139, %dma_wait3A_140] : memref<10240x8xf32, #tpu.memory_space<vmem_shared>> -> memref<10240x8xf32, #tpu.memory_space<vmem_shared>>
      tpu.wait_indirect_dma semaphore(%arg17 : memref<!tpu.dma_semaphore, #tpu.memory_space<semaphore_mem>>) src(%arg10 : memref<80x8xf32, #tpu.memory_space<vmem>>) dst(%dma_wait3A_141 : memref<10240x8xf32, #tpu.memory_space<vmem_shared>>)
      %dma_wait3A_142 = arith.constant 0 : i32
      %dma_wait3A_143 = tpu.memref_slice %arg9[%add3A_76, %dma_wait3A_142] : memref<125x80xi32, #tpu.memory_space<vmem>> -> memref<1x80xi32, #tpu.memory_space<vmem>>
      %dma_wait3A_144 = tpu.memref_squeeze %dma_wait3A_143 : memref<1x80xi32, #tpu.memory_space<vmem>> -> memref<80xi32, #tpu.memory_space<vmem>>
      %dma_wait3A_145 = arith.constant 0 : i32
      %dma_wait3A_146 = arith.constant 0 : i32
      %dma_wait3A_147 = tpu.memref_slice %arg12[%dma_wait3A_145, %dma_wait3A_146] : memref<10240x8xf32, #tpu.memory_space<vmem_shared>> -> memref<10240x8xf32, #tpu.memory_space<vmem_shared>>
      tpu.wait_indirect_dma semaphore(%arg22 : memref<!tpu.dma_semaphore, #tpu.memory_space<semaphore_mem>>) src(%arg10 : memref<80x8xf32, #tpu.memory_space<vmem>>) dst(%dma_wait3A_147 : memref<10240x8xf32, #tpu.memory_space<vmem_shared>>)
    }
    %scan3A_7 = arith.constant 25 : i32
    %barrier3A_8 = arith.constant 0 : index
    tpu.barrier barrier_id(%barrier3A_8)
    "tpu.region"() ({
      %run_scoped3A = tpu.sem_alloc : memref<!tpu.dma_semaphore, #tpu.memory_space<semaphore_mem>>
      %dma_start3A = arith.constant 0 : i32
      %dma_start3A_9 = tpu.memref_slice %arg6[%arg0, %mul3A_2, %dma_start3A] : memref<2x10240x8xf32, #tpu.memory_space<hbm>> -> memref<1x640x8xf32, #tpu.memory_space<hbm>>
      %dma_start3A_10 = tpu.memref_squeeze %dma_start3A_9 : memref<1x640x8xf32, #tpu.memory_space<hbm>> -> memref<640x8xf32, #tpu.memory_space<hbm>>
      %dma_start3A_11 = arith.constant 0 : i32
      %dma_start3A_12 = tpu.memref_slice %arg11[%mul3A_2, %dma_start3A_11] : memref<10240x8xf32, #tpu.memory_space<vmem_shared>> -> memref<640x8xf32, #tpu.memory_space<vmem_shared>>
      tpu.enqueue_dma source(%dma_start3A_12 : memref<640x8xf32, #tpu.memory_space<vmem_shared>>) target(%dma_start3A_10 : memref<640x8xf32, #tpu.memory_space<hbm>>) target_semaphore(%run_scoped3A : memref<!tpu.dma_semaphore, #tpu.memory_space<semaphore_mem>>)
      %dma_wait3A = arith.constant 0 : i32
      %dma_wait3A_13 = tpu.memref_slice %arg6[%arg0, %mul3A_2, %dma_wait3A] : memref<2x10240x8xf32, #tpu.memory_space<hbm>> -> memref<1x640x8xf32, #tpu.memory_space<hbm>>
      %dma_wait3A_14 = tpu.memref_squeeze %dma_wait3A_13 : memref<1x640x8xf32, #tpu.memory_space<hbm>> -> memref<640x8xf32, #tpu.memory_space<hbm>>
      %dma_wait3A_15 = arith.constant 0 : i32
      %dma_wait3A_16 = tpu.memref_slice %arg11[%mul3A_2, %dma_wait3A_15] : memref<10240x8xf32, #tpu.memory_space<vmem_shared>> -> memref<640x8xf32, #tpu.memory_space<vmem_shared>>
      tpu.wait_dma2 semaphore(%run_scoped3A : memref<!tpu.dma_semaphore, #tpu.memory_space<semaphore_mem>>) src(%dma_wait3A_16 : memref<640x8xf32, #tpu.memory_space<vmem_shared>>) dst(%dma_wait3A_14 : memref<640x8xf32, #tpu.memory_space<hbm>>)
      tpu.yield
    }) : () -> ()
    "tpu.region"() ({
      %run_scoped3A = tpu.sem_alloc : memref<!tpu.dma_semaphore, #tpu.memory_space<semaphore_mem>>
      %dma_start3A = arith.constant 0 : i32
      %dma_start3A_9 = tpu.memref_slice %arg7[%arg0, %mul3A_2, %dma_start3A] : memref<2x10240x8xf32, #tpu.memory_space<hbm>> -> memref<1x640x8xf32, #tpu.memory_space<hbm>>
      %dma_start3A_10 = tpu.memref_squeeze %dma_start3A_9 : memref<1x640x8xf32, #tpu.memory_space<hbm>> -> memref<640x8xf32, #tpu.memory_space<hbm>>
      %dma_start3A_11 = arith.constant 0 : i32
      %dma_start3A_12 = tpu.memref_slice %arg12[%mul3A_2, %dma_start3A_11] : memref<10240x8xf32, #tpu.memory_space<vmem_shared>> -> memref<640x8xf32, #tpu.memory_space<vmem_shared>>
      tpu.enqueue_dma source(%dma_start3A_12 : memref<640x8xf32, #tpu.memory_space<vmem_shared>>) target(%dma_start3A_10 : memref<640x8xf32, #tpu.memory_space<hbm>>) target_semaphore(%run_scoped3A : memref<!tpu.dma_semaphore, #tpu.memory_space<semaphore_mem>>)
      %dma_wait3A = arith.constant 0 : i32
      %dma_wait3A_13 = tpu.memref_slice %arg7[%arg0, %mul3A_2, %dma_wait3A] : memref<2x10240x8xf32, #tpu.memory_space<hbm>> -> memref<1x640x8xf32, #tpu.memory_space<hbm>>
      %dma_wait3A_14 = tpu.memref_squeeze %dma_wait3A_13 : memref<1x640x8xf32, #tpu.memory_space<hbm>> -> memref<640x8xf32, #tpu.memory_space<hbm>>
      %dma_wait3A_15 = arith.constant 0 : i32
      %dma_wait3A_16 = tpu.memref_slice %arg12[%mul3A_2, %dma_wait3A_15] : memref<10240x8xf32, #tpu.memory_space<vmem_shared>> -> memref<640x8xf32, #tpu.memory_space<vmem_shared>>
      tpu.wait_dma2 semaphore(%run_scoped3A : memref<!tpu.dma_semaphore, #tpu.memory_space<semaphore_mem>>) src(%dma_wait3A_16 : memref<640x8xf32, #tpu.memory_space<vmem_shared>>) dst(%dma_wait3A_14 : memref<640x8xf32, #tpu.memory_space<hbm>>)
      tpu.yield
    }) : () -> ()
    return
  }
}

#map = affine_map<(d0, d1) -> (0, 0, 0, 0, 0)>
#map1 = affine_map<(d0, d1) -> (0, 0)>
#map2 = affine_map<(d0, d1) -> (0, 0, 0)>
module attributes {stable_mosaic.version = 14 : i64} {
  func.func @_sc_agg_colsplit(%arg0: i32, %arg1: i32, %arg2: memref<2x16x250x2x80xi32, #tpu.memory_space<hbm>>, %arg3: memref<20480x64xf32, #tpu.memory_space<hbm>>, %arg4: memref<128x64xf32, #tpu.memory_space<hbm>>, %arg5: memref<2x10240x64xf32, #tpu.memory_space<hbm>>, %arg6: memref<5x2x80xi32, #tpu.memory_space<vmem>>, %arg7: memref<5x80x64xf32, #tpu.memory_space<vmem>>, %arg8: memref<10240x64xf32, #tpu.memory_space<vmem_shared>>, %arg9: memref<!tpu.dma_semaphore, #tpu.memory_space<semaphore_mem>>, %arg10: memref<!tpu.dma_semaphore, #tpu.memory_space<semaphore_mem>>, %arg11: memref<!tpu.dma_semaphore, #tpu.memory_space<semaphore_mem>>, %arg12: memref<!tpu.dma_semaphore, #tpu.memory_space<semaphore_mem>>, %arg13: memref<!tpu.dma_semaphore, #tpu.memory_space<semaphore_mem>>, %arg14: memref<!tpu.dma_semaphore, #tpu.memory_space<semaphore_mem>>, %arg15: memref<!tpu.dma_semaphore, #tpu.memory_space<semaphore_mem>>, %arg16: memref<!tpu.dma_semaphore, #tpu.memory_space<semaphore_mem>>, %arg17: memref<!tpu.dma_semaphore, #tpu.memory_space<semaphore_mem>>, %arg18: memref<!tpu.dma_semaphore, #tpu.memory_space<semaphore_mem>>, %arg19: memref<!tpu.dma_semaphore, #tpu.memory_space<semaphore_mem>>, %arg20: memref<!tpu.dma_semaphore, #tpu.memory_space<semaphore_mem>>, %arg21: memref<!tpu.dma_semaphore, #tpu.memory_space<semaphore_mem>>, %arg22: memref<!tpu.dma_semaphore, #tpu.memory_space<semaphore_mem>>, %arg23: memref<!tpu.dma_semaphore, #tpu.memory_space<semaphore_mem>>) attributes {dimension_semantics = [#tpu.dimension_semantics<core_parallel>, #tpu.dimension_semantics<subcore_parallel>], iteration_bounds = array<i64: 2, 16>, scalar_prefetch = 0 : i64, scratch_operands = 18 : i64, tpu.core_type = #tpu.core_type<sc_vector_subcore>, window_params = [{transform_indices = #map}, {transform_indices = #map1}, {transform_indices = #map1}, {transform_indices = #map2}]} {
    %mul3A = arith.constant 640 : i32
    %mul3A_0 = arith.muli %arg1, %mul3A : i32
    %add3A = arith.constant 0 : i32
    %add3A_1 = arith.addi %mul3A_0, %add3A : i32
    "tpu.region"() ({
      %run_scoped3A = tpu.sem_alloc : memref<!tpu.dma_semaphore, #tpu.memory_space<semaphore_mem>>
      %dma_start3A_259 = arith.constant 0 : i32
      %dma_start3A_260 = tpu.memref_slice %arg8[%add3A_1, %dma_start3A_259] : memref<10240x64xf32, #tpu.memory_space<vmem_shared>> -> memref<128x64xf32, #tpu.memory_space<vmem_shared>>
      tpu.enqueue_dma source(%arg4 : memref<128x64xf32, #tpu.memory_space<hbm>>) target(%dma_start3A_260 : memref<128x64xf32, #tpu.memory_space<vmem_shared>>) target_semaphore(%run_scoped3A : memref<!tpu.dma_semaphore, #tpu.memory_space<semaphore_mem>>)
      %dma_wait3A_261 = arith.constant 0 : i32
      %dma_wait3A_262 = tpu.memref_slice %arg8[%add3A_1, %dma_wait3A_261] : memref<10240x64xf32, #tpu.memory_space<vmem_shared>> -> memref<128x64xf32, #tpu.memory_space<vmem_shared>>
      tpu.wait_dma2 semaphore(%run_scoped3A : memref<!tpu.dma_semaphore, #tpu.memory_space<semaphore_mem>>) src(%arg4 : memref<128x64xf32, #tpu.memory_space<hbm>>) dst(%dma_wait3A_262 : memref<128x64xf32, #tpu.memory_space<vmem_shared>>)
      tpu.yield
    }) : () -> ()
    %add3A_2 = arith.constant 128 : i32
    %add3A_3 = arith.addi %mul3A_0, %add3A_2 : i32
    "tpu.region"() ({
      %run_scoped3A = tpu.sem_alloc : memref<!tpu.dma_semaphore, #tpu.memory_space<semaphore_mem>>
      %dma_start3A_259 = arith.constant 0 : i32
      %dma_start3A_260 = tpu.memref_slice %arg8[%add3A_3, %dma_start3A_259] : memref<10240x64xf32, #tpu.memory_space<vmem_shared>> -> memref<128x64xf32, #tpu.memory_space<vmem_shared>>
      tpu.enqueue_dma source(%arg4 : memref<128x64xf32, #tpu.memory_space<hbm>>) target(%dma_start3A_260 : memref<128x64xf32, #tpu.memory_space<vmem_shared>>) target_semaphore(%run_scoped3A : memref<!tpu.dma_semaphore, #tpu.memory_space<semaphore_mem>>)
      %dma_wait3A_261 = arith.constant 0 : i32
      %dma_wait3A_262 = tpu.memref_slice %arg8[%add3A_3, %dma_wait3A_261] : memref<10240x64xf32, #tpu.memory_space<vmem_shared>> -> memref<128x64xf32, #tpu.memory_space<vmem_shared>>
      tpu.wait_dma2 semaphore(%run_scoped3A : memref<!tpu.dma_semaphore, #tpu.memory_space<semaphore_mem>>) src(%arg4 : memref<128x64xf32, #tpu.memory_space<hbm>>) dst(%dma_wait3A_262 : memref<128x64xf32, #tpu.memory_space<vmem_shared>>)
      tpu.yield
    }) : () -> ()
    %add3A_4 = arith.constant 256 : i32
    %add3A_5 = arith.addi %mul3A_0, %add3A_4 : i32
    "tpu.region"() ({
      %run_scoped3A = tpu.sem_alloc : memref<!tpu.dma_semaphore, #tpu.memory_space<semaphore_mem>>
      %dma_start3A_259 = arith.constant 0 : i32
      %dma_start3A_260 = tpu.memref_slice %arg8[%add3A_5, %dma_start3A_259] : memref<10240x64xf32, #tpu.memory_space<vmem_shared>> -> memref<128x64xf32, #tpu.memory_space<vmem_shared>>
      tpu.enqueue_dma source(%arg4 : memref<128x64xf32, #tpu.memory_space<hbm>>) target(%dma_start3A_260 : memref<128x64xf32, #tpu.memory_space<vmem_shared>>) target_semaphore(%run_scoped3A : memref<!tpu.dma_semaphore, #tpu.memory_space<semaphore_mem>>)
      %dma_wait3A_261 = arith.constant 0 : i32
      %dma_wait3A_262 = tpu.memref_slice %arg8[%add3A_5, %dma_wait3A_261] : memref<10240x64xf32, #tpu.memory_space<vmem_shared>> -> memref<128x64xf32, #tpu.memory_space<vmem_shared>>
      tpu.wait_dma2 semaphore(%run_scoped3A : memref<!tpu.dma_semaphore, #tpu.memory_space<semaphore_mem>>) src(%arg4 : memref<128x64xf32, #tpu.memory_space<hbm>>) dst(%dma_wait3A_262 : memref<128x64xf32, #tpu.memory_space<vmem_shared>>)
      tpu.yield
    }) : () -> ()
    %add3A_6 = arith.constant 384 : i32
    %add3A_7 = arith.addi %mul3A_0, %add3A_6 : i32
    "tpu.region"() ({
      %run_scoped3A = tpu.sem_alloc : memref<!tpu.dma_semaphore, #tpu.memory_space<semaphore_mem>>
      %dma_start3A_259 = arith.constant 0 : i32
      %dma_start3A_260 = tpu.memref_slice %arg8[%add3A_7, %dma_start3A_259] : memref<10240x64xf32, #tpu.memory_space<vmem_shared>> -> memref<128x64xf32, #tpu.memory_space<vmem_shared>>
      tpu.enqueue_dma source(%arg4 : memref<128x64xf32, #tpu.memory_space<hbm>>) target(%dma_start3A_260 : memref<128x64xf32, #tpu.memory_space<vmem_shared>>) target_semaphore(%run_scoped3A : memref<!tpu.dma_semaphore, #tpu.memory_space<semaphore_mem>>)
      %dma_wait3A_261 = arith.constant 0 : i32
      %dma_wait3A_262 = tpu.memref_slice %arg8[%add3A_7, %dma_wait3A_261] : memref<10240x64xf32, #tpu.memory_space<vmem_shared>> -> memref<128x64xf32, #tpu.memory_space<vmem_shared>>
      tpu.wait_dma2 semaphore(%run_scoped3A : memref<!tpu.dma_semaphore, #tpu.memory_space<semaphore_mem>>) src(%arg4 : memref<128x64xf32, #tpu.memory_space<hbm>>) dst(%dma_wait3A_262 : memref<128x64xf32, #tpu.memory_space<vmem_shared>>)
      tpu.yield
    }) : () -> ()
    %add3A_8 = arith.constant 512 : i32
    %add3A_9 = arith.addi %mul3A_0, %add3A_8 : i32
    "tpu.region"() ({
      %run_scoped3A = tpu.sem_alloc : memref<!tpu.dma_semaphore, #tpu.memory_space<semaphore_mem>>
      %dma_start3A_259 = arith.constant 0 : i32
      %dma_start3A_260 = tpu.memref_slice %arg8[%add3A_9, %dma_start3A_259] : memref<10240x64xf32, #tpu.memory_space<vmem_shared>> -> memref<128x64xf32, #tpu.memory_space<vmem_shared>>
      tpu.enqueue_dma source(%arg4 : memref<128x64xf32, #tpu.memory_space<hbm>>) target(%dma_start3A_260 : memref<128x64xf32, #tpu.memory_space<vmem_shared>>) target_semaphore(%run_scoped3A : memref<!tpu.dma_semaphore, #tpu.memory_space<semaphore_mem>>)
      %dma_wait3A_261 = arith.constant 0 : i32
      %dma_wait3A_262 = tpu.memref_slice %arg8[%add3A_9, %dma_wait3A_261] : memref<10240x64xf32, #tpu.memory_space<vmem_shared>> -> memref<128x64xf32, #tpu.memory_space<vmem_shared>>
      tpu.wait_dma2 semaphore(%run_scoped3A : memref<!tpu.dma_semaphore, #tpu.memory_space<semaphore_mem>>) src(%arg4 : memref<128x64xf32, #tpu.memory_space<hbm>>) dst(%dma_wait3A_262 : memref<128x64xf32, #tpu.memory_space<vmem_shared>>)
      tpu.yield
    }) : () -> ()
    %barrier3A = arith.constant 0 : index
    tpu.barrier barrier_id(%barrier3A)
    %dma_start3A = arith.constant 0 : i32
    %dma_start3A_10 = arith.constant 0 : i32
    %dma_start3A_11 = arith.constant 0 : i32
    %dma_start3A_12 = arith.constant 0 : i32
    %dma_start3A_13 = tpu.memref_slice %arg6[%dma_start3A_10, %dma_start3A_11, %dma_start3A_12] : memref<5x2x80xi32, #tpu.memory_space<vmem>> -> memref<1x2x80xi32, #tpu.memory_space<vmem>>
    %dma_start3A_14 = tpu.memref_squeeze %dma_start3A_13 : memref<1x2x80xi32, #tpu.memory_space<vmem>> -> memref<2x80xi32, #tpu.memory_space<vmem>>
    %dma_start3A_15 = arith.constant 0 : i32
    %dma_start3A_16 = arith.constant 0 : i32
    %dma_start3A_17 = tpu.memref_slice %arg2[%arg0, %arg1, %dma_start3A, %dma_start3A_15, %dma_start3A_16] : memref<2x16x250x2x80xi32, #tpu.memory_space<hbm>> -> memref<1x1x1x2x80xi32, #tpu.memory_space<hbm>>
    %dma_start3A_18 = tpu.memref_squeeze %dma_start3A_17 : memref<1x1x1x2x80xi32, #tpu.memory_space<hbm>> -> memref<2x80xi32, #tpu.memory_space<hbm>>
    %dma_start3A_19 = arith.constant 0 : i32
    %dma_start3A_20 = arith.constant 0 : i32
    %dma_start3A_21 = tpu.memref_slice %arg6[%dma_start3A_10, %dma_start3A_19, %dma_start3A_20] : memref<5x2x80xi32, #tpu.memory_space<vmem>> -> memref<1x2x80xi32, #tpu.memory_space<vmem>>
    %dma_start3A_22 = tpu.memref_squeeze %dma_start3A_21 : memref<1x2x80xi32, #tpu.memory_space<vmem>> -> memref<2x80xi32, #tpu.memory_space<vmem>>
    %dma_start3A_23 = arith.constant 0 : i32
    %dma_start3A_24 = arith.constant 0 : i32
    %dma_start3A_25 = tpu.memref_slice %arg2[%arg0, %arg1, %dma_start3A, %dma_start3A_23, %dma_start3A_24] : memref<2x16x250x2x80xi32, #tpu.memory_space<hbm>> -> memref<1x1x1x2x80xi32, #tpu.memory_space<hbm>>
    %dma_start3A_26 = tpu.memref_squeeze %dma_start3A_25 : memref<1x1x1x2x80xi32, #tpu.memory_space<hbm>> -> memref<2x80xi32, #tpu.memory_space<hbm>>
    tpu.enqueue_dma source(%dma_start3A_26 : memref<2x80xi32, #tpu.memory_space<hbm>>) target(%dma_start3A_22 : memref<2x80xi32, #tpu.memory_space<vmem>>) target_semaphore(%arg19 : memref<!tpu.dma_semaphore, #tpu.memory_space<semaphore_mem>>)
    %dma_start3A_27 = arith.constant 1 : i32
    %dma_start3A_28 = arith.constant 1 : i32
    %dma_start3A_29 = arith.constant 0 : i32
    %dma_start3A_30 = arith.constant 0 : i32
    %dma_start3A_31 = tpu.memref_slice %arg6[%dma_start3A_28, %dma_start3A_29, %dma_start3A_30] : memref<5x2x80xi32, #tpu.memory_space<vmem>> -> memref<1x2x80xi32, #tpu.memory_space<vmem>>
    %dma_start3A_32 = tpu.memref_squeeze %dma_start3A_31 : memref<1x2x80xi32, #tpu.memory_space<vmem>> -> memref<2x80xi32, #tpu.memory_space<vmem>>
    %dma_start3A_33 = arith.constant 0 : i32
    %dma_start3A_34 = arith.constant 0 : i32
    %dma_start3A_35 = tpu.memref_slice %arg2[%arg0, %arg1, %dma_start3A_27, %dma_start3A_33, %dma_start3A_34] : memref<2x16x250x2x80xi32, #tpu.memory_space<hbm>> -> memref<1x1x1x2x80xi32, #tpu.memory_space<hbm>>
    %dma_start3A_36 = tpu.memref_squeeze %dma_start3A_35 : memref<1x1x1x2x80xi32, #tpu.memory_space<hbm>> -> memref<2x80xi32, #tpu.memory_space<hbm>>
    %dma_start3A_37 = arith.constant 0 : i32
    %dma_start3A_38 = arith.constant 0 : i32
    %dma_start3A_39 = tpu.memref_slice %arg6[%dma_start3A_28, %dma_start3A_37, %dma_start3A_38] : memref<5x2x80xi32, #tpu.memory_space<vmem>> -> memref<1x2x80xi32, #tpu.memory_space<vmem>>
    %dma_start3A_40 = tpu.memref_squeeze %dma_start3A_39 : memref<1x2x80xi32, #tpu.memory_space<vmem>> -> memref<2x80xi32, #tpu.memory_space<vmem>>
    %dma_start3A_41 = arith.constant 0 : i32
    %dma_start3A_42 = arith.constant 0 : i32
    %dma_start3A_43 = tpu.memref_slice %arg2[%arg0, %arg1, %dma_start3A_27, %dma_start3A_41, %dma_start3A_42] : memref<2x16x250x2x80xi32, #tpu.memory_space<hbm>> -> memref<1x1x1x2x80xi32, #tpu.memory_space<hbm>>
    %dma_start3A_44 = tpu.memref_squeeze %dma_start3A_43 : memref<1x1x1x2x80xi32, #tpu.memory_space<hbm>> -> memref<2x80xi32, #tpu.memory_space<hbm>>
    tpu.enqueue_dma source(%dma_start3A_44 : memref<2x80xi32, #tpu.memory_space<hbm>>) target(%dma_start3A_40 : memref<2x80xi32, #tpu.memory_space<vmem>>) target_semaphore(%arg20 : memref<!tpu.dma_semaphore, #tpu.memory_space<semaphore_mem>>)
    %dma_start3A_45 = arith.constant 2 : i32
    %dma_start3A_46 = arith.constant 2 : i32
    %dma_start3A_47 = arith.constant 0 : i32
    %dma_start3A_48 = arith.constant 0 : i32
    %dma_start3A_49 = tpu.memref_slice %arg6[%dma_start3A_46, %dma_start3A_47, %dma_start3A_48] : memref<5x2x80xi32, #tpu.memory_space<vmem>> -> memref<1x2x80xi32, #tpu.memory_space<vmem>>
    %dma_start3A_50 = tpu.memref_squeeze %dma_start3A_49 : memref<1x2x80xi32, #tpu.memory_space<vmem>> -> memref<2x80xi32, #tpu.memory_space<vmem>>
    %dma_start3A_51 = arith.constant 0 : i32
    %dma_start3A_52 = arith.constant 0 : i32
    %dma_start3A_53 = tpu.memref_slice %arg2[%arg0, %arg1, %dma_start3A_45, %dma_start3A_51, %dma_start3A_52] : memref<2x16x250x2x80xi32, #tpu.memory_space<hbm>> -> memref<1x1x1x2x80xi32, #tpu.memory_space<hbm>>
    %dma_start3A_54 = tpu.memref_squeeze %dma_start3A_53 : memref<1x1x1x2x80xi32, #tpu.memory_space<hbm>> -> memref<2x80xi32, #tpu.memory_space<hbm>>
    %dma_start3A_55 = arith.constant 0 : i32
    %dma_start3A_56 = arith.constant 0 : i32
    %dma_start3A_57 = tpu.memref_slice %arg6[%dma_start3A_46, %dma_start3A_55, %dma_start3A_56] : memref<5x2x80xi32, #tpu.memory_space<vmem>> -> memref<1x2x80xi32, #tpu.memory_space<vmem>>
    %dma_start3A_58 = tpu.memref_squeeze %dma_start3A_57 : memref<1x2x80xi32, #tpu.memory_space<vmem>> -> memref<2x80xi32, #tpu.memory_space<vmem>>
    %dma_start3A_59 = arith.constant 0 : i32
    %dma_start3A_60 = arith.constant 0 : i32
    %dma_start3A_61 = tpu.memref_slice %arg2[%arg0, %arg1, %dma_start3A_45, %dma_start3A_59, %dma_start3A_60] : memref<2x16x250x2x80xi32, #tpu.memory_space<hbm>> -> memref<1x1x1x2x80xi32, #tpu.memory_space<hbm>>
    %dma_start3A_62 = tpu.memref_squeeze %dma_start3A_61 : memref<1x1x1x2x80xi32, #tpu.memory_space<hbm>> -> memref<2x80xi32, #tpu.memory_space<hbm>>
    tpu.enqueue_dma source(%dma_start3A_62 : memref<2x80xi32, #tpu.memory_space<hbm>>) target(%dma_start3A_58 : memref<2x80xi32, #tpu.memory_space<vmem>>) target_semaphore(%arg21 : memref<!tpu.dma_semaphore, #tpu.memory_space<semaphore_mem>>)
    %dma_start3A_63 = arith.constant 3 : i32
    %dma_start3A_64 = arith.constant 3 : i32
    %dma_start3A_65 = arith.constant 0 : i32
    %dma_start3A_66 = arith.constant 0 : i32
    %dma_start3A_67 = tpu.memref_slice %arg6[%dma_start3A_64, %dma_start3A_65, %dma_start3A_66] : memref<5x2x80xi32, #tpu.memory_space<vmem>> -> memref<1x2x80xi32, #tpu.memory_space<vmem>>
    %dma_start3A_68 = tpu.memref_squeeze %dma_start3A_67 : memref<1x2x80xi32, #tpu.memory_space<vmem>> -> memref<2x80xi32, #tpu.memory_space<vmem>>
    %dma_start3A_69 = arith.constant 0 : i32
    %dma_start3A_70 = arith.constant 0 : i32
    %dma_start3A_71 = tpu.memref_slice %arg2[%arg0, %arg1, %dma_start3A_63, %dma_start3A_69, %dma_start3A_70] : memref<2x16x250x2x80xi32, #tpu.memory_space<hbm>> -> memref<1x1x1x2x80xi32, #tpu.memory_space<hbm>>
    %dma_start3A_72 = tpu.memref_squeeze %dma_start3A_71 : memref<1x1x1x2x80xi32, #tpu.memory_space<hbm>> -> memref<2x80xi32, #tpu.memory_space<hbm>>
    %dma_start3A_73 = arith.constant 0 : i32
    %dma_start3A_74 = arith.constant 0 : i32
    %dma_start3A_75 = tpu.memref_slice %arg6[%dma_start3A_64, %dma_start3A_73, %dma_start3A_74] : memref<5x2x80xi32, #tpu.memory_space<vmem>> -> memref<1x2x80xi32, #tpu.memory_space<vmem>>
    %dma_start3A_76 = tpu.memref_squeeze %dma_start3A_75 : memref<1x2x80xi32, #tpu.memory_space<vmem>> -> memref<2x80xi32, #tpu.memory_space<vmem>>
    %dma_start3A_77 = arith.constant 0 : i32
    %dma_start3A_78 = arith.constant 0 : i32
    %dma_start3A_79 = tpu.memref_slice %arg2[%arg0, %arg1, %dma_start3A_63, %dma_start3A_77, %dma_start3A_78] : memref<2x16x250x2x80xi32, #tpu.memory_space<hbm>> -> memref<1x1x1x2x80xi32, #tpu.memory_space<hbm>>
    %dma_start3A_80 = tpu.memref_squeeze %dma_start3A_79 : memref<1x1x1x2x80xi32, #tpu.memory_space<hbm>> -> memref<2x80xi32, #tpu.memory_space<hbm>>
    tpu.enqueue_dma source(%dma_start3A_80 : memref<2x80xi32, #tpu.memory_space<hbm>>) target(%dma_start3A_76 : memref<2x80xi32, #tpu.memory_space<vmem>>) target_semaphore(%arg22 : memref<!tpu.dma_semaphore, #tpu.memory_space<semaphore_mem>>)
    %dma_start3A_81 = arith.constant 4 : i32
    %dma_start3A_82 = arith.constant 4 : i32
    %dma_start3A_83 = arith.constant 0 : i32
    %dma_start3A_84 = arith.constant 0 : i32
    %dma_start3A_85 = tpu.memref_slice %arg6[%dma_start3A_82, %dma_start3A_83, %dma_start3A_84] : memref<5x2x80xi32, #tpu.memory_space<vmem>> -> memref<1x2x80xi32, #tpu.memory_space<vmem>>
    %dma_start3A_86 = tpu.memref_squeeze %dma_start3A_85 : memref<1x2x80xi32, #tpu.memory_space<vmem>> -> memref<2x80xi32, #tpu.memory_space<vmem>>
    %dma_start3A_87 = arith.constant 0 : i32
    %dma_start3A_88 = arith.constant 0 : i32
    %dma_start3A_89 = tpu.memref_slice %arg2[%arg0, %arg1, %dma_start3A_81, %dma_start3A_87, %dma_start3A_88] : memref<2x16x250x2x80xi32, #tpu.memory_space<hbm>> -> memref<1x1x1x2x80xi32, #tpu.memory_space<hbm>>
    %dma_start3A_90 = tpu.memref_squeeze %dma_start3A_89 : memref<1x1x1x2x80xi32, #tpu.memory_space<hbm>> -> memref<2x80xi32, #tpu.memory_space<hbm>>
    %dma_start3A_91 = arith.constant 0 : i32
    %dma_start3A_92 = arith.constant 0 : i32
    %dma_start3A_93 = tpu.memref_slice %arg6[%dma_start3A_82, %dma_start3A_91, %dma_start3A_92] : memref<5x2x80xi32, #tpu.memory_space<vmem>> -> memref<1x2x80xi32, #tpu.memory_space<vmem>>
    %dma_start3A_94 = tpu.memref_squeeze %dma_start3A_93 : memref<1x2x80xi32, #tpu.memory_space<vmem>> -> memref<2x80xi32, #tpu.memory_space<vmem>>
    %dma_start3A_95 = arith.constant 0 : i32
    %dma_start3A_96 = arith.constant 0 : i32
    %dma_start3A_97 = tpu.memref_slice %arg2[%arg0, %arg1, %dma_start3A_81, %dma_start3A_95, %dma_start3A_96] : memref<2x16x250x2x80xi32, #tpu.memory_space<hbm>> -> memref<1x1x1x2x80xi32, #tpu.memory_space<hbm>>
    %dma_start3A_98 = tpu.memref_squeeze %dma_start3A_97 : memref<1x1x1x2x80xi32, #tpu.memory_space<hbm>> -> memref<2x80xi32, #tpu.memory_space<hbm>>
    tpu.enqueue_dma source(%dma_start3A_98 : memref<2x80xi32, #tpu.memory_space<hbm>>) target(%dma_start3A_94 : memref<2x80xi32, #tpu.memory_space<vmem>>) target_semaphore(%arg23 : memref<!tpu.dma_semaphore, #tpu.memory_space<semaphore_mem>>)
    %dma_wait3A = arith.constant 0 : i32
    %dma_wait3A_99 = arith.constant 0 : i32
    %dma_wait3A_100 = arith.constant 0 : i32
    %dma_wait3A_101 = arith.constant 0 : i32
    %dma_wait3A_102 = tpu.memref_slice %arg6[%dma_wait3A_99, %dma_wait3A_100, %dma_wait3A_101] : memref<5x2x80xi32, #tpu.memory_space<vmem>> -> memref<1x2x80xi32, #tpu.memory_space<vmem>>
    %dma_wait3A_103 = tpu.memref_squeeze %dma_wait3A_102 : memref<1x2x80xi32, #tpu.memory_space<vmem>> -> memref<2x80xi32, #tpu.memory_space<vmem>>
    %dma_wait3A_104 = arith.constant 0 : i32
    %dma_wait3A_105 = arith.constant 0 : i32
    %dma_wait3A_106 = tpu.memref_slice %arg2[%arg0, %arg1, %dma_wait3A, %dma_wait3A_104, %dma_wait3A_105] : memref<2x16x250x2x80xi32, #tpu.memory_space<hbm>> -> memref<1x1x1x2x80xi32, #tpu.memory_space<hbm>>
    %dma_wait3A_107 = tpu.memref_squeeze %dma_wait3A_106 : memref<1x1x1x2x80xi32, #tpu.memory_space<hbm>> -> memref<2x80xi32, #tpu.memory_space<hbm>>
    %dma_wait3A_108 = arith.constant 0 : i32
    %dma_wait3A_109 = arith.constant 0 : i32
    %dma_wait3A_110 = tpu.memref_slice %arg6[%dma_wait3A_99, %dma_wait3A_108, %dma_wait3A_109] : memref<5x2x80xi32, #tpu.memory_space<vmem>> -> memref<1x2x80xi32, #tpu.memory_space<vmem>>
    %dma_wait3A_111 = tpu.memref_squeeze %dma_wait3A_110 : memref<1x2x80xi32, #tpu.memory_space<vmem>> -> memref<2x80xi32, #tpu.memory_space<vmem>>
    %dma_wait3A_112 = arith.constant 0 : i32
    %dma_wait3A_113 = arith.constant 0 : i32
    %dma_wait3A_114 = tpu.memref_slice %arg2[%arg0, %arg1, %dma_wait3A, %dma_wait3A_112, %dma_wait3A_113] : memref<2x16x250x2x80xi32, #tpu.memory_space<hbm>> -> memref<1x1x1x2x80xi32, #tpu.memory_space<hbm>>
    %dma_wait3A_115 = tpu.memref_squeeze %dma_wait3A_114 : memref<1x1x1x2x80xi32, #tpu.memory_space<hbm>> -> memref<2x80xi32, #tpu.memory_space<hbm>>
    tpu.wait_dma2 semaphore(%arg19 : memref<!tpu.dma_semaphore, #tpu.memory_space<semaphore_mem>>) src(%dma_wait3A_115 : memref<2x80xi32, #tpu.memory_space<hbm>>) dst(%dma_wait3A_111 : memref<2x80xi32, #tpu.memory_space<vmem>>)
    %dma_start3A_116 = arith.constant 0 : i32
    %dma_start3A_117 = arith.constant 0 : i32
    %dma_start3A_118 = arith.constant 0 : i32
    %dma_start3A_119 = arith.constant 0 : i32
    %dma_start3A_120 = arith.constant 0 : i32
    %dma_start3A_121 = tpu.memref_slice %arg7[%dma_start3A_118, %dma_start3A_119, %dma_start3A_120] : memref<5x80x64xf32, #tpu.memory_space<vmem>> -> memref<1x80x64xf32, #tpu.memory_space<vmem>>
    %dma_start3A_122 = tpu.memref_squeeze %dma_start3A_121 : memref<1x80x64xf32, #tpu.memory_space<vmem>> -> memref<80x64xf32, #tpu.memory_space<vmem>>
    %dma_start3A_123 = arith.constant 0 : i32
    %dma_start3A_124 = tpu.memref_slice %arg6[%dma_start3A_116, %dma_start3A_117, %dma_start3A_123] : memref<5x2x80xi32, #tpu.memory_space<vmem>> -> memref<1x1x80xi32, #tpu.memory_space<vmem>>
    %dma_start3A_125 = tpu.memref_squeeze %dma_start3A_124 : memref<1x1x80xi32, #tpu.memory_space<vmem>> -> memref<80xi32, #tpu.memory_space<vmem>>
    %dma_start3A_126 = arith.constant 0 : i32
    %dma_start3A_127 = arith.constant 0 : i32
    %dma_start3A_128 = tpu.memref_slice %arg3[%dma_start3A_126, %dma_start3A_127] : memref<20480x64xf32, #tpu.memory_space<hbm>> -> memref<20480x64xf32, #tpu.memory_space<hbm>>
    tpu.enqueue_indirect_dma source(%dma_start3A_128 : memref<20480x64xf32, #tpu.memory_space<hbm>>) target(%dma_start3A_122 : memref<80x64xf32, #tpu.memory_space<vmem>>) offsets(%dma_start3A_125 : memref<80xi32, #tpu.memory_space<vmem>>) semaphore(%arg9 : memref<!tpu.dma_semaphore, #tpu.memory_space<semaphore_mem>>)
    %dma_wait3A_129 = arith.constant 1 : i32
    %dma_wait3A_130 = arith.constant 1 : i32
    %dma_wait3A_131 = arith.constant 0 : i32
    %dma_wait3A_132 = arith.constant 0 : i32
    %dma_wait3A_133 = tpu.memref_slice %arg6[%dma_wait3A_130, %dma_wait3A_131, %dma_wait3A_132] : memref<5x2x80xi32, #tpu.memory_space<vmem>> -> memref<1x2x80xi32, #tpu.memory_space<vmem>>
    %dma_wait3A_134 = tpu.memref_squeeze %dma_wait3A_133 : memref<1x2x80xi32, #tpu.memory_space<vmem>> -> memref<2x80xi32, #tpu.memory_space<vmem>>
    %dma_wait3A_135 = arith.constant 0 : i32
    %dma_wait3A_136 = arith.constant 0 : i32
    %dma_wait3A_137 = tpu.memref_slice %arg2[%arg0, %arg1, %dma_wait3A_129, %dma_wait3A_135, %dma_wait3A_136] : memref<2x16x250x2x80xi32, #tpu.memory_space<hbm>> -> memref<1x1x1x2x80xi32, #tpu.memory_space<hbm>>
    %dma_wait3A_138 = tpu.memref_squeeze %dma_wait3A_137 : memref<1x1x1x2x80xi32, #tpu.memory_space<hbm>> -> memref<2x80xi32, #tpu.memory_space<hbm>>
    %dma_wait3A_139 = arith.constant 0 : i32
    %dma_wait3A_140 = arith.constant 0 : i32
    %dma_wait3A_141 = tpu.memref_slice %arg6[%dma_wait3A_130, %dma_wait3A_139, %dma_wait3A_140] : memref<5x2x80xi32, #tpu.memory_space<vmem>> -> memref<1x2x80xi32, #tpu.memory_space<vmem>>
    %dma_wait3A_142 = tpu.memref_squeeze %dma_wait3A_141 : memref<1x2x80xi32, #tpu.memory_space<vmem>> -> memref<2x80xi32, #tpu.memory_space<vmem>>
    %dma_wait3A_143 = arith.constant 0 : i32
    %dma_wait3A_144 = arith.constant 0 : i32
    %dma_wait3A_145 = tpu.memref_slice %arg2[%arg0, %arg1, %dma_wait3A_129, %dma_wait3A_143, %dma_wait3A_144] : memref<2x16x250x2x80xi32, #tpu.memory_space<hbm>> -> memref<1x1x1x2x80xi32, #tpu.memory_space<hbm>>
    %dma_wait3A_146 = tpu.memref_squeeze %dma_wait3A_145 : memref<1x1x1x2x80xi32, #tpu.memory_space<hbm>> -> memref<2x80xi32, #tpu.memory_space<hbm>>
    tpu.wait_dma2 semaphore(%arg20 : memref<!tpu.dma_semaphore, #tpu.memory_space<semaphore_mem>>) src(%dma_wait3A_146 : memref<2x80xi32, #tpu.memory_space<hbm>>) dst(%dma_wait3A_142 : memref<2x80xi32, #tpu.memory_space<vmem>>)
    %dma_start3A_147 = arith.constant 1 : i32
    %dma_start3A_148 = arith.constant 0 : i32
    %dma_start3A_149 = arith.constant 1 : i32
    %dma_start3A_150 = arith.constant 0 : i32
    %dma_start3A_151 = arith.constant 0 : i32
    %dma_start3A_152 = tpu.memref_slice %arg7[%dma_start3A_149, %dma_start3A_150, %dma_start3A_151] : memref<5x80x64xf32, #tpu.memory_space<vmem>> -> memref<1x80x64xf32, #tpu.memory_space<vmem>>
    %dma_start3A_153 = tpu.memref_squeeze %dma_start3A_152 : memref<1x80x64xf32, #tpu.memory_space<vmem>> -> memref<80x64xf32, #tpu.memory_space<vmem>>
    %dma_start3A_154 = arith.constant 0 : i32
    %dma_start3A_155 = tpu.memref_slice %arg6[%dma_start3A_147, %dma_start3A_148, %dma_start3A_154] : memref<5x2x80xi32, #tpu.memory_space<vmem>> -> memref<1x1x80xi32, #tpu.memory_space<vmem>>
    %dma_start3A_156 = tpu.memref_squeeze %dma_start3A_155 : memref<1x1x80xi32, #tpu.memory_space<vmem>> -> memref<80xi32, #tpu.memory_space<vmem>>
    %dma_start3A_157 = arith.constant 0 : i32
    %dma_start3A_158 = arith.constant 0 : i32
    %dma_start3A_159 = tpu.memref_slice %arg3[%dma_start3A_157, %dma_start3A_158] : memref<20480x64xf32, #tpu.memory_space<hbm>> -> memref<20480x64xf32, #tpu.memory_space<hbm>>
    tpu.enqueue_indirect_dma source(%dma_start3A_159 : memref<20480x64xf32, #tpu.memory_space<hbm>>) target(%dma_start3A_153 : memref<80x64xf32, #tpu.memory_space<vmem>>) offsets(%dma_start3A_156 : memref<80xi32, #tpu.memory_space<vmem>>) semaphore(%arg10 : memref<!tpu.dma_semaphore, #tpu.memory_space<semaphore_mem>>)
    %dma_wait3A_160 = arith.constant 2 : i32
    %dma_wait3A_161 = arith.constant 2 : i32
    %dma_wait3A_162 = arith.constant 0 : i32
    %dma_wait3A_163 = arith.constant 0 : i32
    %dma_wait3A_164 = tpu.memref_slice %arg6[%dma_wait3A_161, %dma_wait3A_162, %dma_wait3A_163] : memref<5x2x80xi32, #tpu.memory_space<vmem>> -> memref<1x2x80xi32, #tpu.memory_space<vmem>>
    %dma_wait3A_165 = tpu.memref_squeeze %dma_wait3A_164 : memref<1x2x80xi32, #tpu.memory_space<vmem>> -> memref<2x80xi32, #tpu.memory_space<vmem>>
    %dma_wait3A_166 = arith.constant 0 : i32
    %dma_wait3A_167 = arith.constant 0 : i32
    %dma_wait3A_168 = tpu.memref_slice %arg2[%arg0, %arg1, %dma_wait3A_160, %dma_wait3A_166, %dma_wait3A_167] : memref<2x16x250x2x80xi32, #tpu.memory_space<hbm>> -> memref<1x1x1x2x80xi32, #tpu.memory_space<hbm>>
    %dma_wait3A_169 = tpu.memref_squeeze %dma_wait3A_168 : memref<1x1x1x2x80xi32, #tpu.memory_space<hbm>> -> memref<2x80xi32, #tpu.memory_space<hbm>>
    %dma_wait3A_170 = arith.constant 0 : i32
    %dma_wait3A_171 = arith.constant 0 : i32
    %dma_wait3A_172 = tpu.memref_slice %arg6[%dma_wait3A_161, %dma_wait3A_170, %dma_wait3A_171] : memref<5x2x80xi32, #tpu.memory_space<vmem>> -> memref<1x2x80xi32, #tpu.memory_space<vmem>>
    %dma_wait3A_173 = tpu.memref_squeeze %dma_wait3A_172 : memref<1x2x80xi32, #tpu.memory_space<vmem>> -> memref<2x80xi32, #tpu.memory_space<vmem>>
    %dma_wait3A_174 = arith.constant 0 : i32
    %dma_wait3A_175 = arith.constant 0 : i32
    %dma_wait3A_176 = tpu.memref_slice %arg2[%arg0, %arg1, %dma_wait3A_160, %dma_wait3A_174, %dma_wait3A_175] : memref<2x16x250x2x80xi32, #tpu.memory_space<hbm>> -> memref<1x1x1x2x80xi32, #tpu.memory_space<hbm>>
    %dma_wait3A_177 = tpu.memref_squeeze %dma_wait3A_176 : memref<1x1x1x2x80xi32, #tpu.memory_space<hbm>> -> memref<2x80xi32, #tpu.memory_space<hbm>>
    tpu.wait_dma2 semaphore(%arg21 : memref<!tpu.dma_semaphore, #tpu.memory_space<semaphore_mem>>) src(%dma_wait3A_177 : memref<2x80xi32, #tpu.memory_space<hbm>>) dst(%dma_wait3A_173 : memref<2x80xi32, #tpu.memory_space<vmem>>)
    %dma_start3A_178 = arith.constant 2 : i32
    %dma_start3A_179 = arith.constant 0 : i32
    %dma_start3A_180 = arith.constant 2 : i32
    %dma_start3A_181 = arith.constant 0 : i32
    %dma_start3A_182 = arith.constant 0 : i32
    %dma_start3A_183 = tpu.memref_slice %arg7[%dma_start3A_180, %dma_start3A_181, %dma_start3A_182] : memref<5x80x64xf32, #tpu.memory_space<vmem>> -> memref<1x80x64xf32, #tpu.memory_space<vmem>>
    %dma_start3A_184 = tpu.memref_squeeze %dma_start3A_183 : memref<1x80x64xf32, #tpu.memory_space<vmem>> -> memref<80x64xf32, #tpu.memory_space<vmem>>
    %dma_start3A_185 = arith.constant 0 : i32
    %dma_start3A_186 = tpu.memref_slice %arg6[%dma_start3A_178, %dma_start3A_179, %dma_start3A_185] : memref<5x2x80xi32, #tpu.memory_space<vmem>> -> memref<1x1x80xi32, #tpu.memory_space<vmem>>
    %dma_start3A_187 = tpu.memref_squeeze %dma_start3A_186 : memref<1x1x80xi32, #tpu.memory_space<vmem>> -> memref<80xi32, #tpu.memory_space<vmem>>
    %dma_start3A_188 = arith.constant 0 : i32
    %dma_start3A_189 = arith.constant 0 : i32
    %dma_start3A_190 = tpu.memref_slice %arg3[%dma_start3A_188, %dma_start3A_189] : memref<20480x64xf32, #tpu.memory_space<hbm>> -> memref<20480x64xf32, #tpu.memory_space<hbm>>
    tpu.enqueue_indirect_dma source(%dma_start3A_190 : memref<20480x64xf32, #tpu.memory_space<hbm>>) target(%dma_start3A_184 : memref<80x64xf32, #tpu.memory_space<vmem>>) offsets(%dma_start3A_187 : memref<80xi32, #tpu.memory_space<vmem>>) semaphore(%arg11 : memref<!tpu.dma_semaphore, #tpu.memory_space<semaphore_mem>>)
    %dma_wait3A_191 = arith.constant 3 : i32
    %dma_wait3A_192 = arith.constant 3 : i32
    %dma_wait3A_193 = arith.constant 0 : i32
    %dma_wait3A_194 = arith.constant 0 : i32
    %dma_wait3A_195 = tpu.memref_slice %arg6[%dma_wait3A_192, %dma_wait3A_193, %dma_wait3A_194] : memref<5x2x80xi32, #tpu.memory_space<vmem>> -> memref<1x2x80xi32, #tpu.memory_space<vmem>>
    %dma_wait3A_196 = tpu.memref_squeeze %dma_wait3A_195 : memref<1x2x80xi32, #tpu.memory_space<vmem>> -> memref<2x80xi32, #tpu.memory_space<vmem>>
    %dma_wait3A_197 = arith.constant 0 : i32
    %dma_wait3A_198 = arith.constant 0 : i32
    %dma_wait3A_199 = tpu.memref_slice %arg2[%arg0, %arg1, %dma_wait3A_191, %dma_wait3A_197, %dma_wait3A_198] : memref<2x16x250x2x80xi32, #tpu.memory_space<hbm>> -> memref<1x1x1x2x80xi32, #tpu.memory_space<hbm>>
    %dma_wait3A_200 = tpu.memref_squeeze %dma_wait3A_199 : memref<1x1x1x2x80xi32, #tpu.memory_space<hbm>> -> memref<2x80xi32, #tpu.memory_space<hbm>>
    %dma_wait3A_201 = arith.constant 0 : i32
    %dma_wait3A_202 = arith.constant 0 : i32
    %dma_wait3A_203 = tpu.memref_slice %arg6[%dma_wait3A_192, %dma_wait3A_201, %dma_wait3A_202] : memref<5x2x80xi32, #tpu.memory_space<vmem>> -> memref<1x2x80xi32, #tpu.memory_space<vmem>>
    %dma_wait3A_204 = tpu.memref_squeeze %dma_wait3A_203 : memref<1x2x80xi32, #tpu.memory_space<vmem>> -> memref<2x80xi32, #tpu.memory_space<vmem>>
    %dma_wait3A_205 = arith.constant 0 : i32
    %dma_wait3A_206 = arith.constant 0 : i32
    %dma_wait3A_207 = tpu.memref_slice %arg2[%arg0, %arg1, %dma_wait3A_191, %dma_wait3A_205, %dma_wait3A_206] : memref<2x16x250x2x80xi32, #tpu.memory_space<hbm>> -> memref<1x1x1x2x80xi32, #tpu.memory_space<hbm>>
    %dma_wait3A_208 = tpu.memref_squeeze %dma_wait3A_207 : memref<1x1x1x2x80xi32, #tpu.memory_space<hbm>> -> memref<2x80xi32, #tpu.memory_space<hbm>>
    tpu.wait_dma2 semaphore(%arg22 : memref<!tpu.dma_semaphore, #tpu.memory_space<semaphore_mem>>) src(%dma_wait3A_208 : memref<2x80xi32, #tpu.memory_space<hbm>>) dst(%dma_wait3A_204 : memref<2x80xi32, #tpu.memory_space<vmem>>)
    %dma_start3A_209 = arith.constant 3 : i32
    %dma_start3A_210 = arith.constant 0 : i32
    %dma_start3A_211 = arith.constant 3 : i32
    %dma_start3A_212 = arith.constant 0 : i32
    %dma_start3A_213 = arith.constant 0 : i32
    %dma_start3A_214 = tpu.memref_slice %arg7[%dma_start3A_211, %dma_start3A_212, %dma_start3A_213] : memref<5x80x64xf32, #tpu.memory_space<vmem>> -> memref<1x80x64xf32, #tpu.memory_space<vmem>>
    %dma_start3A_215 = tpu.memref_squeeze %dma_start3A_214 : memref<1x80x64xf32, #tpu.memory_space<vmem>> -> memref<80x64xf32, #tpu.memory_space<vmem>>
    %dma_start3A_216 = arith.constant 0 : i32
    %dma_start3A_217 = tpu.memref_slice %arg6[%dma_start3A_209, %dma_start3A_210, %dma_start3A_216] : memref<5x2x80xi32, #tpu.memory_space<vmem>> -> memref<1x1x80xi32, #tpu.memory_space<vmem>>
    %dma_start3A_218 = tpu.memref_squeeze %dma_start3A_217 : memref<1x1x80xi32, #tpu.memory_space<vmem>> -> memref<80xi32, #tpu.memory_space<vmem>>
    %dma_start3A_219 = arith.constant 0 : i32
    %dma_start3A_220 = arith.constant 0 : i32
    %dma_start3A_221 = tpu.memref_slice %arg3[%dma_start3A_219, %dma_start3A_220] : memref<20480x64xf32, #tpu.memory_space<hbm>> -> memref<20480x64xf32, #tpu.memory_space<hbm>>
    tpu.enqueue_indirect_dma source(%dma_start3A_221 : memref<20480x64xf32, #tpu.memory_space<hbm>>) target(%dma_start3A_215 : memref<80x64xf32, #tpu.memory_space<vmem>>) offsets(%dma_start3A_218 : memref<80xi32, #tpu.memory_space<vmem>>) semaphore(%arg12 : memref<!tpu.dma_semaphore, #tpu.memory_space<semaphore_mem>>)
    %dma_wait3A_222 = arith.constant 4 : i32
    %dma_wait3A_223 = arith.constant 4 : i32
    %dma_wait3A_224 = arith.constant 0 : i32
    %dma_wait3A_225 = arith.constant 0 : i32
    %dma_wait3A_226 = tpu.memref_slice %arg6[%dma_wait3A_223, %dma_wait3A_224, %dma_wait3A_225] : memref<5x2x80xi32, #tpu.memory_space<vmem>> -> memref<1x2x80xi32, #tpu.memory_space<vmem>>
    %dma_wait3A_227 = tpu.memref_squeeze %dma_wait3A_226 : memref<1x2x80xi32, #tpu.memory_space<vmem>> -> memref<2x80xi32, #tpu.memory_space<vmem>>
    %dma_wait3A_228 = arith.constant 0 : i32
    %dma_wait3A_229 = arith.constant 0 : i32
    %dma_wait3A_230 = tpu.memref_slice %arg2[%arg0, %arg1, %dma_wait3A_222, %dma_wait3A_228, %dma_wait3A_229] : memref<2x16x250x2x80xi32, #tpu.memory_space<hbm>> -> memref<1x1x1x2x80xi32, #tpu.memory_space<hbm>>
    %dma_wait3A_231 = tpu.memref_squeeze %dma_wait3A_230 : memref<1x1x1x2x80xi32, #tpu.memory_space<hbm>> -> memref<2x80xi32, #tpu.memory_space<hbm>>
    %dma_wait3A_232 = arith.constant 0 : i32
    %dma_wait3A_233 = arith.constant 0 : i32
    %dma_wait3A_234 = tpu.memref_slice %arg6[%dma_wait3A_223, %dma_wait3A_232, %dma_wait3A_233] : memref<5x2x80xi32, #tpu.memory_space<vmem>> -> memref<1x2x80xi32, #tpu.memory_space<vmem>>
    %dma_wait3A_235 = tpu.memref_squeeze %dma_wait3A_234 : memref<1x2x80xi32, #tpu.memory_space<vmem>> -> memref<2x80xi32, #tpu.memory_space<vmem>>
    %dma_wait3A_236 = arith.constant 0 : i32
    %dma_wait3A_237 = arith.constant 0 : i32
    %dma_wait3A_238 = tpu.memref_slice %arg2[%arg0, %arg1, %dma_wait3A_222, %dma_wait3A_236, %dma_wait3A_237] : memref<2x16x250x2x80xi32, #tpu.memory_space<hbm>> -> memref<1x1x1x2x80xi32, #tpu.memory_space<hbm>>
    %dma_wait3A_239 = tpu.memref_squeeze %dma_wait3A_238 : memref<1x1x1x2x80xi32, #tpu.memory_space<hbm>> -> memref<2x80xi32, #tpu.memory_space<hbm>>
    tpu.wait_dma2 semaphore(%arg23 : memref<!tpu.dma_semaphore, #tpu.memory_space<semaphore_mem>>) src(%dma_wait3A_239 : memref<2x80xi32, #tpu.memory_space<hbm>>) dst(%dma_wait3A_235 : memref<2x80xi32, #tpu.memory_space<vmem>>)
    %dma_start3A_240 = arith.constant 4 : i32
    %dma_start3A_241 = arith.constant 0 : i32
    %dma_start3A_242 = arith.constant 4 : i32
    %dma_start3A_243 = arith.constant 0 : i32
    %dma_start3A_244 = arith.constant 0 : i32
    %dma_start3A_245 = tpu.memref_slice %arg7[%dma_start3A_242, %dma_start3A_243, %dma_start3A_244] : memref<5x80x64xf32, #tpu.memory_space<vmem>> -> memref<1x80x64xf32, #tpu.memory_space<vmem>>
    %dma_start3A_246 = tpu.memref_squeeze %dma_start3A_245 : memref<1x80x64xf32, #tpu.memory_space<vmem>> -> memref<80x64xf32, #tpu.memory_space<vmem>>
    %dma_start3A_247 = arith.constant 0 : i32
    %dma_start3A_248 = tpu.memref_slice %arg6[%dma_start3A_240, %dma_start3A_241, %dma_start3A_247] : memref<5x2x80xi32, #tpu.memory_space<vmem>> -> memref<1x1x80xi32, #tpu.memory_space<vmem>>
    %dma_start3A_249 = tpu.memref_squeeze %dma_start3A_248 : memref<1x1x80xi32, #tpu.memory_space<vmem>> -> memref<80xi32, #tpu.memory_space<vmem>>
    %dma_start3A_250 = arith.constant 0 : i32
    %dma_start3A_251 = arith.constant 0 : i32
    %dma_start3A_252 = tpu.memref_slice %arg3[%dma_start3A_250, %dma_start3A_251] : memref<20480x64xf32, #tpu.memory_space<hbm>> -> memref<20480x64xf32, #tpu.memory_space<hbm>>
    tpu.enqueue_indirect_dma source(%dma_start3A_252 : memref<20480x64xf32, #tpu.memory_space<hbm>>) target(%dma_start3A_246 : memref<80x64xf32, #tpu.memory_space<vmem>>) offsets(%dma_start3A_249 : memref<80xi32, #tpu.memory_space<vmem>>) semaphore(%arg13 : memref<!tpu.dma_semaphore, #tpu.memory_space<semaphore_mem>>)
    %scan3A = arith.constant 0 : i32
    %scan3A_253 = arith.constant 0 : i32
    %scan3A_254 = arith.constant 50 : i32
    %scan3A_255 = arith.addi %scan3A_253, %scan3A_254 : i32
    %scan3A_256 = arith.constant 1 : i32
    scf.for %scan3A_259 = %scan3A_253 to %scan3A_255 step %scan3A_256  : i32 {
      %mul3A_260 = arith.constant 5 : i32
      %mul3A_261 = arith.muli %scan3A_259, %mul3A_260 : i32
      %add3A_262 = arith.constant 0 : i32
      %add3A_263 = arith.addi %mul3A_261, %add3A_262 : i32
      %add3A_264 = arith.constant 5 : i32
      %add3A_265 = arith.addi %add3A_263, %add3A_264 : i32
      %dma_wait3A_266 = arith.constant 0 : i32
      %dma_wait3A_267 = arith.constant 0 : i32
      %dma_wait3A_268 = arith.constant 0 : i32
      %dma_wait3A_269 = arith.constant 0 : i32
      %dma_wait3A_270 = arith.constant 0 : i32
      %dma_wait3A_271 = tpu.memref_slice %arg7[%dma_wait3A_268, %dma_wait3A_269, %dma_wait3A_270] : memref<5x80x64xf32, #tpu.memory_space<vmem>> -> memref<1x80x64xf32, #tpu.memory_space<vmem>>
      %dma_wait3A_272 = tpu.memref_squeeze %dma_wait3A_271 : memref<1x80x64xf32, #tpu.memory_space<vmem>> -> memref<80x64xf32, #tpu.memory_space<vmem>>
      %dma_wait3A_273 = arith.constant 0 : i32
      %dma_wait3A_274 = tpu.memref_slice %arg6[%dma_wait3A_266, %dma_wait3A_267, %dma_wait3A_273] : memref<5x2x80xi32, #tpu.memory_space<vmem>> -> memref<1x1x80xi32, #tpu.memory_space<vmem>>
      %dma_wait3A_275 = tpu.memref_squeeze %dma_wait3A_274 : memref<1x1x80xi32, #tpu.memory_space<vmem>> -> memref<80xi32, #tpu.memory_space<vmem>>
      %dma_wait3A_276 = arith.constant 0 : i32
      %dma_wait3A_277 = arith.constant 0 : i32
      %dma_wait3A_278 = tpu.memref_slice %arg3[%dma_wait3A_276, %dma_wait3A_277] : memref<20480x64xf32, #tpu.memory_space<hbm>> -> memref<20480x64xf32, #tpu.memory_space<hbm>>
      tpu.wait_indirect_dma semaphore(%arg9 : memref<!tpu.dma_semaphore, #tpu.memory_space<semaphore_mem>>) src(%dma_wait3A_278 : memref<20480x64xf32, #tpu.memory_space<hbm>>) dst(%dma_wait3A_272 : memref<80x64xf32, #tpu.memory_space<vmem>>)
      %dma_start3A_279 = arith.constant 0 : i32
      %dma_start3A_280 = arith.constant 0 : i32
      %dma_start3A_281 = arith.constant 1 : i32
      %dma_start3A_282 = arith.constant 0 : i32
      %dma_start3A_283 = arith.constant 0 : i32
      %dma_start3A_284 = tpu.memref_slice %arg7[%dma_start3A_279, %dma_start3A_282, %dma_start3A_283] : memref<5x80x64xf32, #tpu.memory_space<vmem>> -> memref<1x80x64xf32, #tpu.memory_space<vmem>>
      %dma_start3A_285 = tpu.memref_squeeze %dma_start3A_284 : memref<1x80x64xf32, #tpu.memory_space<vmem>> -> memref<80x64xf32, #tpu.memory_space<vmem>>
      %dma_start3A_286 = arith.constant 0 : i32
      %dma_start3A_287 = tpu.memref_slice %arg6[%dma_start3A_280, %dma_start3A_281, %dma_start3A_286] : memref<5x2x80xi32, #tpu.memory_space<vmem>> -> memref<1x1x80xi32, #tpu.memory_space<vmem>>
      %dma_start3A_288 = tpu.memref_squeeze %dma_start3A_287 : memref<1x1x80xi32, #tpu.memory_space<vmem>> -> memref<80xi32, #tpu.memory_space<vmem>>
      %dma_start3A_289 = arith.constant 0 : i32
      %dma_start3A_290 = arith.constant 0 : i32
      %dma_start3A_291 = tpu.memref_slice %arg8[%dma_start3A_289, %dma_start3A_290] : memref<10240x64xf32, #tpu.memory_space<vmem_shared>> -> memref<10240x64xf32, #tpu.memory_space<vmem_shared>>
      tpu.enqueue_indirect_dma source(%dma_start3A_285 : memref<80x64xf32, #tpu.memory_space<vmem>>) target(%dma_start3A_291 : memref<10240x64xf32, #tpu.memory_space<vmem_shared>>) offsets(%dma_start3A_288 : memref<80xi32, #tpu.memory_space<vmem>>) semaphore(%arg14 : memref<!tpu.dma_semaphore, #tpu.memory_space<semaphore_mem>>) {add = true}
      %lt3A = arith.constant 250 : i32
      %lt3A_292 = arith.cmpi slt, %add3A_265, %lt3A : i32
      %convert_element_type3A = arith.extui %lt3A_292 : i1 to i32
      %cond3A = arith.constant 0 : i32
      %cond3A_293 = arith.cmpi ne, %convert_element_type3A, %cond3A : i32
      scf.if %cond3A_293 {
        %dma_start3A_562 = arith.constant 0 : i32
        %dma_start3A_563 = arith.constant 0 : i32
        %dma_start3A_564 = arith.constant 0 : i32
        %dma_start3A_565 = tpu.memref_slice %arg6[%dma_start3A_562, %dma_start3A_563, %dma_start3A_564] : memref<5x2x80xi32, #tpu.memory_space<vmem>> -> memref<1x2x80xi32, #tpu.memory_space<vmem>>
        %dma_start3A_566 = tpu.memref_squeeze %dma_start3A_565 : memref<1x2x80xi32, #tpu.memory_space<vmem>> -> memref<2x80xi32, #tpu.memory_space<vmem>>
        %dma_start3A_567 = arith.constant 0 : i32
        %dma_start3A_568 = arith.constant 0 : i32
        %dma_start3A_569 = tpu.memref_slice %arg2[%arg0, %arg1, %add3A_265, %dma_start3A_567, %dma_start3A_568] : memref<2x16x250x2x80xi32, #tpu.memory_space<hbm>> -> memref<1x1x1x2x80xi32, #tpu.memory_space<hbm>>
        %dma_start3A_570 = tpu.memref_squeeze %dma_start3A_569 : memref<1x1x1x2x80xi32, #tpu.memory_space<hbm>> -> memref<2x80xi32, #tpu.memory_space<hbm>>
        %dma_start3A_571 = arith.constant 0 : i32
        %dma_start3A_572 = arith.constant 0 : i32
        %dma_start3A_573 = tpu.memref_slice %arg6[%dma_start3A_562, %dma_start3A_571, %dma_start3A_572] : memref<5x2x80xi32, #tpu.memory_space<vmem>> -> memref<1x2x80xi32, #tpu.memory_space<vmem>>
        %dma_start3A_574 = tpu.memref_squeeze %dma_start3A_573 : memref<1x2x80xi32, #tpu.memory_space<vmem>> -> memref<2x80xi32, #tpu.memory_space<vmem>>
        %dma_start3A_575 = arith.constant 0 : i32
        %dma_start3A_576 = arith.constant 0 : i32
        %dma_start3A_577 = tpu.memref_slice %arg2[%arg0, %arg1, %add3A_265, %dma_start3A_575, %dma_start3A_576] : memref<2x16x250x2x80xi32, #tpu.memory_space<hbm>> -> memref<1x1x1x2x80xi32, #tpu.memory_space<hbm>>
        %dma_start3A_578 = tpu.memref_squeeze %dma_start3A_577 : memref<1x1x1x2x80xi32, #tpu.memory_space<hbm>> -> memref<2x80xi32, #tpu.memory_space<hbm>>
        tpu.enqueue_dma source(%dma_start3A_578 : memref<2x80xi32, #tpu.memory_space<hbm>>) target(%dma_start3A_574 : memref<2x80xi32, #tpu.memory_space<vmem>>) target_semaphore(%arg19 : memref<!tpu.dma_semaphore, #tpu.memory_space<semaphore_mem>>)
      } else {
      }
      %mul3A_294 = arith.constant 5 : i32
      %mul3A_295 = arith.muli %scan3A_259, %mul3A_294 : i32
      %add3A_296 = arith.constant 1 : i32
      %add3A_297 = arith.addi %mul3A_295, %add3A_296 : i32
      %add3A_298 = arith.constant 5 : i32
      %add3A_299 = arith.addi %add3A_297, %add3A_298 : i32
      %dma_wait3A_300 = arith.constant 1 : i32
      %dma_wait3A_301 = arith.constant 0 : i32
      %dma_wait3A_302 = arith.constant 1 : i32
      %dma_wait3A_303 = arith.constant 0 : i32
      %dma_wait3A_304 = arith.constant 0 : i32
      %dma_wait3A_305 = tpu.memref_slice %arg7[%dma_wait3A_302, %dma_wait3A_303, %dma_wait3A_304] : memref<5x80x64xf32, #tpu.memory_space<vmem>> -> memref<1x80x64xf32, #tpu.memory_space<vmem>>
      %dma_wait3A_306 = tpu.memref_squeeze %dma_wait3A_305 : memref<1x80x64xf32, #tpu.memory_space<vmem>> -> memref<80x64xf32, #tpu.memory_space<vmem>>
      %dma_wait3A_307 = arith.constant 0 : i32
      %dma_wait3A_308 = tpu.memref_slice %arg6[%dma_wait3A_300, %dma_wait3A_301, %dma_wait3A_307] : memref<5x2x80xi32, #tpu.memory_space<vmem>> -> memref<1x1x80xi32, #tpu.memory_space<vmem>>
      %dma_wait3A_309 = tpu.memref_squeeze %dma_wait3A_308 : memref<1x1x80xi32, #tpu.memory_space<vmem>> -> memref<80xi32, #tpu.memory_space<vmem>>
      %dma_wait3A_310 = arith.constant 0 : i32
      %dma_wait3A_311 = arith.constant 0 : i32
      %dma_wait3A_312 = tpu.memref_slice %arg3[%dma_wait3A_310, %dma_wait3A_311] : memref<20480x64xf32, #tpu.memory_space<hbm>> -> memref<20480x64xf32, #tpu.memory_space<hbm>>
      tpu.wait_indirect_dma semaphore(%arg10 : memref<!tpu.dma_semaphore, #tpu.memory_space<semaphore_mem>>) src(%dma_wait3A_312 : memref<20480x64xf32, #tpu.memory_space<hbm>>) dst(%dma_wait3A_306 : memref<80x64xf32, #tpu.memory_space<vmem>>)
      %dma_start3A_313 = arith.constant 1 : i32
      %dma_start3A_314 = arith.constant 1 : i32
      %dma_start3A_315 = arith.constant 1 : i32
      %dma_start3A_316 = arith.constant 0 : i32
      %dma_start3A_317 = arith.constant 0 : i32
      %dma_start3A_318 = tpu.memref_slice %arg7[%dma_start3A_313, %dma_start3A_316, %dma_start3A_317] : memref<5x80x64xf32, #tpu.memory_space<vmem>> -> memref<1x80x64xf32, #tpu.memory_space<vmem>>
      %dma_start3A_319 = tpu.memref_squeeze %dma_start3A_318 : memref<1x80x64xf32, #tpu.memory_space<vmem>> -> memref<80x64xf32, #tpu.memory_space<vmem>>
      %dma_start3A_320 = arith.constant 0 : i32
      %dma_start3A_321 = tpu.memref_slice %arg6[%dma_start3A_314, %dma_start3A_315, %dma_start3A_320] : memref<5x2x80xi32, #tpu.memory_space<vmem>> -> memref<1x1x80xi32, #tpu.memory_space<vmem>>
      %dma_start3A_322 = tpu.memref_squeeze %dma_start3A_321 : memref<1x1x80xi32, #tpu.memory_space<vmem>> -> memref<80xi32, #tpu.memory_space<vmem>>
      %dma_start3A_323 = arith.constant 0 : i32
      %dma_start3A_324 = arith.constant 0 : i32
      %dma_start3A_325 = tpu.memref_slice %arg8[%dma_start3A_323, %dma_start3A_324] : memref<10240x64xf32, #tpu.memory_space<vmem_shared>> -> memref<10240x64xf32, #tpu.memory_space<vmem_shared>>
      tpu.enqueue_indirect_dma source(%dma_start3A_319 : memref<80x64xf32, #tpu.memory_space<vmem>>) target(%dma_start3A_325 : memref<10240x64xf32, #tpu.memory_space<vmem_shared>>) offsets(%dma_start3A_322 : memref<80xi32, #tpu.memory_space<vmem>>) semaphore(%arg15 : memref<!tpu.dma_semaphore, #tpu.memory_space<semaphore_mem>>) {add = true}
      %lt3A_326 = arith.constant 250 : i32
      %lt3A_327 = arith.cmpi slt, %add3A_299, %lt3A_326 : i32
      %convert_element_type3A_328 = arith.extui %lt3A_327 : i1 to i32
      %cond3A_329 = arith.constant 0 : i32
      %cond3A_330 = arith.cmpi ne, %convert_element_type3A_328, %cond3A_329 : i32
      scf.if %cond3A_330 {
        %dma_start3A_562 = arith.constant 1 : i32
        %dma_start3A_563 = arith.constant 0 : i32
        %dma_start3A_564 = arith.constant 0 : i32
        %dma_start3A_565 = tpu.memref_slice %arg6[%dma_start3A_562, %dma_start3A_563, %dma_start3A_564] : memref<5x2x80xi32, #tpu.memory_space<vmem>> -> memref<1x2x80xi32, #tpu.memory_space<vmem>>
        %dma_start3A_566 = tpu.memref_squeeze %dma_start3A_565 : memref<1x2x80xi32, #tpu.memory_space<vmem>> -> memref<2x80xi32, #tpu.memory_space<vmem>>
        %dma_start3A_567 = arith.constant 0 : i32
        %dma_start3A_568 = arith.constant 0 : i32
        %dma_start3A_569 = tpu.memref_slice %arg2[%arg0, %arg1, %add3A_299, %dma_start3A_567, %dma_start3A_568] : memref<2x16x250x2x80xi32, #tpu.memory_space<hbm>> -> memref<1x1x1x2x80xi32, #tpu.memory_space<hbm>>
        %dma_start3A_570 = tpu.memref_squeeze %dma_start3A_569 : memref<1x1x1x2x80xi32, #tpu.memory_space<hbm>> -> memref<2x80xi32, #tpu.memory_space<hbm>>
        %dma_start3A_571 = arith.constant 0 : i32
        %dma_start3A_572 = arith.constant 0 : i32
        %dma_start3A_573 = tpu.memref_slice %arg6[%dma_start3A_562, %dma_start3A_571, %dma_start3A_572] : memref<5x2x80xi32, #tpu.memory_space<vmem>> -> memref<1x2x80xi32, #tpu.memory_space<vmem>>
        %dma_start3A_574 = tpu.memref_squeeze %dma_start3A_573 : memref<1x2x80xi32, #tpu.memory_space<vmem>> -> memref<2x80xi32, #tpu.memory_space<vmem>>
        %dma_start3A_575 = arith.constant 0 : i32
        %dma_start3A_576 = arith.constant 0 : i32
        %dma_start3A_577 = tpu.memref_slice %arg2[%arg0, %arg1, %add3A_299, %dma_start3A_575, %dma_start3A_576] : memref<2x16x250x2x80xi32, #tpu.memory_space<hbm>> -> memref<1x1x1x2x80xi32, #tpu.memory_space<hbm>>
        %dma_start3A_578 = tpu.memref_squeeze %dma_start3A_577 : memref<1x1x1x2x80xi32, #tpu.memory_space<hbm>> -> memref<2x80xi32, #tpu.memory_space<hbm>>
        tpu.enqueue_dma source(%dma_start3A_578 : memref<2x80xi32, #tpu.memory_space<hbm>>) target(%dma_start3A_574 : memref<2x80xi32, #tpu.memory_space<vmem>>) target_semaphore(%arg20 : memref<!tpu.dma_semaphore, #tpu.memory_space<semaphore_mem>>)
      } else {
      }
      %mul3A_331 = arith.constant 5 : i32
      %mul3A_332 = arith.muli %scan3A_259, %mul3A_331 : i32
      %add3A_333 = arith.constant 2 : i32
      %add3A_334 = arith.addi %mul3A_332, %add3A_333 : i32
      %add3A_335 = arith.constant 5 : i32
      %add3A_336 = arith.addi %add3A_334, %add3A_335 : i32
      %dma_wait3A_337 = arith.constant 2 : i32
      %dma_wait3A_338 = arith.constant 0 : i32
      %dma_wait3A_339 = arith.constant 2 : i32
      %dma_wait3A_340 = arith.constant 0 : i32
      %dma_wait3A_341 = arith.constant 0 : i32
      %dma_wait3A_342 = tpu.memref_slice %arg7[%dma_wait3A_339, %dma_wait3A_340, %dma_wait3A_341] : memref<5x80x64xf32, #tpu.memory_space<vmem>> -> memref<1x80x64xf32, #tpu.memory_space<vmem>>
      %dma_wait3A_343 = tpu.memref_squeeze %dma_wait3A_342 : memref<1x80x64xf32, #tpu.memory_space<vmem>> -> memref<80x64xf32, #tpu.memory_space<vmem>>
      %dma_wait3A_344 = arith.constant 0 : i32
      %dma_wait3A_345 = tpu.memref_slice %arg6[%dma_wait3A_337, %dma_wait3A_338, %dma_wait3A_344] : memref<5x2x80xi32, #tpu.memory_space<vmem>> -> memref<1x1x80xi32, #tpu.memory_space<vmem>>
      %dma_wait3A_346 = tpu.memref_squeeze %dma_wait3A_345 : memref<1x1x80xi32, #tpu.memory_space<vmem>> -> memref<80xi32, #tpu.memory_space<vmem>>
      %dma_wait3A_347 = arith.constant 0 : i32
      %dma_wait3A_348 = arith.constant 0 : i32
      %dma_wait3A_349 = tpu.memref_slice %arg3[%dma_wait3A_347, %dma_wait3A_348] : memref<20480x64xf32, #tpu.memory_space<hbm>> -> memref<20480x64xf32, #tpu.memory_space<hbm>>
      tpu.wait_indirect_dma semaphore(%arg11 : memref<!tpu.dma_semaphore, #tpu.memory_space<semaphore_mem>>) src(%dma_wait3A_349 : memref<20480x64xf32, #tpu.memory_space<hbm>>) dst(%dma_wait3A_343 : memref<80x64xf32, #tpu.memory_space<vmem>>)
      %dma_start3A_350 = arith.constant 2 : i32
      %dma_start3A_351 = arith.constant 2 : i32
      %dma_start3A_352 = arith.constant 1 : i32
      %dma_start3A_353 = arith.constant 0 : i32
      %dma_start3A_354 = arith.constant 0 : i32
      %dma_start3A_355 = tpu.memref_slice %arg7[%dma_start3A_350, %dma_start3A_353, %dma_start3A_354] : memref<5x80x64xf32, #tpu.memory_space<vmem>> -> memref<1x80x64xf32, #tpu.memory_space<vmem>>
      %dma_start3A_356 = tpu.memref_squeeze %dma_start3A_355 : memref<1x80x64xf32, #tpu.memory_space<vmem>> -> memref<80x64xf32, #tpu.memory_space<vmem>>
      %dma_start3A_357 = arith.constant 0 : i32
      %dma_start3A_358 = tpu.memref_slice %arg6[%dma_start3A_351, %dma_start3A_352, %dma_start3A_357] : memref<5x2x80xi32, #tpu.memory_space<vmem>> -> memref<1x1x80xi32, #tpu.memory_space<vmem>>
      %dma_start3A_359 = tpu.memref_squeeze %dma_start3A_358 : memref<1x1x80xi32, #tpu.memory_space<vmem>> -> memref<80xi32, #tpu.memory_space<vmem>>
      %dma_start3A_360 = arith.constant 0 : i32
      %dma_start3A_361 = arith.constant 0 : i32
      %dma_start3A_362 = tpu.memref_slice %arg8[%dma_start3A_360, %dma_start3A_361] : memref<10240x64xf32, #tpu.memory_space<vmem_shared>> -> memref<10240x64xf32, #tpu.memory_space<vmem_shared>>
      tpu.enqueue_indirect_dma source(%dma_start3A_356 : memref<80x64xf32, #tpu.memory_space<vmem>>) target(%dma_start3A_362 : memref<10240x64xf32, #tpu.memory_space<vmem_shared>>) offsets(%dma_start3A_359 : memref<80xi32, #tpu.memory_space<vmem>>) semaphore(%arg16 : memref<!tpu.dma_semaphore, #tpu.memory_space<semaphore_mem>>) {add = true}
      %lt3A_363 = arith.constant 250 : i32
      %lt3A_364 = arith.cmpi slt, %add3A_336, %lt3A_363 : i32
      %convert_element_type3A_365 = arith.extui %lt3A_364 : i1 to i32
      %cond3A_366 = arith.constant 0 : i32
      %cond3A_367 = arith.cmpi ne, %convert_element_type3A_365, %cond3A_366 : i32
      scf.if %cond3A_367 {
        %dma_start3A_562 = arith.constant 2 : i32
        %dma_start3A_563 = arith.constant 0 : i32
        %dma_start3A_564 = arith.constant 0 : i32
        %dma_start3A_565 = tpu.memref_slice %arg6[%dma_start3A_562, %dma_start3A_563, %dma_start3A_564] : memref<5x2x80xi32, #tpu.memory_space<vmem>> -> memref<1x2x80xi32, #tpu.memory_space<vmem>>
        %dma_start3A_566 = tpu.memref_squeeze %dma_start3A_565 : memref<1x2x80xi32, #tpu.memory_space<vmem>> -> memref<2x80xi32, #tpu.memory_space<vmem>>
        %dma_start3A_567 = arith.constant 0 : i32
        %dma_start3A_568 = arith.constant 0 : i32
        %dma_start3A_569 = tpu.memref_slice %arg2[%arg0, %arg1, %add3A_336, %dma_start3A_567, %dma_start3A_568] : memref<2x16x250x2x80xi32, #tpu.memory_space<hbm>> -> memref<1x1x1x2x80xi32, #tpu.memory_space<hbm>>
        %dma_start3A_570 = tpu.memref_squeeze %dma_start3A_569 : memref<1x1x1x2x80xi32, #tpu.memory_space<hbm>> -> memref<2x80xi32, #tpu.memory_space<hbm>>
        %dma_start3A_571 = arith.constant 0 : i32
        %dma_start3A_572 = arith.constant 0 : i32
        %dma_start3A_573 = tpu.memref_slice %arg6[%dma_start3A_562, %dma_start3A_571, %dma_start3A_572] : memref<5x2x80xi32, #tpu.memory_space<vmem>> -> memref<1x2x80xi32, #tpu.memory_space<vmem>>
        %dma_start3A_574 = tpu.memref_squeeze %dma_start3A_573 : memref<1x2x80xi32, #tpu.memory_space<vmem>> -> memref<2x80xi32, #tpu.memory_space<vmem>>
        %dma_start3A_575 = arith.constant 0 : i32
        %dma_start3A_576 = arith.constant 0 : i32
        %dma_start3A_577 = tpu.memref_slice %arg2[%arg0, %arg1, %add3A_336, %dma_start3A_575, %dma_start3A_576] : memref<2x16x250x2x80xi32, #tpu.memory_space<hbm>> -> memref<1x1x1x2x80xi32, #tpu.memory_space<hbm>>
        %dma_start3A_578 = tpu.memref_squeeze %dma_start3A_577 : memref<1x1x1x2x80xi32, #tpu.memory_space<hbm>> -> memref<2x80xi32, #tpu.memory_space<hbm>>
        tpu.enqueue_dma source(%dma_start3A_578 : memref<2x80xi32, #tpu.memory_space<hbm>>) target(%dma_start3A_574 : memref<2x80xi32, #tpu.memory_space<vmem>>) target_semaphore(%arg21 : memref<!tpu.dma_semaphore, #tpu.memory_space<semaphore_mem>>)
      } else {
      }
      %mul3A_368 = arith.constant 5 : i32
      %mul3A_369 = arith.muli %scan3A_259, %mul3A_368 : i32
      %add3A_370 = arith.constant 3 : i32
      %add3A_371 = arith.addi %mul3A_369, %add3A_370 : i32
      %add3A_372 = arith.constant 5 : i32
      %add3A_373 = arith.addi %add3A_371, %add3A_372 : i32
      %dma_wait3A_374 = arith.constant 3 : i32
      %dma_wait3A_375 = arith.constant 0 : i32
      %dma_wait3A_376 = arith.constant 3 : i32
      %dma_wait3A_377 = arith.constant 0 : i32
      %dma_wait3A_378 = arith.constant 0 : i32
      %dma_wait3A_379 = tpu.memref_slice %arg7[%dma_wait3A_376, %dma_wait3A_377, %dma_wait3A_378] : memref<5x80x64xf32, #tpu.memory_space<vmem>> -> memref<1x80x64xf32, #tpu.memory_space<vmem>>
      %dma_wait3A_380 = tpu.memref_squeeze %dma_wait3A_379 : memref<1x80x64xf32, #tpu.memory_space<vmem>> -> memref<80x64xf32, #tpu.memory_space<vmem>>
      %dma_wait3A_381 = arith.constant 0 : i32
      %dma_wait3A_382 = tpu.memref_slice %arg6[%dma_wait3A_374, %dma_wait3A_375, %dma_wait3A_381] : memref<5x2x80xi32, #tpu.memory_space<vmem>> -> memref<1x1x80xi32, #tpu.memory_space<vmem>>
      %dma_wait3A_383 = tpu.memref_squeeze %dma_wait3A_382 : memref<1x1x80xi32, #tpu.memory_space<vmem>> -> memref<80xi32, #tpu.memory_space<vmem>>
      %dma_wait3A_384 = arith.constant 0 : i32
      %dma_wait3A_385 = arith.constant 0 : i32
      %dma_wait3A_386 = tpu.memref_slice %arg3[%dma_wait3A_384, %dma_wait3A_385] : memref<20480x64xf32, #tpu.memory_space<hbm>> -> memref<20480x64xf32, #tpu.memory_space<hbm>>
      tpu.wait_indirect_dma semaphore(%arg12 : memref<!tpu.dma_semaphore, #tpu.memory_space<semaphore_mem>>) src(%dma_wait3A_386 : memref<20480x64xf32, #tpu.memory_space<hbm>>) dst(%dma_wait3A_380 : memref<80x64xf32, #tpu.memory_space<vmem>>)
      %dma_start3A_387 = arith.constant 3 : i32
      %dma_start3A_388 = arith.constant 3 : i32
      %dma_start3A_389 = arith.constant 1 : i32
      %dma_start3A_390 = arith.constant 0 : i32
      %dma_start3A_391 = arith.constant 0 : i32
      %dma_start3A_392 = tpu.memref_slice %arg7[%dma_start3A_387, %dma_start3A_390, %dma_start3A_391] : memref<5x80x64xf32, #tpu.memory_space<vmem>> -> memref<1x80x64xf32, #tpu.memory_space<vmem>>
      %dma_start3A_393 = tpu.memref_squeeze %dma_start3A_392 : memref<1x80x64xf32, #tpu.memory_space<vmem>> -> memref<80x64xf32, #tpu.memory_space<vmem>>
      %dma_start3A_394 = arith.constant 0 : i32
      %dma_start3A_395 = tpu.memref_slice %arg6[%dma_start3A_388, %dma_start3A_389, %dma_start3A_394] : memref<5x2x80xi32, #tpu.memory_space<vmem>> -> memref<1x1x80xi32, #tpu.memory_space<vmem>>
      %dma_start3A_396 = tpu.memref_squeeze %dma_start3A_395 : memref<1x1x80xi32, #tpu.memory_space<vmem>> -> memref<80xi32, #tpu.memory_space<vmem>>
      %dma_start3A_397 = arith.constant 0 : i32
      %dma_start3A_398 = arith.constant 0 : i32
      %dma_start3A_399 = tpu.memref_slice %arg8[%dma_start3A_397, %dma_start3A_398] : memref<10240x64xf32, #tpu.memory_space<vmem_shared>> -> memref<10240x64xf32, #tpu.memory_space<vmem_shared>>
      tpu.enqueue_indirect_dma source(%dma_start3A_393 : memref<80x64xf32, #tpu.memory_space<vmem>>) target(%dma_start3A_399 : memref<10240x64xf32, #tpu.memory_space<vmem_shared>>) offsets(%dma_start3A_396 : memref<80xi32, #tpu.memory_space<vmem>>) semaphore(%arg17 : memref<!tpu.dma_semaphore, #tpu.memory_space<semaphore_mem>>) {add = true}
      %lt3A_400 = arith.constant 250 : i32
      %lt3A_401 = arith.cmpi slt, %add3A_373, %lt3A_400 : i32
      %convert_element_type3A_402 = arith.extui %lt3A_401 : i1 to i32
      %cond3A_403 = arith.constant 0 : i32
      %cond3A_404 = arith.cmpi ne, %convert_element_type3A_402, %cond3A_403 : i32
      scf.if %cond3A_404 {
        %dma_start3A_562 = arith.constant 3 : i32
        %dma_start3A_563 = arith.constant 0 : i32
        %dma_start3A_564 = arith.constant 0 : i32
        %dma_start3A_565 = tpu.memref_slice %arg6[%dma_start3A_562, %dma_start3A_563, %dma_start3A_564] : memref<5x2x80xi32, #tpu.memory_space<vmem>> -> memref<1x2x80xi32, #tpu.memory_space<vmem>>
        %dma_start3A_566 = tpu.memref_squeeze %dma_start3A_565 : memref<1x2x80xi32, #tpu.memory_space<vmem>> -> memref<2x80xi32, #tpu.memory_space<vmem>>
        %dma_start3A_567 = arith.constant 0 : i32
        %dma_start3A_568 = arith.constant 0 : i32
        %dma_start3A_569 = tpu.memref_slice %arg2[%arg0, %arg1, %add3A_373, %dma_start3A_567, %dma_start3A_568] : memref<2x16x250x2x80xi32, #tpu.memory_space<hbm>> -> memref<1x1x1x2x80xi32, #tpu.memory_space<hbm>>
        %dma_start3A_570 = tpu.memref_squeeze %dma_start3A_569 : memref<1x1x1x2x80xi32, #tpu.memory_space<hbm>> -> memref<2x80xi32, #tpu.memory_space<hbm>>
        %dma_start3A_571 = arith.constant 0 : i32
        %dma_start3A_572 = arith.constant 0 : i32
        %dma_start3A_573 = tpu.memref_slice %arg6[%dma_start3A_562, %dma_start3A_571, %dma_start3A_572] : memref<5x2x80xi32, #tpu.memory_space<vmem>> -> memref<1x2x80xi32, #tpu.memory_space<vmem>>
        %dma_start3A_574 = tpu.memref_squeeze %dma_start3A_573 : memref<1x2x80xi32, #tpu.memory_space<vmem>> -> memref<2x80xi32, #tpu.memory_space<vmem>>
        %dma_start3A_575 = arith.constant 0 : i32
        %dma_start3A_576 = arith.constant 0 : i32
        %dma_start3A_577 = tpu.memref_slice %arg2[%arg0, %arg1, %add3A_373, %dma_start3A_575, %dma_start3A_576] : memref<2x16x250x2x80xi32, #tpu.memory_space<hbm>> -> memref<1x1x1x2x80xi32, #tpu.memory_space<hbm>>
        %dma_start3A_578 = tpu.memref_squeeze %dma_start3A_577 : memref<1x1x1x2x80xi32, #tpu.memory_space<hbm>> -> memref<2x80xi32, #tpu.memory_space<hbm>>
        tpu.enqueue_dma source(%dma_start3A_578 : memref<2x80xi32, #tpu.memory_space<hbm>>) target(%dma_start3A_574 : memref<2x80xi32, #tpu.memory_space<vmem>>) target_semaphore(%arg22 : memref<!tpu.dma_semaphore, #tpu.memory_space<semaphore_mem>>)
      } else {
      }
      %mul3A_405 = arith.constant 5 : i32
      %mul3A_406 = arith.muli %scan3A_259, %mul3A_405 : i32
      %add3A_407 = arith.constant 4 : i32
      %add3A_408 = arith.addi %mul3A_406, %add3A_407 : i32
      %add3A_409 = arith.constant 5 : i32
      %add3A_410 = arith.addi %add3A_408, %add3A_409 : i32
      %dma_wait3A_411 = arith.constant 4 : i32
      %dma_wait3A_412 = arith.constant 0 : i32
      %dma_wait3A_413 = arith.constant 4 : i32
      %dma_wait3A_414 = arith.constant 0 : i32
      %dma_wait3A_415 = arith.constant 0 : i32
      %dma_wait3A_416 = tpu.memref_slice %arg7[%dma_wait3A_413, %dma_wait3A_414, %dma_wait3A_415] : memref<5x80x64xf32, #tpu.memory_space<vmem>> -> memref<1x80x64xf32, #tpu.memory_space<vmem>>
      %dma_wait3A_417 = tpu.memref_squeeze %dma_wait3A_416 : memref<1x80x64xf32, #tpu.memory_space<vmem>> -> memref<80x64xf32, #tpu.memory_space<vmem>>
      %dma_wait3A_418 = arith.constant 0 : i32
      %dma_wait3A_419 = tpu.memref_slice %arg6[%dma_wait3A_411, %dma_wait3A_412, %dma_wait3A_418] : memref<5x2x80xi32, #tpu.memory_space<vmem>> -> memref<1x1x80xi32, #tpu.memory_space<vmem>>
      %dma_wait3A_420 = tpu.memref_squeeze %dma_wait3A_419 : memref<1x1x80xi32, #tpu.memory_space<vmem>> -> memref<80xi32, #tpu.memory_space<vmem>>
      %dma_wait3A_421 = arith.constant 0 : i32
      %dma_wait3A_422 = arith.constant 0 : i32
      %dma_wait3A_423 = tpu.memref_slice %arg3[%dma_wait3A_421, %dma_wait3A_422] : memref<20480x64xf32, #tpu.memory_space<hbm>> -> memref<20480x64xf32, #tpu.memory_space<hbm>>
      tpu.wait_indirect_dma semaphore(%arg13 : memref<!tpu.dma_semaphore, #tpu.memory_space<semaphore_mem>>) src(%dma_wait3A_423 : memref<20480x64xf32, #tpu.memory_space<hbm>>) dst(%dma_wait3A_417 : memref<80x64xf32, #tpu.memory_space<vmem>>)
      %dma_start3A_424 = arith.constant 4 : i32
      %dma_start3A_425 = arith.constant 4 : i32
      %dma_start3A_426 = arith.constant 1 : i32
      %dma_start3A_427 = arith.constant 0 : i32
      %dma_start3A_428 = arith.constant 0 : i32
      %dma_start3A_429 = tpu.memref_slice %arg7[%dma_start3A_424, %dma_start3A_427, %dma_start3A_428] : memref<5x80x64xf32, #tpu.memory_space<vmem>> -> memref<1x80x64xf32, #tpu.memory_space<vmem>>
      %dma_start3A_430 = tpu.memref_squeeze %dma_start3A_429 : memref<1x80x64xf32, #tpu.memory_space<vmem>> -> memref<80x64xf32, #tpu.memory_space<vmem>>
      %dma_start3A_431 = arith.constant 0 : i32
      %dma_start3A_432 = tpu.memref_slice %arg6[%dma_start3A_425, %dma_start3A_426, %dma_start3A_431] : memref<5x2x80xi32, #tpu.memory_space<vmem>> -> memref<1x1x80xi32, #tpu.memory_space<vmem>>
      %dma_start3A_433 = tpu.memref_squeeze %dma_start3A_432 : memref<1x1x80xi32, #tpu.memory_space<vmem>> -> memref<80xi32, #tpu.memory_space<vmem>>
      %dma_start3A_434 = arith.constant 0 : i32
      %dma_start3A_435 = arith.constant 0 : i32
      %dma_start3A_436 = tpu.memref_slice %arg8[%dma_start3A_434, %dma_start3A_435] : memref<10240x64xf32, #tpu.memory_space<vmem_shared>> -> memref<10240x64xf32, #tpu.memory_space<vmem_shared>>
      tpu.enqueue_indirect_dma source(%dma_start3A_430 : memref<80x64xf32, #tpu.memory_space<vmem>>) target(%dma_start3A_436 : memref<10240x64xf32, #tpu.memory_space<vmem_shared>>) offsets(%dma_start3A_433 : memref<80xi32, #tpu.memory_space<vmem>>) semaphore(%arg18 : memref<!tpu.dma_semaphore, #tpu.memory_space<semaphore_mem>>) {add = true}
      %lt3A_437 = arith.constant 250 : i32
      %lt3A_438 = arith.cmpi slt, %add3A_410, %lt3A_437 : i32
      %convert_element_type3A_439 = arith.extui %lt3A_438 : i1 to i32
      %cond3A_440 = arith.constant 0 : i32
      %cond3A_441 = arith.cmpi ne, %convert_element_type3A_439, %cond3A_440 : i32
      scf.if %cond3A_441 {
        %dma_start3A_562 = arith.constant 4 : i32
        %dma_start3A_563 = arith.constant 0 : i32
        %dma_start3A_564 = arith.constant 0 : i32
        %dma_start3A_565 = tpu.memref_slice %arg6[%dma_start3A_562, %dma_start3A_563, %dma_start3A_564] : memref<5x2x80xi32, #tpu.memory_space<vmem>> -> memref<1x2x80xi32, #tpu.memory_space<vmem>>
        %dma_start3A_566 = tpu.memref_squeeze %dma_start3A_565 : memref<1x2x80xi32, #tpu.memory_space<vmem>> -> memref<2x80xi32, #tpu.memory_space<vmem>>
        %dma_start3A_567 = arith.constant 0 : i32
        %dma_start3A_568 = arith.constant 0 : i32
        %dma_start3A_569 = tpu.memref_slice %arg2[%arg0, %arg1, %add3A_410, %dma_start3A_567, %dma_start3A_568] : memref<2x16x250x2x80xi32, #tpu.memory_space<hbm>> -> memref<1x1x1x2x80xi32, #tpu.memory_space<hbm>>
        %dma_start3A_570 = tpu.memref_squeeze %dma_start3A_569 : memref<1x1x1x2x80xi32, #tpu.memory_space<hbm>> -> memref<2x80xi32, #tpu.memory_space<hbm>>
        %dma_start3A_571 = arith.constant 0 : i32
        %dma_start3A_572 = arith.constant 0 : i32
        %dma_start3A_573 = tpu.memref_slice %arg6[%dma_start3A_562, %dma_start3A_571, %dma_start3A_572] : memref<5x2x80xi32, #tpu.memory_space<vmem>> -> memref<1x2x80xi32, #tpu.memory_space<vmem>>
        %dma_start3A_574 = tpu.memref_squeeze %dma_start3A_573 : memref<1x2x80xi32, #tpu.memory_space<vmem>> -> memref<2x80xi32, #tpu.memory_space<vmem>>
        %dma_start3A_575 = arith.constant 0 : i32
        %dma_start3A_576 = arith.constant 0 : i32
        %dma_start3A_577 = tpu.memref_slice %arg2[%arg0, %arg1, %add3A_410, %dma_start3A_575, %dma_start3A_576] : memref<2x16x250x2x80xi32, #tpu.memory_space<hbm>> -> memref<1x1x1x2x80xi32, #tpu.memory_space<hbm>>
        %dma_start3A_578 = tpu.memref_squeeze %dma_start3A_577 : memref<1x1x1x2x80xi32, #tpu.memory_space<hbm>> -> memref<2x80xi32, #tpu.memory_space<hbm>>
        tpu.enqueue_dma source(%dma_start3A_578 : memref<2x80xi32, #tpu.memory_space<hbm>>) target(%dma_start3A_574 : memref<2x80xi32, #tpu.memory_space<vmem>>) target_semaphore(%arg23 : memref<!tpu.dma_semaphore, #tpu.memory_space<semaphore_mem>>)
      } else {
      }
      %mul3A_442 = arith.constant 5 : i32
      %mul3A_443 = arith.muli %scan3A_259, %mul3A_442 : i32
      %add3A_444 = arith.constant 0 : i32
      %add3A_445 = arith.addi %mul3A_443, %add3A_444 : i32
      %add3A_446 = arith.constant 5 : i32
      %add3A_447 = arith.addi %add3A_445, %add3A_446 : i32
      %dma_wait3A_448 = arith.constant 0 : i32
      %dma_wait3A_449 = arith.constant 0 : i32
      %dma_wait3A_450 = arith.constant 1 : i32
      %dma_wait3A_451 = arith.constant 0 : i32
      %dma_wait3A_452 = arith.constant 0 : i32
      %dma_wait3A_453 = tpu.memref_slice %arg7[%dma_wait3A_448, %dma_wait3A_451, %dma_wait3A_452] : memref<5x80x64xf32, #tpu.memory_space<vmem>> -> memref<1x80x64xf32, #tpu.memory_space<vmem>>
      %dma_wait3A_454 = tpu.memref_squeeze %dma_wait3A_453 : memref<1x80x64xf32, #tpu.memory_space<vmem>> -> memref<80x64xf32, #tpu.memory_space<vmem>>
      %dma_wait3A_455 = arith.constant 0 : i32
      %dma_wait3A_456 = tpu.memref_slice %arg6[%dma_wait3A_449, %dma_wait3A_450, %dma_wait3A_455] : memref<5x2x80xi32, #tpu.memory_space<vmem>> -> memref<1x1x80xi32, #tpu.memory_space<vmem>>
      %dma_wait3A_457 = tpu.memref_squeeze %dma_wait3A_456 : memref<1x1x80xi32, #tpu.memory_space<vmem>> -> memref<80xi32, #tpu.memory_space<vmem>>
      %dma_wait3A_458 = arith.constant 0 : i32
      %dma_wait3A_459 = arith.constant 0 : i32
      %dma_wait3A_460 = tpu.memref_slice %arg8[%dma_wait3A_458, %dma_wait3A_459] : memref<10240x64xf32, #tpu.memory_space<vmem_shared>> -> memref<10240x64xf32, #tpu.memory_space<vmem_shared>>
      tpu.wait_indirect_dma semaphore(%arg14 : memref<!tpu.dma_semaphore, #tpu.memory_space<semaphore_mem>>) src(%dma_wait3A_454 : memref<80x64xf32, #tpu.memory_space<vmem>>) dst(%dma_wait3A_460 : memref<10240x64xf32, #tpu.memory_space<vmem_shared>>)
      %lt3A_461 = arith.constant 250 : i32
      %lt3A_462 = arith.cmpi slt, %add3A_447, %lt3A_461 : i32
      %convert_element_type3A_463 = arith.extui %lt3A_462 : i1 to i32
      %cond3A_464 = arith.constant 0 : i32
      %cond3A_465 = arith.cmpi ne, %convert_element_type3A_463, %cond3A_464 : i32
      scf.if %cond3A_465 {
        %dma_wait3A_562 = arith.constant 0 : i32
        %dma_wait3A_563 = arith.constant 0 : i32
        %dma_wait3A_564 = arith.constant 0 : i32
        %dma_wait3A_565 = tpu.memref_slice %arg6[%dma_wait3A_562, %dma_wait3A_563, %dma_wait3A_564] : memref<5x2x80xi32, #tpu.memory_space<vmem>> -> memref<1x2x80xi32, #tpu.memory_space<vmem>>
        %dma_wait3A_566 = tpu.memref_squeeze %dma_wait3A_565 : memref<1x2x80xi32, #tpu.memory_space<vmem>> -> memref<2x80xi32, #tpu.memory_space<vmem>>
        %dma_wait3A_567 = arith.constant 0 : i32
        %dma_wait3A_568 = arith.constant 0 : i32
        %dma_wait3A_569 = tpu.memref_slice %arg2[%arg0, %arg1, %add3A_447, %dma_wait3A_567, %dma_wait3A_568] : memref<2x16x250x2x80xi32, #tpu.memory_space<hbm>> -> memref<1x1x1x2x80xi32, #tpu.memory_space<hbm>>
        %dma_wait3A_570 = tpu.memref_squeeze %dma_wait3A_569 : memref<1x1x1x2x80xi32, #tpu.memory_space<hbm>> -> memref<2x80xi32, #tpu.memory_space<hbm>>
        %dma_wait3A_571 = arith.constant 0 : i32
        %dma_wait3A_572 = arith.constant 0 : i32
        %dma_wait3A_573 = tpu.memref_slice %arg6[%dma_wait3A_562, %dma_wait3A_571, %dma_wait3A_572] : memref<5x2x80xi32, #tpu.memory_space<vmem>> -> memref<1x2x80xi32, #tpu.memory_space<vmem>>
        %dma_wait3A_574 = tpu.memref_squeeze %dma_wait3A_573 : memref<1x2x80xi32, #tpu.memory_space<vmem>> -> memref<2x80xi32, #tpu.memory_space<vmem>>
        %dma_wait3A_575 = arith.constant 0 : i32
        %dma_wait3A_576 = arith.constant 0 : i32
        %dma_wait3A_577 = tpu.memref_slice %arg2[%arg0, %arg1, %add3A_447, %dma_wait3A_575, %dma_wait3A_576] : memref<2x16x250x2x80xi32, #tpu.memory_space<hbm>> -> memref<1x1x1x2x80xi32, #tpu.memory_space<hbm>>
        %dma_wait3A_578 = tpu.memref_squeeze %dma_wait3A_577 : memref<1x1x1x2x80xi32, #tpu.memory_space<hbm>> -> memref<2x80xi32, #tpu.memory_space<hbm>>
        tpu.wait_dma2 semaphore(%arg19 : memref<!tpu.dma_semaphore, #tpu.memory_space<semaphore_mem>>) src(%dma_wait3A_578 : memref<2x80xi32, #tpu.memory_space<hbm>>) dst(%dma_wait3A_574 : memref<2x80xi32, #tpu.memory_space<vmem>>)
        %dma_start3A_579 = arith.constant 0 : i32
        %dma_start3A_580 = arith.constant 0 : i32
        %dma_start3A_581 = arith.constant 0 : i32
        %dma_start3A_582 = arith.constant 0 : i32
        %dma_start3A_583 = arith.constant 0 : i32
        %dma_start3A_584 = tpu.memref_slice %arg7[%dma_start3A_581, %dma_start3A_582, %dma_start3A_583] : memref<5x80x64xf32, #tpu.memory_space<vmem>> -> memref<1x80x64xf32, #tpu.memory_space<vmem>>
        %dma_start3A_585 = tpu.memref_squeeze %dma_start3A_584 : memref<1x80x64xf32, #tpu.memory_space<vmem>> -> memref<80x64xf32, #tpu.memory_space<vmem>>
        %dma_start3A_586 = arith.constant 0 : i32
        %dma_start3A_587 = tpu.memref_slice %arg6[%dma_start3A_579, %dma_start3A_580, %dma_start3A_586] : memref<5x2x80xi32, #tpu.memory_space<vmem>> -> memref<1x1x80xi32, #tpu.memory_space<vmem>>
        %dma_start3A_588 = tpu.memref_squeeze %dma_start3A_587 : memref<1x1x80xi32, #tpu.memory_space<vmem>> -> memref<80xi32, #tpu.memory_space<vmem>>
        %dma_start3A_589 = arith.constant 0 : i32
        %dma_start3A_590 = arith.constant 0 : i32
        %dma_start3A_591 = tpu.memref_slice %arg3[%dma_start3A_589, %dma_start3A_590] : memref<20480x64xf32, #tpu.memory_space<hbm>> -> memref<20480x64xf32, #tpu.memory_space<hbm>>
        tpu.enqueue_indirect_dma source(%dma_start3A_591 : memref<20480x64xf32, #tpu.memory_space<hbm>>) target(%dma_start3A_585 : memref<80x64xf32, #tpu.memory_space<vmem>>) offsets(%dma_start3A_588 : memref<80xi32, #tpu.memory_space<vmem>>) semaphore(%arg9 : memref<!tpu.dma_semaphore, #tpu.memory_space<semaphore_mem>>)
      } else {
      }
      %mul3A_466 = arith.constant 5 : i32
      %mul3A_467 = arith.muli %scan3A_259, %mul3A_466 : i32
      %add3A_468 = arith.constant 1 : i32
      %add3A_469 = arith.addi %mul3A_467, %add3A_468 : i32
      %add3A_470 = arith.constant 5 : i32
      %add3A_471 = arith.addi %add3A_469, %add3A_470 : i32
      %dma_wait3A_472 = arith.constant 1 : i32
      %dma_wait3A_473 = arith.constant 1 : i32
      %dma_wait3A_474 = arith.constant 1 : i32
      %dma_wait3A_475 = arith.constant 0 : i32
      %dma_wait3A_476 = arith.constant 0 : i32
      %dma_wait3A_477 = tpu.memref_slice %arg7[%dma_wait3A_472, %dma_wait3A_475, %dma_wait3A_476] : memref<5x80x64xf32, #tpu.memory_space<vmem>> -> memref<1x80x64xf32, #tpu.memory_space<vmem>>
      %dma_wait3A_478 = tpu.memref_squeeze %dma_wait3A_477 : memref<1x80x64xf32, #tpu.memory_space<vmem>> -> memref<80x64xf32, #tpu.memory_space<vmem>>
      %dma_wait3A_479 = arith.constant 0 : i32
      %dma_wait3A_480 = tpu.memref_slice %arg6[%dma_wait3A_473, %dma_wait3A_474, %dma_wait3A_479] : memref<5x2x80xi32, #tpu.memory_space<vmem>> -> memref<1x1x80xi32, #tpu.memory_space<vmem>>
      %dma_wait3A_481 = tpu.memref_squeeze %dma_wait3A_480 : memref<1x1x80xi32, #tpu.memory_space<vmem>> -> memref<80xi32, #tpu.memory_space<vmem>>
      %dma_wait3A_482 = arith.constant 0 : i32
      %dma_wait3A_483 = arith.constant 0 : i32
      %dma_wait3A_484 = tpu.memref_slice %arg8[%dma_wait3A_482, %dma_wait3A_483] : memref<10240x64xf32, #tpu.memory_space<vmem_shared>> -> memref<10240x64xf32, #tpu.memory_space<vmem_shared>>
      tpu.wait_indirect_dma semaphore(%arg15 : memref<!tpu.dma_semaphore, #tpu.memory_space<semaphore_mem>>) src(%dma_wait3A_478 : memref<80x64xf32, #tpu.memory_space<vmem>>) dst(%dma_wait3A_484 : memref<10240x64xf32, #tpu.memory_space<vmem_shared>>)
      %lt3A_485 = arith.constant 250 : i32
      %lt3A_486 = arith.cmpi slt, %add3A_471, %lt3A_485 : i32
      %convert_element_type3A_487 = arith.extui %lt3A_486 : i1 to i32
      %cond3A_488 = arith.constant 0 : i32
      %cond3A_489 = arith.cmpi ne, %convert_element_type3A_487, %cond3A_488 : i32
      scf.if %cond3A_489 {
        %dma_wait3A_562 = arith.constant 1 : i32
        %dma_wait3A_563 = arith.constant 0 : i32
        %dma_wait3A_564 = arith.constant 0 : i32
        %dma_wait3A_565 = tpu.memref_slice %arg6[%dma_wait3A_562, %dma_wait3A_563, %dma_wait3A_564] : memref<5x2x80xi32, #tpu.memory_space<vmem>> -> memref<1x2x80xi32, #tpu.memory_space<vmem>>
        %dma_wait3A_566 = tpu.memref_squeeze %dma_wait3A_565 : memref<1x2x80xi32, #tpu.memory_space<vmem>> -> memref<2x80xi32, #tpu.memory_space<vmem>>
        %dma_wait3A_567 = arith.constant 0 : i32
        %dma_wait3A_568 = arith.constant 0 : i32
        %dma_wait3A_569 = tpu.memref_slice %arg2[%arg0, %arg1, %add3A_471, %dma_wait3A_567, %dma_wait3A_568] : memref<2x16x250x2x80xi32, #tpu.memory_space<hbm>> -> memref<1x1x1x2x80xi32, #tpu.memory_space<hbm>>
        %dma_wait3A_570 = tpu.memref_squeeze %dma_wait3A_569 : memref<1x1x1x2x80xi32, #tpu.memory_space<hbm>> -> memref<2x80xi32, #tpu.memory_space<hbm>>
        %dma_wait3A_571 = arith.constant 0 : i32
        %dma_wait3A_572 = arith.constant 0 : i32
        %dma_wait3A_573 = tpu.memref_slice %arg6[%dma_wait3A_562, %dma_wait3A_571, %dma_wait3A_572] : memref<5x2x80xi32, #tpu.memory_space<vmem>> -> memref<1x2x80xi32, #tpu.memory_space<vmem>>
        %dma_wait3A_574 = tpu.memref_squeeze %dma_wait3A_573 : memref<1x2x80xi32, #tpu.memory_space<vmem>> -> memref<2x80xi32, #tpu.memory_space<vmem>>
        %dma_wait3A_575 = arith.constant 0 : i32
        %dma_wait3A_576 = arith.constant 0 : i32
        %dma_wait3A_577 = tpu.memref_slice %arg2[%arg0, %arg1, %add3A_471, %dma_wait3A_575, %dma_wait3A_576] : memref<2x16x250x2x80xi32, #tpu.memory_space<hbm>> -> memref<1x1x1x2x80xi32, #tpu.memory_space<hbm>>
        %dma_wait3A_578 = tpu.memref_squeeze %dma_wait3A_577 : memref<1x1x1x2x80xi32, #tpu.memory_space<hbm>> -> memref<2x80xi32, #tpu.memory_space<hbm>>
        tpu.wait_dma2 semaphore(%arg20 : memref<!tpu.dma_semaphore, #tpu.memory_space<semaphore_mem>>) src(%dma_wait3A_578 : memref<2x80xi32, #tpu.memory_space<hbm>>) dst(%dma_wait3A_574 : memref<2x80xi32, #tpu.memory_space<vmem>>)
        %dma_start3A_579 = arith.constant 1 : i32
        %dma_start3A_580 = arith.constant 0 : i32
        %dma_start3A_581 = arith.constant 1 : i32
        %dma_start3A_582 = arith.constant 0 : i32
        %dma_start3A_583 = arith.constant 0 : i32
        %dma_start3A_584 = tpu.memref_slice %arg7[%dma_start3A_581, %dma_start3A_582, %dma_start3A_583] : memref<5x80x64xf32, #tpu.memory_space<vmem>> -> memref<1x80x64xf32, #tpu.memory_space<vmem>>
        %dma_start3A_585 = tpu.memref_squeeze %dma_start3A_584 : memref<1x80x64xf32, #tpu.memory_space<vmem>> -> memref<80x64xf32, #tpu.memory_space<vmem>>
        %dma_start3A_586 = arith.constant 0 : i32
        %dma_start3A_587 = tpu.memref_slice %arg6[%dma_start3A_579, %dma_start3A_580, %dma_start3A_586] : memref<5x2x80xi32, #tpu.memory_space<vmem>> -> memref<1x1x80xi32, #tpu.memory_space<vmem>>
        %dma_start3A_588 = tpu.memref_squeeze %dma_start3A_587 : memref<1x1x80xi32, #tpu.memory_space<vmem>> -> memref<80xi32, #tpu.memory_space<vmem>>
        %dma_start3A_589 = arith.constant 0 : i32
        %dma_start3A_590 = arith.constant 0 : i32
        %dma_start3A_591 = tpu.memref_slice %arg3[%dma_start3A_589, %dma_start3A_590] : memref<20480x64xf32, #tpu.memory_space<hbm>> -> memref<20480x64xf32, #tpu.memory_space<hbm>>
        tpu.enqueue_indirect_dma source(%dma_start3A_591 : memref<20480x64xf32, #tpu.memory_space<hbm>>) target(%dma_start3A_585 : memref<80x64xf32, #tpu.memory_space<vmem>>) offsets(%dma_start3A_588 : memref<80xi32, #tpu.memory_space<vmem>>) semaphore(%arg10 : memref<!tpu.dma_semaphore, #tpu.memory_space<semaphore_mem>>)
      } else {
      }
      %mul3A_490 = arith.constant 5 : i32
      %mul3A_491 = arith.muli %scan3A_259, %mul3A_490 : i32
      %add3A_492 = arith.constant 2 : i32
      %add3A_493 = arith.addi %mul3A_491, %add3A_492 : i32
      %add3A_494 = arith.constant 5 : i32
      %add3A_495 = arith.addi %add3A_493, %add3A_494 : i32
      %dma_wait3A_496 = arith.constant 2 : i32
      %dma_wait3A_497 = arith.constant 2 : i32
      %dma_wait3A_498 = arith.constant 1 : i32
      %dma_wait3A_499 = arith.constant 0 : i32
      %dma_wait3A_500 = arith.constant 0 : i32
      %dma_wait3A_501 = tpu.memref_slice %arg7[%dma_wait3A_496, %dma_wait3A_499, %dma_wait3A_500] : memref<5x80x64xf32, #tpu.memory_space<vmem>> -> memref<1x80x64xf32, #tpu.memory_space<vmem>>
      %dma_wait3A_502 = tpu.memref_squeeze %dma_wait3A_501 : memref<1x80x64xf32, #tpu.memory_space<vmem>> -> memref<80x64xf32, #tpu.memory_space<vmem>>
      %dma_wait3A_503 = arith.constant 0 : i32
      %dma_wait3A_504 = tpu.memref_slice %arg6[%dma_wait3A_497, %dma_wait3A_498, %dma_wait3A_503] : memref<5x2x80xi32, #tpu.memory_space<vmem>> -> memref<1x1x80xi32, #tpu.memory_space<vmem>>
      %dma_wait3A_505 = tpu.memref_squeeze %dma_wait3A_504 : memref<1x1x80xi32, #tpu.memory_space<vmem>> -> memref<80xi32, #tpu.memory_space<vmem>>
      %dma_wait3A_506 = arith.constant 0 : i32
      %dma_wait3A_507 = arith.constant 0 : i32
      %dma_wait3A_508 = tpu.memref_slice %arg8[%dma_wait3A_506, %dma_wait3A_507] : memref<10240x64xf32, #tpu.memory_space<vmem_shared>> -> memref<10240x64xf32, #tpu.memory_space<vmem_shared>>
      tpu.wait_indirect_dma semaphore(%arg16 : memref<!tpu.dma_semaphore, #tpu.memory_space<semaphore_mem>>) src(%dma_wait3A_502 : memref<80x64xf32, #tpu.memory_space<vmem>>) dst(%dma_wait3A_508 : memref<10240x64xf32, #tpu.memory_space<vmem_shared>>)
      %lt3A_509 = arith.constant 250 : i32
      %lt3A_510 = arith.cmpi slt, %add3A_495, %lt3A_509 : i32
      %convert_element_type3A_511 = arith.extui %lt3A_510 : i1 to i32
      %cond3A_512 = arith.constant 0 : i32
      %cond3A_513 = arith.cmpi ne, %convert_element_type3A_511, %cond3A_512 : i32
      scf.if %cond3A_513 {
        %dma_wait3A_562 = arith.constant 2 : i32
        %dma_wait3A_563 = arith.constant 0 : i32
        %dma_wait3A_564 = arith.constant 0 : i32
        %dma_wait3A_565 = tpu.memref_slice %arg6[%dma_wait3A_562, %dma_wait3A_563, %dma_wait3A_564] : memref<5x2x80xi32, #tpu.memory_space<vmem>> -> memref<1x2x80xi32, #tpu.memory_space<vmem>>
        %dma_wait3A_566 = tpu.memref_squeeze %dma_wait3A_565 : memref<1x2x80xi32, #tpu.memory_space<vmem>> -> memref<2x80xi32, #tpu.memory_space<vmem>>
        %dma_wait3A_567 = arith.constant 0 : i32
        %dma_wait3A_568 = arith.constant 0 : i32
        %dma_wait3A_569 = tpu.memref_slice %arg2[%arg0, %arg1, %add3A_495, %dma_wait3A_567, %dma_wait3A_568] : memref<2x16x250x2x80xi32, #tpu.memory_space<hbm>> -> memref<1x1x1x2x80xi32, #tpu.memory_space<hbm>>
        %dma_wait3A_570 = tpu.memref_squeeze %dma_wait3A_569 : memref<1x1x1x2x80xi32, #tpu.memory_space<hbm>> -> memref<2x80xi32, #tpu.memory_space<hbm>>
        %dma_wait3A_571 = arith.constant 0 : i32
        %dma_wait3A_572 = arith.constant 0 : i32
        %dma_wait3A_573 = tpu.memref_slice %arg6[%dma_wait3A_562, %dma_wait3A_571, %dma_wait3A_572] : memref<5x2x80xi32, #tpu.memory_space<vmem>> -> memref<1x2x80xi32, #tpu.memory_space<vmem>>
        %dma_wait3A_574 = tpu.memref_squeeze %dma_wait3A_573 : memref<1x2x80xi32, #tpu.memory_space<vmem>> -> memref<2x80xi32, #tpu.memory_space<vmem>>
        %dma_wait3A_575 = arith.constant 0 : i32
        %dma_wait3A_576 = arith.constant 0 : i32
        %dma_wait3A_577 = tpu.memref_slice %arg2[%arg0, %arg1, %add3A_495, %dma_wait3A_575, %dma_wait3A_576] : memref<2x16x250x2x80xi32, #tpu.memory_space<hbm>> -> memref<1x1x1x2x80xi32, #tpu.memory_space<hbm>>
        %dma_wait3A_578 = tpu.memref_squeeze %dma_wait3A_577 : memref<1x1x1x2x80xi32, #tpu.memory_space<hbm>> -> memref<2x80xi32, #tpu.memory_space<hbm>>
        tpu.wait_dma2 semaphore(%arg21 : memref<!tpu.dma_semaphore, #tpu.memory_space<semaphore_mem>>) src(%dma_wait3A_578 : memref<2x80xi32, #tpu.memory_space<hbm>>) dst(%dma_wait3A_574 : memref<2x80xi32, #tpu.memory_space<vmem>>)
        %dma_start3A_579 = arith.constant 2 : i32
        %dma_start3A_580 = arith.constant 0 : i32
        %dma_start3A_581 = arith.constant 2 : i32
        %dma_start3A_582 = arith.constant 0 : i32
        %dma_start3A_583 = arith.constant 0 : i32
        %dma_start3A_584 = tpu.memref_slice %arg7[%dma_start3A_581, %dma_start3A_582, %dma_start3A_583] : memref<5x80x64xf32, #tpu.memory_space<vmem>> -> memref<1x80x64xf32, #tpu.memory_space<vmem>>
        %dma_start3A_585 = tpu.memref_squeeze %dma_start3A_584 : memref<1x80x64xf32, #tpu.memory_space<vmem>> -> memref<80x64xf32, #tpu.memory_space<vmem>>
        %dma_start3A_586 = arith.constant 0 : i32
        %dma_start3A_587 = tpu.memref_slice %arg6[%dma_start3A_579, %dma_start3A_580, %dma_start3A_586] : memref<5x2x80xi32, #tpu.memory_space<vmem>> -> memref<1x1x80xi32, #tpu.memory_space<vmem>>
        %dma_start3A_588 = tpu.memref_squeeze %dma_start3A_587 : memref<1x1x80xi32, #tpu.memory_space<vmem>> -> memref<80xi32, #tpu.memory_space<vmem>>
        %dma_start3A_589 = arith.constant 0 : i32
        %dma_start3A_590 = arith.constant 0 : i32
        %dma_start3A_591 = tpu.memref_slice %arg3[%dma_start3A_589, %dma_start3A_590] : memref<20480x64xf32, #tpu.memory_space<hbm>> -> memref<20480x64xf32, #tpu.memory_space<hbm>>
        tpu.enqueue_indirect_dma source(%dma_start3A_591 : memref<20480x64xf32, #tpu.memory_space<hbm>>) target(%dma_start3A_585 : memref<80x64xf32, #tpu.memory_space<vmem>>) offsets(%dma_start3A_588 : memref<80xi32, #tpu.memory_space<vmem>>) semaphore(%arg11 : memref<!tpu.dma_semaphore, #tpu.memory_space<semaphore_mem>>)
      } else {
      }
      %mul3A_514 = arith.constant 5 : i32
      %mul3A_515 = arith.muli %scan3A_259, %mul3A_514 : i32
      %add3A_516 = arith.constant 3 : i32
      %add3A_517 = arith.addi %mul3A_515, %add3A_516 : i32
      %add3A_518 = arith.constant 5 : i32
      %add3A_519 = arith.addi %add3A_517, %add3A_518 : i32
      %dma_wait3A_520 = arith.constant 3 : i32
      %dma_wait3A_521 = arith.constant 3 : i32
      %dma_wait3A_522 = arith.constant 1 : i32
      %dma_wait3A_523 = arith.constant 0 : i32
      %dma_wait3A_524 = arith.constant 0 : i32
      %dma_wait3A_525 = tpu.memref_slice %arg7[%dma_wait3A_520, %dma_wait3A_523, %dma_wait3A_524] : memref<5x80x64xf32, #tpu.memory_space<vmem>> -> memref<1x80x64xf32, #tpu.memory_space<vmem>>
      %dma_wait3A_526 = tpu.memref_squeeze %dma_wait3A_525 : memref<1x80x64xf32, #tpu.memory_space<vmem>> -> memref<80x64xf32, #tpu.memory_space<vmem>>
      %dma_wait3A_527 = arith.constant 0 : i32
      %dma_wait3A_528 = tpu.memref_slice %arg6[%dma_wait3A_521, %dma_wait3A_522, %dma_wait3A_527] : memref<5x2x80xi32, #tpu.memory_space<vmem>> -> memref<1x1x80xi32, #tpu.memory_space<vmem>>
      %dma_wait3A_529 = tpu.memref_squeeze %dma_wait3A_528 : memref<1x1x80xi32, #tpu.memory_space<vmem>> -> memref<80xi32, #tpu.memory_space<vmem>>
      %dma_wait3A_530 = arith.constant 0 : i32
      %dma_wait3A_531 = arith.constant 0 : i32
      %dma_wait3A_532 = tpu.memref_slice %arg8[%dma_wait3A_530, %dma_wait3A_531] : memref<10240x64xf32, #tpu.memory_space<vmem_shared>> -> memref<10240x64xf32, #tpu.memory_space<vmem_shared>>
      tpu.wait_indirect_dma semaphore(%arg17 : memref<!tpu.dma_semaphore, #tpu.memory_space<semaphore_mem>>) src(%dma_wait3A_526 : memref<80x64xf32, #tpu.memory_space<vmem>>) dst(%dma_wait3A_532 : memref<10240x64xf32, #tpu.memory_space<vmem_shared>>)
      %lt3A_533 = arith.constant 250 : i32
      %lt3A_534 = arith.cmpi slt, %add3A_519, %lt3A_533 : i32
      %convert_element_type3A_535 = arith.extui %lt3A_534 : i1 to i32
      %cond3A_536 = arith.constant 0 : i32
      %cond3A_537 = arith.cmpi ne, %convert_element_type3A_535, %cond3A_536 : i32
      scf.if %cond3A_537 {
        %dma_wait3A_562 = arith.constant 3 : i32
        %dma_wait3A_563 = arith.constant 0 : i32
        %dma_wait3A_564 = arith.constant 0 : i32
        %dma_wait3A_565 = tpu.memref_slice %arg6[%dma_wait3A_562, %dma_wait3A_563, %dma_wait3A_564] : memref<5x2x80xi32, #tpu.memory_space<vmem>> -> memref<1x2x80xi32, #tpu.memory_space<vmem>>
        %dma_wait3A_566 = tpu.memref_squeeze %dma_wait3A_565 : memref<1x2x80xi32, #tpu.memory_space<vmem>> -> memref<2x80xi32, #tpu.memory_space<vmem>>
        %dma_wait3A_567 = arith.constant 0 : i32
        %dma_wait3A_568 = arith.constant 0 : i32
        %dma_wait3A_569 = tpu.memref_slice %arg2[%arg0, %arg1, %add3A_519, %dma_wait3A_567, %dma_wait3A_568] : memref<2x16x250x2x80xi32, #tpu.memory_space<hbm>> -> memref<1x1x1x2x80xi32, #tpu.memory_space<hbm>>
        %dma_wait3A_570 = tpu.memref_squeeze %dma_wait3A_569 : memref<1x1x1x2x80xi32, #tpu.memory_space<hbm>> -> memref<2x80xi32, #tpu.memory_space<hbm>>
        %dma_wait3A_571 = arith.constant 0 : i32
        %dma_wait3A_572 = arith.constant 0 : i32
        %dma_wait3A_573 = tpu.memref_slice %arg6[%dma_wait3A_562, %dma_wait3A_571, %dma_wait3A_572] : memref<5x2x80xi32, #tpu.memory_space<vmem>> -> memref<1x2x80xi32, #tpu.memory_space<vmem>>
        %dma_wait3A_574 = tpu.memref_squeeze %dma_wait3A_573 : memref<1x2x80xi32, #tpu.memory_space<vmem>> -> memref<2x80xi32, #tpu.memory_space<vmem>>
        %dma_wait3A_575 = arith.constant 0 : i32
        %dma_wait3A_576 = arith.constant 0 : i32
        %dma_wait3A_577 = tpu.memref_slice %arg2[%arg0, %arg1, %add3A_519, %dma_wait3A_575, %dma_wait3A_576] : memref<2x16x250x2x80xi32, #tpu.memory_space<hbm>> -> memref<1x1x1x2x80xi32, #tpu.memory_space<hbm>>
        %dma_wait3A_578 = tpu.memref_squeeze %dma_wait3A_577 : memref<1x1x1x2x80xi32, #tpu.memory_space<hbm>> -> memref<2x80xi32, #tpu.memory_space<hbm>>
        tpu.wait_dma2 semaphore(%arg22 : memref<!tpu.dma_semaphore, #tpu.memory_space<semaphore_mem>>) src(%dma_wait3A_578 : memref<2x80xi32, #tpu.memory_space<hbm>>) dst(%dma_wait3A_574 : memref<2x80xi32, #tpu.memory_space<vmem>>)
        %dma_start3A_579 = arith.constant 3 : i32
        %dma_start3A_580 = arith.constant 0 : i32
        %dma_start3A_581 = arith.constant 3 : i32
        %dma_start3A_582 = arith.constant 0 : i32
        %dma_start3A_583 = arith.constant 0 : i32
        %dma_start3A_584 = tpu.memref_slice %arg7[%dma_start3A_581, %dma_start3A_582, %dma_start3A_583] : memref<5x80x64xf32, #tpu.memory_space<vmem>> -> memref<1x80x64xf32, #tpu.memory_space<vmem>>
        %dma_start3A_585 = tpu.memref_squeeze %dma_start3A_584 : memref<1x80x64xf32, #tpu.memory_space<vmem>> -> memref<80x64xf32, #tpu.memory_space<vmem>>
        %dma_start3A_586 = arith.constant 0 : i32
        %dma_start3A_587 = tpu.memref_slice %arg6[%dma_start3A_579, %dma_start3A_580, %dma_start3A_586] : memref<5x2x80xi32, #tpu.memory_space<vmem>> -> memref<1x1x80xi32, #tpu.memory_space<vmem>>
        %dma_start3A_588 = tpu.memref_squeeze %dma_start3A_587 : memref<1x1x80xi32, #tpu.memory_space<vmem>> -> memref<80xi32, #tpu.memory_space<vmem>>
        %dma_start3A_589 = arith.constant 0 : i32
        %dma_start3A_590 = arith.constant 0 : i32
        %dma_start3A_591 = tpu.memref_slice %arg3[%dma_start3A_589, %dma_start3A_590] : memref<20480x64xf32, #tpu.memory_space<hbm>> -> memref<20480x64xf32, #tpu.memory_space<hbm>>
        tpu.enqueue_indirect_dma source(%dma_start3A_591 : memref<20480x64xf32, #tpu.memory_space<hbm>>) target(%dma_start3A_585 : memref<80x64xf32, #tpu.memory_space<vmem>>) offsets(%dma_start3A_588 : memref<80xi32, #tpu.memory_space<vmem>>) semaphore(%arg12 : memref<!tpu.dma_semaphore, #tpu.memory_space<semaphore_mem>>)
      } else {
      }
      %mul3A_538 = arith.constant 5 : i32
      %mul3A_539 = arith.muli %scan3A_259, %mul3A_538 : i32
      %add3A_540 = arith.constant 4 : i32
      %add3A_541 = arith.addi %mul3A_539, %add3A_540 : i32
      %add3A_542 = arith.constant 5 : i32
      %add3A_543 = arith.addi %add3A_541, %add3A_542 : i32
      %dma_wait3A_544 = arith.constant 4 : i32
      %dma_wait3A_545 = arith.constant 4 : i32
      %dma_wait3A_546 = arith.constant 1 : i32
      %dma_wait3A_547 = arith.constant 0 : i32
      %dma_wait3A_548 = arith.constant 0 : i32
      %dma_wait3A_549 = tpu.memref_slice %arg7[%dma_wait3A_544, %dma_wait3A_547, %dma_wait3A_548] : memref<5x80x64xf32, #tpu.memory_space<vmem>> -> memref<1x80x64xf32, #tpu.memory_space<vmem>>
      %dma_wait3A_550 = tpu.memref_squeeze %dma_wait3A_549 : memref<1x80x64xf32, #tpu.memory_space<vmem>> -> memref<80x64xf32, #tpu.memory_space<vmem>>
      %dma_wait3A_551 = arith.constant 0 : i32
      %dma_wait3A_552 = tpu.memref_slice %arg6[%dma_wait3A_545, %dma_wait3A_546, %dma_wait3A_551] : memref<5x2x80xi32, #tpu.memory_space<vmem>> -> memref<1x1x80xi32, #tpu.memory_space<vmem>>
      %dma_wait3A_553 = tpu.memref_squeeze %dma_wait3A_552 : memref<1x1x80xi32, #tpu.memory_space<vmem>> -> memref<80xi32, #tpu.memory_space<vmem>>
      %dma_wait3A_554 = arith.constant 0 : i32
      %dma_wait3A_555 = arith.constant 0 : i32
      %dma_wait3A_556 = tpu.memref_slice %arg8[%dma_wait3A_554, %dma_wait3A_555] : memref<10240x64xf32, #tpu.memory_space<vmem_shared>> -> memref<10240x64xf32, #tpu.memory_space<vmem_shared>>
      tpu.wait_indirect_dma semaphore(%arg18 : memref<!tpu.dma_semaphore, #tpu.memory_space<semaphore_mem>>) src(%dma_wait3A_550 : memref<80x64xf32, #tpu.memory_space<vmem>>) dst(%dma_wait3A_556 : memref<10240x64xf32, #tpu.memory_space<vmem_shared>>)
      %lt3A_557 = arith.constant 250 : i32
      %lt3A_558 = arith.cmpi slt, %add3A_543, %lt3A_557 : i32
      %convert_element_type3A_559 = arith.extui %lt3A_558 : i1 to i32
      %cond3A_560 = arith.constant 0 : i32
      %cond3A_561 = arith.cmpi ne, %convert_element_type3A_559, %cond3A_560 : i32
      scf.if %cond3A_561 {
        %dma_wait3A_562 = arith.constant 4 : i32
        %dma_wait3A_563 = arith.constant 0 : i32
        %dma_wait3A_564 = arith.constant 0 : i32
        %dma_wait3A_565 = tpu.memref_slice %arg6[%dma_wait3A_562, %dma_wait3A_563, %dma_wait3A_564] : memref<5x2x80xi32, #tpu.memory_space<vmem>> -> memref<1x2x80xi32, #tpu.memory_space<vmem>>
        %dma_wait3A_566 = tpu.memref_squeeze %dma_wait3A_565 : memref<1x2x80xi32, #tpu.memory_space<vmem>> -> memref<2x80xi32, #tpu.memory_space<vmem>>
        %dma_wait3A_567 = arith.constant 0 : i32
        %dma_wait3A_568 = arith.constant 0 : i32
        %dma_wait3A_569 = tpu.memref_slice %arg2[%arg0, %arg1, %add3A_543, %dma_wait3A_567, %dma_wait3A_568] : memref<2x16x250x2x80xi32, #tpu.memory_space<hbm>> -> memref<1x1x1x2x80xi32, #tpu.memory_space<hbm>>
        %dma_wait3A_570 = tpu.memref_squeeze %dma_wait3A_569 : memref<1x1x1x2x80xi32, #tpu.memory_space<hbm>> -> memref<2x80xi32, #tpu.memory_space<hbm>>
        %dma_wait3A_571 = arith.constant 0 : i32
        %dma_wait3A_572 = arith.constant 0 : i32
        %dma_wait3A_573 = tpu.memref_slice %arg6[%dma_wait3A_562, %dma_wait3A_571, %dma_wait3A_572] : memref<5x2x80xi32, #tpu.memory_space<vmem>> -> memref<1x2x80xi32, #tpu.memory_space<vmem>>
        %dma_wait3A_574 = tpu.memref_squeeze %dma_wait3A_573 : memref<1x2x80xi32, #tpu.memory_space<vmem>> -> memref<2x80xi32, #tpu.memory_space<vmem>>
        %dma_wait3A_575 = arith.constant 0 : i32
        %dma_wait3A_576 = arith.constant 0 : i32
        %dma_wait3A_577 = tpu.memref_slice %arg2[%arg0, %arg1, %add3A_543, %dma_wait3A_575, %dma_wait3A_576] : memref<2x16x250x2x80xi32, #tpu.memory_space<hbm>> -> memref<1x1x1x2x80xi32, #tpu.memory_space<hbm>>
        %dma_wait3A_578 = tpu.memref_squeeze %dma_wait3A_577 : memref<1x1x1x2x80xi32, #tpu.memory_space<hbm>> -> memref<2x80xi32, #tpu.memory_space<hbm>>
        tpu.wait_dma2 semaphore(%arg23 : memref<!tpu.dma_semaphore, #tpu.memory_space<semaphore_mem>>) src(%dma_wait3A_578 : memref<2x80xi32, #tpu.memory_space<hbm>>) dst(%dma_wait3A_574 : memref<2x80xi32, #tpu.memory_space<vmem>>)
        %dma_start3A_579 = arith.constant 4 : i32
        %dma_start3A_580 = arith.constant 0 : i32
        %dma_start3A_581 = arith.constant 4 : i32
        %dma_start3A_582 = arith.constant 0 : i32
        %dma_start3A_583 = arith.constant 0 : i32
        %dma_start3A_584 = tpu.memref_slice %arg7[%dma_start3A_581, %dma_start3A_582, %dma_start3A_583] : memref<5x80x64xf32, #tpu.memory_space<vmem>> -> memref<1x80x64xf32, #tpu.memory_space<vmem>>
        %dma_start3A_585 = tpu.memref_squeeze %dma_start3A_584 : memref<1x80x64xf32, #tpu.memory_space<vmem>> -> memref<80x64xf32, #tpu.memory_space<vmem>>
        %dma_start3A_586 = arith.constant 0 : i32
        %dma_start3A_587 = tpu.memref_slice %arg6[%dma_start3A_579, %dma_start3A_580, %dma_start3A_586] : memref<5x2x80xi32, #tpu.memory_space<vmem>> -> memref<1x1x80xi32, #tpu.memory_space<vmem>>
        %dma_start3A_588 = tpu.memref_squeeze %dma_start3A_587 : memref<1x1x80xi32, #tpu.memory_space<vmem>> -> memref<80xi32, #tpu.memory_space<vmem>>
        %dma_start3A_589 = arith.constant 0 : i32
        %dma_start3A_590 = arith.constant 0 : i32
        %dma_start3A_591 = tpu.memref_slice %arg3[%dma_start3A_589, %dma_start3A_590] : memref<20480x64xf32, #tpu.memory_space<hbm>> -> memref<20480x64xf32, #tpu.memory_space<hbm>>
        tpu.enqueue_indirect_dma source(%dma_start3A_591 : memref<20480x64xf32, #tpu.memory_space<hbm>>) target(%dma_start3A_585 : memref<80x64xf32, #tpu.memory_space<vmem>>) offsets(%dma_start3A_588 : memref<80xi32, #tpu.memory_space<vmem>>) semaphore(%arg13 : memref<!tpu.dma_semaphore, #tpu.memory_space<semaphore_mem>>)
      } else {
      }
    }
    %scan3A_257 = arith.constant 50 : i32
    %barrier3A_258 = arith.constant 0 : index
    tpu.barrier barrier_id(%barrier3A_258)
    "tpu.region"() ({
      %run_scoped3A = tpu.sem_alloc : memref<!tpu.dma_semaphore, #tpu.memory_space<semaphore_mem>>
      %dma_start3A_259 = arith.constant 0 : i32
      %dma_start3A_260 = tpu.memref_slice %arg5[%arg0, %mul3A_0, %dma_start3A_259] : memref<2x10240x64xf32, #tpu.memory_space<hbm>> -> memref<1x640x64xf32, #tpu.memory_space<hbm>>
      %dma_start3A_261 = tpu.memref_squeeze %dma_start3A_260 : memref<1x640x64xf32, #tpu.memory_space<hbm>> -> memref<640x64xf32, #tpu.memory_space<hbm>>
      %dma_start3A_262 = arith.constant 0 : i32
      %dma_start3A_263 = tpu.memref_slice %arg8[%mul3A_0, %dma_start3A_262] : memref<10240x64xf32, #tpu.memory_space<vmem_shared>> -> memref<640x64xf32, #tpu.memory_space<vmem_shared>>
      tpu.enqueue_dma source(%dma_start3A_263 : memref<640x64xf32, #tpu.memory_space<vmem_shared>>) target(%dma_start3A_261 : memref<640x64xf32, #tpu.memory_space<hbm>>) target_semaphore(%run_scoped3A : memref<!tpu.dma_semaphore, #tpu.memory_space<semaphore_mem>>)
      %dma_wait3A_264 = arith.constant 0 : i32
      %dma_wait3A_265 = tpu.memref_slice %arg5[%arg0, %mul3A_0, %dma_wait3A_264] : memref<2x10240x64xf32, #tpu.memory_space<hbm>> -> memref<1x640x64xf32, #tpu.memory_space<hbm>>
      %dma_wait3A_266 = tpu.memref_squeeze %dma_wait3A_265 : memref<1x640x64xf32, #tpu.memory_space<hbm>> -> memref<640x64xf32, #tpu.memory_space<hbm>>
      %dma_wait3A_267 = arith.constant 0 : i32
      %dma_wait3A_268 = tpu.memref_slice %arg8[%mul3A_0, %dma_wait3A_267] : memref<10240x64xf32, #tpu.memory_space<vmem_shared>> -> memref<640x64xf32, #tpu.memory_space<vmem_shared>>
      tpu.wait_dma2 semaphore(%run_scoped3A : memref<!tpu.dma_semaphore, #tpu.memory_space<semaphore_mem>>) src(%dma_wait3A_268 : memref<640x64xf32, #tpu.memory_space<vmem_shared>>) dst(%dma_wait3A_266 : memref<640x64xf32, #tpu.memory_space<hbm>>)
      tpu.yield
    }) : () -> ()
    return
  }
}

#map = affine_map<(d0, d1) -> (0, 0, 0)>
#map1 = affine_map<(d0, d1) -> (0, 0)>
module attributes {stable_mosaic.version = 14 : i64} {
  func.func @_sc_agg32(%arg0: i32, %arg1: i32, %arg2: memref<32x125x80xi32, #tpu.memory_space<hbm>>, %arg3: memref<32x125x80xi32, #tpu.memory_space<hbm>>, %arg4: memref<10240x32xf32, #tpu.memory_space<hbm>>, %arg5: memref<128x32xf32, #tpu.memory_space<hbm>>, %arg6: memref<2x10240x32xf32, #tpu.memory_space<hbm>>, %arg7: memref<125x80xi32, #tpu.memory_space<vmem>>, %arg8: memref<125x80xi32, #tpu.memory_space<vmem>>, %arg9: memref<5x80x32xf32, #tpu.memory_space<vmem>>, %arg10: memref<10240x32xf32, #tpu.memory_space<vmem_shared>>, %arg11: memref<!tpu.dma_semaphore, #tpu.memory_space<semaphore_mem>>, %arg12: memref<!tpu.dma_semaphore, #tpu.memory_space<semaphore_mem>>, %arg13: memref<!tpu.dma_semaphore, #tpu.memory_space<semaphore_mem>>, %arg14: memref<!tpu.dma_semaphore, #tpu.memory_space<semaphore_mem>>, %arg15: memref<!tpu.dma_semaphore, #tpu.memory_space<semaphore_mem>>, %arg16: memref<!tpu.dma_semaphore, #tpu.memory_space<semaphore_mem>>, %arg17: memref<!tpu.dma_semaphore, #tpu.memory_space<semaphore_mem>>, %arg18: memref<!tpu.dma_semaphore, #tpu.memory_space<semaphore_mem>>, %arg19: memref<!tpu.dma_semaphore, #tpu.memory_space<semaphore_mem>>, %arg20: memref<!tpu.dma_semaphore, #tpu.memory_space<semaphore_mem>>) attributes {dimension_semantics = [#tpu.dimension_semantics<core_parallel>, #tpu.dimension_semantics<subcore_parallel>], iteration_bounds = array<i64: 2, 16>, scalar_prefetch = 0 : i64, scratch_operands = 14 : i64, tpu.core_type = #tpu.core_type<sc_vector_subcore>, window_params = [{transform_indices = #map}, {transform_indices = #map}, {transform_indices = #map1}, {transform_indices = #map1}, {transform_indices = #map}]} {
    %mul3A = arith.constant 16 : i32
    %mul3A_0 = arith.muli %arg0, %mul3A : i32
    %add3A = arith.addi %mul3A_0, %arg1 : i32
    %mul3A_1 = arith.constant 640 : i32
    %mul3A_2 = arith.muli %arg1, %mul3A_1 : i32
    %add3A_3 = arith.constant 0 : i32
    %add3A_4 = arith.addi %mul3A_2, %add3A_3 : i32
    "tpu.region"() ({
      %run_scoped3A = tpu.sem_alloc : memref<!tpu.dma_semaphore, #tpu.memory_space<semaphore_mem>>
      %dma_start3A_78 = arith.constant 0 : i32
      %dma_start3A_79 = tpu.memref_slice %arg10[%add3A_4, %dma_start3A_78] : memref<10240x32xf32, #tpu.memory_space<vmem_shared>> -> memref<128x32xf32, #tpu.memory_space<vmem_shared>>
      tpu.enqueue_dma source(%arg5 : memref<128x32xf32, #tpu.memory_space<hbm>>) target(%dma_start3A_79 : memref<128x32xf32, #tpu.memory_space<vmem_shared>>) target_semaphore(%run_scoped3A : memref<!tpu.dma_semaphore, #tpu.memory_space<semaphore_mem>>)
      %dma_wait3A = arith.constant 0 : i32
      %dma_wait3A_80 = tpu.memref_slice %arg10[%add3A_4, %dma_wait3A] : memref<10240x32xf32, #tpu.memory_space<vmem_shared>> -> memref<128x32xf32, #tpu.memory_space<vmem_shared>>
      tpu.wait_dma2 semaphore(%run_scoped3A : memref<!tpu.dma_semaphore, #tpu.memory_space<semaphore_mem>>) src(%arg5 : memref<128x32xf32, #tpu.memory_space<hbm>>) dst(%dma_wait3A_80 : memref<128x32xf32, #tpu.memory_space<vmem_shared>>)
      tpu.yield
    }) : () -> ()
    %add3A_5 = arith.constant 128 : i32
    %add3A_6 = arith.addi %mul3A_2, %add3A_5 : i32
    "tpu.region"() ({
      %run_scoped3A = tpu.sem_alloc : memref<!tpu.dma_semaphore, #tpu.memory_space<semaphore_mem>>
      %dma_start3A_78 = arith.constant 0 : i32
      %dma_start3A_79 = tpu.memref_slice %arg10[%add3A_6, %dma_start3A_78] : memref<10240x32xf32, #tpu.memory_space<vmem_shared>> -> memref<128x32xf32, #tpu.memory_space<vmem_shared>>
      tpu.enqueue_dma source(%arg5 : memref<128x32xf32, #tpu.memory_space<hbm>>) target(%dma_start3A_79 : memref<128x32xf32, #tpu.memory_space<vmem_shared>>) target_semaphore(%run_scoped3A : memref<!tpu.dma_semaphore, #tpu.memory_space<semaphore_mem>>)
      %dma_wait3A = arith.constant 0 : i32
      %dma_wait3A_80 = tpu.memref_slice %arg10[%add3A_6, %dma_wait3A] : memref<10240x32xf32, #tpu.memory_space<vmem_shared>> -> memref<128x32xf32, #tpu.memory_space<vmem_shared>>
      tpu.wait_dma2 semaphore(%run_scoped3A : memref<!tpu.dma_semaphore, #tpu.memory_space<semaphore_mem>>) src(%arg5 : memref<128x32xf32, #tpu.memory_space<hbm>>) dst(%dma_wait3A_80 : memref<128x32xf32, #tpu.memory_space<vmem_shared>>)
      tpu.yield
    }) : () -> ()
    %add3A_7 = arith.constant 256 : i32
    %add3A_8 = arith.addi %mul3A_2, %add3A_7 : i32
    "tpu.region"() ({
      %run_scoped3A = tpu.sem_alloc : memref<!tpu.dma_semaphore, #tpu.memory_space<semaphore_mem>>
      %dma_start3A_78 = arith.constant 0 : i32
      %dma_start3A_79 = tpu.memref_slice %arg10[%add3A_8, %dma_start3A_78] : memref<10240x32xf32, #tpu.memory_space<vmem_shared>> -> memref<128x32xf32, #tpu.memory_space<vmem_shared>>
      tpu.enqueue_dma source(%arg5 : memref<128x32xf32, #tpu.memory_space<hbm>>) target(%dma_start3A_79 : memref<128x32xf32, #tpu.memory_space<vmem_shared>>) target_semaphore(%run_scoped3A : memref<!tpu.dma_semaphore, #tpu.memory_space<semaphore_mem>>)
      %dma_wait3A = arith.constant 0 : i32
      %dma_wait3A_80 = tpu.memref_slice %arg10[%add3A_8, %dma_wait3A] : memref<10240x32xf32, #tpu.memory_space<vmem_shared>> -> memref<128x32xf32, #tpu.memory_space<vmem_shared>>
      tpu.wait_dma2 semaphore(%run_scoped3A : memref<!tpu.dma_semaphore, #tpu.memory_space<semaphore_mem>>) src(%arg5 : memref<128x32xf32, #tpu.memory_space<hbm>>) dst(%dma_wait3A_80 : memref<128x32xf32, #tpu.memory_space<vmem_shared>>)
      tpu.yield
    }) : () -> ()
    %add3A_9 = arith.constant 384 : i32
    %add3A_10 = arith.addi %mul3A_2, %add3A_9 : i32
    "tpu.region"() ({
      %run_scoped3A = tpu.sem_alloc : memref<!tpu.dma_semaphore, #tpu.memory_space<semaphore_mem>>
      %dma_start3A_78 = arith.constant 0 : i32
      %dma_start3A_79 = tpu.memref_slice %arg10[%add3A_10, %dma_start3A_78] : memref<10240x32xf32, #tpu.memory_space<vmem_shared>> -> memref<128x32xf32, #tpu.memory_space<vmem_shared>>
      tpu.enqueue_dma source(%arg5 : memref<128x32xf32, #tpu.memory_space<hbm>>) target(%dma_start3A_79 : memref<128x32xf32, #tpu.memory_space<vmem_shared>>) target_semaphore(%run_scoped3A : memref<!tpu.dma_semaphore, #tpu.memory_space<semaphore_mem>>)
      %dma_wait3A = arith.constant 0 : i32
      %dma_wait3A_80 = tpu.memref_slice %arg10[%add3A_10, %dma_wait3A] : memref<10240x32xf32, #tpu.memory_space<vmem_shared>> -> memref<128x32xf32, #tpu.memory_space<vmem_shared>>
      tpu.wait_dma2 semaphore(%run_scoped3A : memref<!tpu.dma_semaphore, #tpu.memory_space<semaphore_mem>>) src(%arg5 : memref<128x32xf32, #tpu.memory_space<hbm>>) dst(%dma_wait3A_80 : memref<128x32xf32, #tpu.memory_space<vmem_shared>>)
      tpu.yield
    }) : () -> ()
    %add3A_11 = arith.constant 512 : i32
    %add3A_12 = arith.addi %mul3A_2, %add3A_11 : i32
    "tpu.region"() ({
      %run_scoped3A = tpu.sem_alloc : memref<!tpu.dma_semaphore, #tpu.memory_space<semaphore_mem>>
      %dma_start3A_78 = arith.constant 0 : i32
      %dma_start3A_79 = tpu.memref_slice %arg10[%add3A_12, %dma_start3A_78] : memref<10240x32xf32, #tpu.memory_space<vmem_shared>> -> memref<128x32xf32, #tpu.memory_space<vmem_shared>>
      tpu.enqueue_dma source(%arg5 : memref<128x32xf32, #tpu.memory_space<hbm>>) target(%dma_start3A_79 : memref<128x32xf32, #tpu.memory_space<vmem_shared>>) target_semaphore(%run_scoped3A : memref<!tpu.dma_semaphore, #tpu.memory_space<semaphore_mem>>)
      %dma_wait3A = arith.constant 0 : i32
      %dma_wait3A_80 = tpu.memref_slice %arg10[%add3A_12, %dma_wait3A] : memref<10240x32xf32, #tpu.memory_space<vmem_shared>> -> memref<128x32xf32, #tpu.memory_space<vmem_shared>>
      tpu.wait_dma2 semaphore(%run_scoped3A : memref<!tpu.dma_semaphore, #tpu.memory_space<semaphore_mem>>) src(%arg5 : memref<128x32xf32, #tpu.memory_space<hbm>>) dst(%dma_wait3A_80 : memref<128x32xf32, #tpu.memory_space<vmem_shared>>)
      tpu.yield
    }) : () -> ()
    "tpu.region"() ({
      %run_scoped3A = tpu.sem_alloc : memref<!tpu.dma_semaphore, #tpu.memory_space<semaphore_mem>>
      %dma_start3A_78 = arith.constant 0 : i32
      %dma_start3A_79 = arith.constant 0 : i32
      %dma_start3A_80 = tpu.memref_slice %arg2[%add3A, %dma_start3A_78, %dma_start3A_79] : memref<32x125x80xi32, #tpu.memory_space<hbm>> -> memref<1x125x80xi32, #tpu.memory_space<hbm>>
      %dma_start3A_81 = tpu.memref_squeeze %dma_start3A_80 : memref<1x125x80xi32, #tpu.memory_space<hbm>> -> memref<125x80xi32, #tpu.memory_space<hbm>>
      %dma_start3A_82 = arith.constant 0 : i32
      %dma_start3A_83 = arith.constant 0 : i32
      %dma_start3A_84 = tpu.memref_slice %arg2[%add3A, %dma_start3A_82, %dma_start3A_83] : memref<32x125x80xi32, #tpu.memory_space<hbm>> -> memref<1x125x80xi32, #tpu.memory_space<hbm>>
      %dma_start3A_85 = tpu.memref_squeeze %dma_start3A_84 : memref<1x125x80xi32, #tpu.memory_space<hbm>> -> memref<125x80xi32, #tpu.memory_space<hbm>>
      tpu.enqueue_dma source(%dma_start3A_85 : memref<125x80xi32, #tpu.memory_space<hbm>>) target(%arg7 : memref<125x80xi32, #tpu.memory_space<vmem>>) target_semaphore(%run_scoped3A : memref<!tpu.dma_semaphore, #tpu.memory_space<semaphore_mem>>)
      %dma_wait3A = arith.constant 0 : i32
      %dma_wait3A_86 = arith.constant 0 : i32
      %dma_wait3A_87 = tpu.memref_slice %arg2[%add3A, %dma_wait3A, %dma_wait3A_86] : memref<32x125x80xi32, #tpu.memory_space<hbm>> -> memref<1x125x80xi32, #tpu.memory_space<hbm>>
      %dma_wait3A_88 = tpu.memref_squeeze %dma_wait3A_87 : memref<1x125x80xi32, #tpu.memory_space<hbm>> -> memref<125x80xi32, #tpu.memory_space<hbm>>
      %dma_wait3A_89 = arith.constant 0 : i32
      %dma_wait3A_90 = arith.constant 0 : i32
      %dma_wait3A_91 = tpu.memref_slice %arg2[%add3A, %dma_wait3A_89, %dma_wait3A_90] : memref<32x125x80xi32, #tpu.memory_space<hbm>> -> memref<1x125x80xi32, #tpu.memory_space<hbm>>
      %dma_wait3A_92 = tpu.memref_squeeze %dma_wait3A_91 : memref<1x125x80xi32, #tpu.memory_space<hbm>> -> memref<125x80xi32, #tpu.memory_space<hbm>>
      tpu.wait_dma2 semaphore(%run_scoped3A : memref<!tpu.dma_semaphore, #tpu.memory_space<semaphore_mem>>) src(%dma_wait3A_92 : memref<125x80xi32, #tpu.memory_space<hbm>>) dst(%arg7 : memref<125x80xi32, #tpu.memory_space<vmem>>)
      tpu.yield
    }) : () -> ()
    "tpu.region"() ({
      %run_scoped3A = tpu.sem_alloc : memref<!tpu.dma_semaphore, #tpu.memory_space<semaphore_mem>>
      %dma_start3A_78 = arith.constant 0 : i32
      %dma_start3A_79 = arith.constant 0 : i32
      %dma_start3A_80 = tpu.memref_slice %arg3[%add3A, %dma_start3A_78, %dma_start3A_79] : memref<32x125x80xi32, #tpu.memory_space<hbm>> -> memref<1x125x80xi32, #tpu.memory_space<hbm>>
      %dma_start3A_81 = tpu.memref_squeeze %dma_start3A_80 : memref<1x125x80xi32, #tpu.memory_space<hbm>> -> memref<125x80xi32, #tpu.memory_space<hbm>>
      %dma_start3A_82 = arith.constant 0 : i32
      %dma_start3A_83 = arith.constant 0 : i32
      %dma_start3A_84 = tpu.memref_slice %arg3[%add3A, %dma_start3A_82, %dma_start3A_83] : memref<32x125x80xi32, #tpu.memory_space<hbm>> -> memref<1x125x80xi32, #tpu.memory_space<hbm>>
      %dma_start3A_85 = tpu.memref_squeeze %dma_start3A_84 : memref<1x125x80xi32, #tpu.memory_space<hbm>> -> memref<125x80xi32, #tpu.memory_space<hbm>>
      tpu.enqueue_dma source(%dma_start3A_85 : memref<125x80xi32, #tpu.memory_space<hbm>>) target(%arg8 : memref<125x80xi32, #tpu.memory_space<vmem>>) target_semaphore(%run_scoped3A : memref<!tpu.dma_semaphore, #tpu.memory_space<semaphore_mem>>)
      %dma_wait3A = arith.constant 0 : i32
      %dma_wait3A_86 = arith.constant 0 : i32
      %dma_wait3A_87 = tpu.memref_slice %arg3[%add3A, %dma_wait3A, %dma_wait3A_86] : memref<32x125x80xi32, #tpu.memory_space<hbm>> -> memref<1x125x80xi32, #tpu.memory_space<hbm>>
      %dma_wait3A_88 = tpu.memref_squeeze %dma_wait3A_87 : memref<1x125x80xi32, #tpu.memory_space<hbm>> -> memref<125x80xi32, #tpu.memory_space<hbm>>
      %dma_wait3A_89 = arith.constant 0 : i32
      %dma_wait3A_90 = arith.constant 0 : i32
      %dma_wait3A_91 = tpu.memref_slice %arg3[%add3A, %dma_wait3A_89, %dma_wait3A_90] : memref<32x125x80xi32, #tpu.memory_space<hbm>> -> memref<1x125x80xi32, #tpu.memory_space<hbm>>
      %dma_wait3A_92 = tpu.memref_squeeze %dma_wait3A_91 : memref<1x125x80xi32, #tpu.memory_space<hbm>> -> memref<125x80xi32, #tpu.memory_space<hbm>>
      tpu.wait_dma2 semaphore(%run_scoped3A : memref<!tpu.dma_semaphore, #tpu.memory_space<semaphore_mem>>) src(%dma_wait3A_92 : memref<125x80xi32, #tpu.memory_space<hbm>>) dst(%arg8 : memref<125x80xi32, #tpu.memory_space<vmem>>)
      tpu.yield
    }) : () -> ()
    %barrier3A = arith.constant 0 : index
    tpu.barrier barrier_id(%barrier3A)
    %dma_start3A = arith.constant 0 : i32
    %dma_start3A_13 = arith.constant 0 : i32
    %dma_start3A_14 = arith.constant 0 : i32
    %dma_start3A_15 = arith.constant 0 : i32
    %dma_start3A_16 = tpu.memref_slice %arg9[%dma_start3A_13, %dma_start3A_14, %dma_start3A_15] : memref<5x80x32xf32, #tpu.memory_space<vmem>> -> memref<1x80x32xf32, #tpu.memory_space<vmem>>
    %dma_start3A_17 = tpu.memref_squeeze %dma_start3A_16 : memref<1x80x32xf32, #tpu.memory_space<vmem>> -> memref<80x32xf32, #tpu.memory_space<vmem>>
    %dma_start3A_18 = arith.constant 0 : i32
    %dma_start3A_19 = tpu.memref_slice %arg7[%dma_start3A, %dma_start3A_18] : memref<125x80xi32, #tpu.memory_space<vmem>> -> memref<1x80xi32, #tpu.memory_space<vmem>>
    %dma_start3A_20 = tpu.memref_squeeze %dma_start3A_19 : memref<1x80xi32, #tpu.memory_space<vmem>> -> memref<80xi32, #tpu.memory_space<vmem>>
    %dma_start3A_21 = arith.constant 0 : i32
    %dma_start3A_22 = arith.constant 0 : i32
    %dma_start3A_23 = tpu.memref_slice %arg4[%dma_start3A_21, %dma_start3A_22] : memref<10240x32xf32, #tpu.memory_space<hbm>> -> memref<10240x32xf32, #tpu.memory_space<hbm>>
    tpu.enqueue_indirect_dma source(%dma_start3A_23 : memref<10240x32xf32, #tpu.memory_space<hbm>>) target(%dma_start3A_17 : memref<80x32xf32, #tpu.memory_space<vmem>>) offsets(%dma_start3A_20 : memref<80xi32, #tpu.memory_space<vmem>>) semaphore(%arg11 : memref<!tpu.dma_semaphore, #tpu.memory_space<semaphore_mem>>)
    %dma_start3A_24 = arith.constant 1 : i32
    %dma_start3A_25 = arith.constant 1 : i32
    %dma_start3A_26 = arith.constant 0 : i32
    %dma_start3A_27 = arith.constant 0 : i32
    %dma_start3A_28 = tpu.memref_slice %arg9[%dma_start3A_25, %dma_start3A_26, %dma_start3A_27] : memref<5x80x32xf32, #tpu.memory_space<vmem>> -> memref<1x80x32xf32, #tpu.memory_space<vmem>>
    %dma_start3A_29 = tpu.memref_squeeze %dma_start3A_28 : memref<1x80x32xf32, #tpu.memory_space<vmem>> -> memref<80x32xf32, #tpu.memory_space<vmem>>
    %dma_start3A_30 = arith.constant 0 : i32
    %dma_start3A_31 = tpu.memref_slice %arg7[%dma_start3A_24, %dma_start3A_30] : memref<125x80xi32, #tpu.memory_space<vmem>> -> memref<1x80xi32, #tpu.memory_space<vmem>>
    %dma_start3A_32 = tpu.memref_squeeze %dma_start3A_31 : memref<1x80xi32, #tpu.memory_space<vmem>> -> memref<80xi32, #tpu.memory_space<vmem>>
    %dma_start3A_33 = arith.constant 0 : i32
    %dma_start3A_34 = arith.constant 0 : i32
    %dma_start3A_35 = tpu.memref_slice %arg4[%dma_start3A_33, %dma_start3A_34] : memref<10240x32xf32, #tpu.memory_space<hbm>> -> memref<10240x32xf32, #tpu.memory_space<hbm>>
    tpu.enqueue_indirect_dma source(%dma_start3A_35 : memref<10240x32xf32, #tpu.memory_space<hbm>>) target(%dma_start3A_29 : memref<80x32xf32, #tpu.memory_space<vmem>>) offsets(%dma_start3A_32 : memref<80xi32, #tpu.memory_space<vmem>>) semaphore(%arg12 : memref<!tpu.dma_semaphore, #tpu.memory_space<semaphore_mem>>)
    %dma_start3A_36 = arith.constant 2 : i32
    %dma_start3A_37 = arith.constant 2 : i32
    %dma_start3A_38 = arith.constant 0 : i32
    %dma_start3A_39 = arith.constant 0 : i32
    %dma_start3A_40 = tpu.memref_slice %arg9[%dma_start3A_37, %dma_start3A_38, %dma_start3A_39] : memref<5x80x32xf32, #tpu.memory_space<vmem>> -> memref<1x80x32xf32, #tpu.memory_space<vmem>>
    %dma_start3A_41 = tpu.memref_squeeze %dma_start3A_40 : memref<1x80x32xf32, #tpu.memory_space<vmem>> -> memref<80x32xf32, #tpu.memory_space<vmem>>
    %dma_start3A_42 = arith.constant 0 : i32
    %dma_start3A_43 = tpu.memref_slice %arg7[%dma_start3A_36, %dma_start3A_42] : memref<125x80xi32, #tpu.memory_space<vmem>> -> memref<1x80xi32, #tpu.memory_space<vmem>>
    %dma_start3A_44 = tpu.memref_squeeze %dma_start3A_43 : memref<1x80xi32, #tpu.memory_space<vmem>> -> memref<80xi32, #tpu.memory_space<vmem>>
    %dma_start3A_45 = arith.constant 0 : i32
    %dma_start3A_46 = arith.constant 0 : i32
    %dma_start3A_47 = tpu.memref_slice %arg4[%dma_start3A_45, %dma_start3A_46] : memref<10240x32xf32, #tpu.memory_space<hbm>> -> memref<10240x32xf32, #tpu.memory_space<hbm>>
    tpu.enqueue_indirect_dma source(%dma_start3A_47 : memref<10240x32xf32, #tpu.memory_space<hbm>>) target(%dma_start3A_41 : memref<80x32xf32, #tpu.memory_space<vmem>>) offsets(%dma_start3A_44 : memref<80xi32, #tpu.memory_space<vmem>>) semaphore(%arg13 : memref<!tpu.dma_semaphore, #tpu.memory_space<semaphore_mem>>)
    %dma_start3A_48 = arith.constant 3 : i32
    %dma_start3A_49 = arith.constant 3 : i32
    %dma_start3A_50 = arith.constant 0 : i32
    %dma_start3A_51 = arith.constant 0 : i32
    %dma_start3A_52 = tpu.memref_slice %arg9[%dma_start3A_49, %dma_start3A_50, %dma_start3A_51] : memref<5x80x32xf32, #tpu.memory_space<vmem>> -> memref<1x80x32xf32, #tpu.memory_space<vmem>>
    %dma_start3A_53 = tpu.memref_squeeze %dma_start3A_52 : memref<1x80x32xf32, #tpu.memory_space<vmem>> -> memref<80x32xf32, #tpu.memory_space<vmem>>
    %dma_start3A_54 = arith.constant 0 : i32
    %dma_start3A_55 = tpu.memref_slice %arg7[%dma_start3A_48, %dma_start3A_54] : memref<125x80xi32, #tpu.memory_space<vmem>> -> memref<1x80xi32, #tpu.memory_space<vmem>>
    %dma_start3A_56 = tpu.memref_squeeze %dma_start3A_55 : memref<1x80xi32, #tpu.memory_space<vmem>> -> memref<80xi32, #tpu.memory_space<vmem>>
    %dma_start3A_57 = arith.constant 0 : i32
    %dma_start3A_58 = arith.constant 0 : i32
    %dma_start3A_59 = tpu.memref_slice %arg4[%dma_start3A_57, %dma_start3A_58] : memref<10240x32xf32, #tpu.memory_space<hbm>> -> memref<10240x32xf32, #tpu.memory_space<hbm>>
    tpu.enqueue_indirect_dma source(%dma_start3A_59 : memref<10240x32xf32, #tpu.memory_space<hbm>>) target(%dma_start3A_53 : memref<80x32xf32, #tpu.memory_space<vmem>>) offsets(%dma_start3A_56 : memref<80xi32, #tpu.memory_space<vmem>>) semaphore(%arg14 : memref<!tpu.dma_semaphore, #tpu.memory_space<semaphore_mem>>)
    %dma_start3A_60 = arith.constant 4 : i32
    %dma_start3A_61 = arith.constant 4 : i32
    %dma_start3A_62 = arith.constant 0 : i32
    %dma_start3A_63 = arith.constant 0 : i32
    %dma_start3A_64 = tpu.memref_slice %arg9[%dma_start3A_61, %dma_start3A_62, %dma_start3A_63] : memref<5x80x32xf32, #tpu.memory_space<vmem>> -> memref<1x80x32xf32, #tpu.memory_space<vmem>>
    %dma_start3A_65 = tpu.memref_squeeze %dma_start3A_64 : memref<1x80x32xf32, #tpu.memory_space<vmem>> -> memref<80x32xf32, #tpu.memory_space<vmem>>
    %dma_start3A_66 = arith.constant 0 : i32
    %dma_start3A_67 = tpu.memref_slice %arg7[%dma_start3A_60, %dma_start3A_66] : memref<125x80xi32, #tpu.memory_space<vmem>> -> memref<1x80xi32, #tpu.memory_space<vmem>>
    %dma_start3A_68 = tpu.memref_squeeze %dma_start3A_67 : memref<1x80xi32, #tpu.memory_space<vmem>> -> memref<80xi32, #tpu.memory_space<vmem>>
    %dma_start3A_69 = arith.constant 0 : i32
    %dma_start3A_70 = arith.constant 0 : i32
    %dma_start3A_71 = tpu.memref_slice %arg4[%dma_start3A_69, %dma_start3A_70] : memref<10240x32xf32, #tpu.memory_space<hbm>> -> memref<10240x32xf32, #tpu.memory_space<hbm>>
    tpu.enqueue_indirect_dma source(%dma_start3A_71 : memref<10240x32xf32, #tpu.memory_space<hbm>>) target(%dma_start3A_65 : memref<80x32xf32, #tpu.memory_space<vmem>>) offsets(%dma_start3A_68 : memref<80xi32, #tpu.memory_space<vmem>>) semaphore(%arg15 : memref<!tpu.dma_semaphore, #tpu.memory_space<semaphore_mem>>)
    %scan3A = arith.constant 0 : i32
    %scan3A_72 = arith.constant 0 : i32
    %scan3A_73 = arith.constant 25 : i32
    %scan3A_74 = arith.addi %scan3A_72, %scan3A_73 : i32
    %scan3A_75 = arith.constant 1 : i32
    scf.for %scan3A_78 = %scan3A_72 to %scan3A_74 step %scan3A_75  : i32 {
      %mul3A_79 = arith.constant 5 : i32
      %mul3A_80 = arith.muli %scan3A_78, %mul3A_79 : i32
      %add3A_81 = arith.constant 0 : i32
      %add3A_82 = arith.addi %mul3A_80, %add3A_81 : i32
      %dma_wait3A = arith.constant 0 : i32
      %dma_wait3A_83 = arith.constant 0 : i32
      %dma_wait3A_84 = arith.constant 0 : i32
      %dma_wait3A_85 = tpu.memref_slice %arg9[%dma_wait3A, %dma_wait3A_83, %dma_wait3A_84] : memref<5x80x32xf32, #tpu.memory_space<vmem>> -> memref<1x80x32xf32, #tpu.memory_space<vmem>>
      %dma_wait3A_86 = tpu.memref_squeeze %dma_wait3A_85 : memref<1x80x32xf32, #tpu.memory_space<vmem>> -> memref<80x32xf32, #tpu.memory_space<vmem>>
      %dma_wait3A_87 = arith.constant 0 : i32
      %dma_wait3A_88 = tpu.memref_slice %arg7[%add3A_82, %dma_wait3A_87] : memref<125x80xi32, #tpu.memory_space<vmem>> -> memref<1x80xi32, #tpu.memory_space<vmem>>
      %dma_wait3A_89 = tpu.memref_squeeze %dma_wait3A_88 : memref<1x80xi32, #tpu.memory_space<vmem>> -> memref<80xi32, #tpu.memory_space<vmem>>
      %dma_wait3A_90 = arith.constant 0 : i32
      %dma_wait3A_91 = arith.constant 0 : i32
      %dma_wait3A_92 = tpu.memref_slice %arg4[%dma_wait3A_90, %dma_wait3A_91] : memref<10240x32xf32, #tpu.memory_space<hbm>> -> memref<10240x32xf32, #tpu.memory_space<hbm>>
      tpu.wait_indirect_dma semaphore(%arg11 : memref<!tpu.dma_semaphore, #tpu.memory_space<semaphore_mem>>) src(%dma_wait3A_92 : memref<10240x32xf32, #tpu.memory_space<hbm>>) dst(%dma_wait3A_86 : memref<80x32xf32, #tpu.memory_space<vmem>>)
      %dma_start3A_93 = arith.constant 0 : i32
      %dma_start3A_94 = arith.constant 0 : i32
      %dma_start3A_95 = arith.constant 0 : i32
      %dma_start3A_96 = tpu.memref_slice %arg9[%dma_start3A_93, %dma_start3A_94, %dma_start3A_95] : memref<5x80x32xf32, #tpu.memory_space<vmem>> -> memref<1x80x32xf32, #tpu.memory_space<vmem>>
      %dma_start3A_97 = tpu.memref_squeeze %dma_start3A_96 : memref<1x80x32xf32, #tpu.memory_space<vmem>> -> memref<80x32xf32, #tpu.memory_space<vmem>>
      %dma_start3A_98 = arith.constant 0 : i32
      %dma_start3A_99 = tpu.memref_slice %arg8[%add3A_82, %dma_start3A_98] : memref<125x80xi32, #tpu.memory_space<vmem>> -> memref<1x80xi32, #tpu.memory_space<vmem>>
      %dma_start3A_100 = tpu.memref_squeeze %dma_start3A_99 : memref<1x80xi32, #tpu.memory_space<vmem>> -> memref<80xi32, #tpu.memory_space<vmem>>
      %dma_start3A_101 = arith.constant 0 : i32
      %dma_start3A_102 = arith.constant 0 : i32
      %dma_start3A_103 = tpu.memref_slice %arg10[%dma_start3A_101, %dma_start3A_102] : memref<10240x32xf32, #tpu.memory_space<vmem_shared>> -> memref<10240x32xf32, #tpu.memory_space<vmem_shared>>
      tpu.enqueue_indirect_dma source(%dma_start3A_97 : memref<80x32xf32, #tpu.memory_space<vmem>>) target(%dma_start3A_103 : memref<10240x32xf32, #tpu.memory_space<vmem_shared>>) offsets(%dma_start3A_100 : memref<80xi32, #tpu.memory_space<vmem>>) semaphore(%arg16 : memref<!tpu.dma_semaphore, #tpu.memory_space<semaphore_mem>>) {add = true}
      %mul3A_104 = arith.constant 5 : i32
      %mul3A_105 = arith.muli %scan3A_78, %mul3A_104 : i32
      %add3A_106 = arith.constant 1 : i32
      %add3A_107 = arith.addi %mul3A_105, %add3A_106 : i32
      %dma_wait3A_108 = arith.constant 1 : i32
      %dma_wait3A_109 = arith.constant 0 : i32
      %dma_wait3A_110 = arith.constant 0 : i32
      %dma_wait3A_111 = tpu.memref_slice %arg9[%dma_wait3A_108, %dma_wait3A_109, %dma_wait3A_110] : memref<5x80x32xf32, #tpu.memory_space<vmem>> -> memref<1x80x32xf32, #tpu.memory_space<vmem>>
      %dma_wait3A_112 = tpu.memref_squeeze %dma_wait3A_111 : memref<1x80x32xf32, #tpu.memory_space<vmem>> -> memref<80x32xf32, #tpu.memory_space<vmem>>
      %dma_wait3A_113 = arith.constant 0 : i32
      %dma_wait3A_114 = tpu.memref_slice %arg7[%add3A_107, %dma_wait3A_113] : memref<125x80xi32, #tpu.memory_space<vmem>> -> memref<1x80xi32, #tpu.memory_space<vmem>>
      %dma_wait3A_115 = tpu.memref_squeeze %dma_wait3A_114 : memref<1x80xi32, #tpu.memory_space<vmem>> -> memref<80xi32, #tpu.memory_space<vmem>>
      %dma_wait3A_116 = arith.constant 0 : i32
      %dma_wait3A_117 = arith.constant 0 : i32
      %dma_wait3A_118 = tpu.memref_slice %arg4[%dma_wait3A_116, %dma_wait3A_117] : memref<10240x32xf32, #tpu.memory_space<hbm>> -> memref<10240x32xf32, #tpu.memory_space<hbm>>
      tpu.wait_indirect_dma semaphore(%arg12 : memref<!tpu.dma_semaphore, #tpu.memory_space<semaphore_mem>>) src(%dma_wait3A_118 : memref<10240x32xf32, #tpu.memory_space<hbm>>) dst(%dma_wait3A_112 : memref<80x32xf32, #tpu.memory_space<vmem>>)
      %dma_start3A_119 = arith.constant 1 : i32
      %dma_start3A_120 = arith.constant 0 : i32
      %dma_start3A_121 = arith.constant 0 : i32
      %dma_start3A_122 = tpu.memref_slice %arg9[%dma_start3A_119, %dma_start3A_120, %dma_start3A_121] : memref<5x80x32xf32, #tpu.memory_space<vmem>> -> memref<1x80x32xf32, #tpu.memory_space<vmem>>
      %dma_start3A_123 = tpu.memref_squeeze %dma_start3A_122 : memref<1x80x32xf32, #tpu.memory_space<vmem>> -> memref<80x32xf32, #tpu.memory_space<vmem>>
      %dma_start3A_124 = arith.constant 0 : i32
      %dma_start3A_125 = tpu.memref_slice %arg8[%add3A_107, %dma_start3A_124] : memref<125x80xi32, #tpu.memory_space<vmem>> -> memref<1x80xi32, #tpu.memory_space<vmem>>
      %dma_start3A_126 = tpu.memref_squeeze %dma_start3A_125 : memref<1x80xi32, #tpu.memory_space<vmem>> -> memref<80xi32, #tpu.memory_space<vmem>>
      %dma_start3A_127 = arith.constant 0 : i32
      %dma_start3A_128 = arith.constant 0 : i32
      %dma_start3A_129 = tpu.memref_slice %arg10[%dma_start3A_127, %dma_start3A_128] : memref<10240x32xf32, #tpu.memory_space<vmem_shared>> -> memref<10240x32xf32, #tpu.memory_space<vmem_shared>>
      tpu.enqueue_indirect_dma source(%dma_start3A_123 : memref<80x32xf32, #tpu.memory_space<vmem>>) target(%dma_start3A_129 : memref<10240x32xf32, #tpu.memory_space<vmem_shared>>) offsets(%dma_start3A_126 : memref<80xi32, #tpu.memory_space<vmem>>) semaphore(%arg17 : memref<!tpu.dma_semaphore, #tpu.memory_space<semaphore_mem>>) {add = true}
      %mul3A_130 = arith.constant 5 : i32
      %mul3A_131 = arith.muli %scan3A_78, %mul3A_130 : i32
      %add3A_132 = arith.constant 2 : i32
      %add3A_133 = arith.addi %mul3A_131, %add3A_132 : i32
      %dma_wait3A_134 = arith.constant 2 : i32
      %dma_wait3A_135 = arith.constant 0 : i32
      %dma_wait3A_136 = arith.constant 0 : i32
      %dma_wait3A_137 = tpu.memref_slice %arg9[%dma_wait3A_134, %dma_wait3A_135, %dma_wait3A_136] : memref<5x80x32xf32, #tpu.memory_space<vmem>> -> memref<1x80x32xf32, #tpu.memory_space<vmem>>
      %dma_wait3A_138 = tpu.memref_squeeze %dma_wait3A_137 : memref<1x80x32xf32, #tpu.memory_space<vmem>> -> memref<80x32xf32, #tpu.memory_space<vmem>>
      %dma_wait3A_139 = arith.constant 0 : i32
      %dma_wait3A_140 = tpu.memref_slice %arg7[%add3A_133, %dma_wait3A_139] : memref<125x80xi32, #tpu.memory_space<vmem>> -> memref<1x80xi32, #tpu.memory_space<vmem>>
      %dma_wait3A_141 = tpu.memref_squeeze %dma_wait3A_140 : memref<1x80xi32, #tpu.memory_space<vmem>> -> memref<80xi32, #tpu.memory_space<vmem>>
      %dma_wait3A_142 = arith.constant 0 : i32
      %dma_wait3A_143 = arith.constant 0 : i32
      %dma_wait3A_144 = tpu.memref_slice %arg4[%dma_wait3A_142, %dma_wait3A_143] : memref<10240x32xf32, #tpu.memory_space<hbm>> -> memref<10240x32xf32, #tpu.memory_space<hbm>>
      tpu.wait_indirect_dma semaphore(%arg13 : memref<!tpu.dma_semaphore, #tpu.memory_space<semaphore_mem>>) src(%dma_wait3A_144 : memref<10240x32xf32, #tpu.memory_space<hbm>>) dst(%dma_wait3A_138 : memref<80x32xf32, #tpu.memory_space<vmem>>)
      %dma_start3A_145 = arith.constant 2 : i32
      %dma_start3A_146 = arith.constant 0 : i32
      %dma_start3A_147 = arith.constant 0 : i32
      %dma_start3A_148 = tpu.memref_slice %arg9[%dma_start3A_145, %dma_start3A_146, %dma_start3A_147] : memref<5x80x32xf32, #tpu.memory_space<vmem>> -> memref<1x80x32xf32, #tpu.memory_space<vmem>>
      %dma_start3A_149 = tpu.memref_squeeze %dma_start3A_148 : memref<1x80x32xf32, #tpu.memory_space<vmem>> -> memref<80x32xf32, #tpu.memory_space<vmem>>
      %dma_start3A_150 = arith.constant 0 : i32
      %dma_start3A_151 = tpu.memref_slice %arg8[%add3A_133, %dma_start3A_150] : memref<125x80xi32, #tpu.memory_space<vmem>> -> memref<1x80xi32, #tpu.memory_space<vmem>>
      %dma_start3A_152 = tpu.memref_squeeze %dma_start3A_151 : memref<1x80xi32, #tpu.memory_space<vmem>> -> memref<80xi32, #tpu.memory_space<vmem>>
      %dma_start3A_153 = arith.constant 0 : i32
      %dma_start3A_154 = arith.constant 0 : i32
      %dma_start3A_155 = tpu.memref_slice %arg10[%dma_start3A_153, %dma_start3A_154] : memref<10240x32xf32, #tpu.memory_space<vmem_shared>> -> memref<10240x32xf32, #tpu.memory_space<vmem_shared>>
      tpu.enqueue_indirect_dma source(%dma_start3A_149 : memref<80x32xf32, #tpu.memory_space<vmem>>) target(%dma_start3A_155 : memref<10240x32xf32, #tpu.memory_space<vmem_shared>>) offsets(%dma_start3A_152 : memref<80xi32, #tpu.memory_space<vmem>>) semaphore(%arg18 : memref<!tpu.dma_semaphore, #tpu.memory_space<semaphore_mem>>) {add = true}
      %mul3A_156 = arith.constant 5 : i32
      %mul3A_157 = arith.muli %scan3A_78, %mul3A_156 : i32
      %add3A_158 = arith.constant 3 : i32
      %add3A_159 = arith.addi %mul3A_157, %add3A_158 : i32
      %dma_wait3A_160 = arith.constant 3 : i32
      %dma_wait3A_161 = arith.constant 0 : i32
      %dma_wait3A_162 = arith.constant 0 : i32
      %dma_wait3A_163 = tpu.memref_slice %arg9[%dma_wait3A_160, %dma_wait3A_161, %dma_wait3A_162] : memref<5x80x32xf32, #tpu.memory_space<vmem>> -> memref<1x80x32xf32, #tpu.memory_space<vmem>>
      %dma_wait3A_164 = tpu.memref_squeeze %dma_wait3A_163 : memref<1x80x32xf32, #tpu.memory_space<vmem>> -> memref<80x32xf32, #tpu.memory_space<vmem>>
      %dma_wait3A_165 = arith.constant 0 : i32
      %dma_wait3A_166 = tpu.memref_slice %arg7[%add3A_159, %dma_wait3A_165] : memref<125x80xi32, #tpu.memory_space<vmem>> -> memref<1x80xi32, #tpu.memory_space<vmem>>
      %dma_wait3A_167 = tpu.memref_squeeze %dma_wait3A_166 : memref<1x80xi32, #tpu.memory_space<vmem>> -> memref<80xi32, #tpu.memory_space<vmem>>
      %dma_wait3A_168 = arith.constant 0 : i32
      %dma_wait3A_169 = arith.constant 0 : i32
      %dma_wait3A_170 = tpu.memref_slice %arg4[%dma_wait3A_168, %dma_wait3A_169] : memref<10240x32xf32, #tpu.memory_space<hbm>> -> memref<10240x32xf32, #tpu.memory_space<hbm>>
      tpu.wait_indirect_dma semaphore(%arg14 : memref<!tpu.dma_semaphore, #tpu.memory_space<semaphore_mem>>) src(%dma_wait3A_170 : memref<10240x32xf32, #tpu.memory_space<hbm>>) dst(%dma_wait3A_164 : memref<80x32xf32, #tpu.memory_space<vmem>>)
      %dma_start3A_171 = arith.constant 3 : i32
      %dma_start3A_172 = arith.constant 0 : i32
      %dma_start3A_173 = arith.constant 0 : i32
      %dma_start3A_174 = tpu.memref_slice %arg9[%dma_start3A_171, %dma_start3A_172, %dma_start3A_173] : memref<5x80x32xf32, #tpu.memory_space<vmem>> -> memref<1x80x32xf32, #tpu.memory_space<vmem>>
      %dma_start3A_175 = tpu.memref_squeeze %dma_start3A_174 : memref<1x80x32xf32, #tpu.memory_space<vmem>> -> memref<80x32xf32, #tpu.memory_space<vmem>>
      %dma_start3A_176 = arith.constant 0 : i32
      %dma_start3A_177 = tpu.memref_slice %arg8[%add3A_159, %dma_start3A_176] : memref<125x80xi32, #tpu.memory_space<vmem>> -> memref<1x80xi32, #tpu.memory_space<vmem>>
      %dma_start3A_178 = tpu.memref_squeeze %dma_start3A_177 : memref<1x80xi32, #tpu.memory_space<vmem>> -> memref<80xi32, #tpu.memory_space<vmem>>
      %dma_start3A_179 = arith.constant 0 : i32
      %dma_start3A_180 = arith.constant 0 : i32
      %dma_start3A_181 = tpu.memref_slice %arg10[%dma_start3A_179, %dma_start3A_180] : memref<10240x32xf32, #tpu.memory_space<vmem_shared>> -> memref<10240x32xf32, #tpu.memory_space<vmem_shared>>
      tpu.enqueue_indirect_dma source(%dma_start3A_175 : memref<80x32xf32, #tpu.memory_space<vmem>>) target(%dma_start3A_181 : memref<10240x32xf32, #tpu.memory_space<vmem_shared>>) offsets(%dma_start3A_178 : memref<80xi32, #tpu.memory_space<vmem>>) semaphore(%arg19 : memref<!tpu.dma_semaphore, #tpu.memory_space<semaphore_mem>>) {add = true}
      %mul3A_182 = arith.constant 5 : i32
      %mul3A_183 = arith.muli %scan3A_78, %mul3A_182 : i32
      %add3A_184 = arith.constant 4 : i32
      %add3A_185 = arith.addi %mul3A_183, %add3A_184 : i32
      %dma_wait3A_186 = arith.constant 4 : i32
      %dma_wait3A_187 = arith.constant 0 : i32
      %dma_wait3A_188 = arith.constant 0 : i32
      %dma_wait3A_189 = tpu.memref_slice %arg9[%dma_wait3A_186, %dma_wait3A_187, %dma_wait3A_188] : memref<5x80x32xf32, #tpu.memory_space<vmem>> -> memref<1x80x32xf32, #tpu.memory_space<vmem>>
      %dma_wait3A_190 = tpu.memref_squeeze %dma_wait3A_189 : memref<1x80x32xf32, #tpu.memory_space<vmem>> -> memref<80x32xf32, #tpu.memory_space<vmem>>
      %dma_wait3A_191 = arith.constant 0 : i32
      %dma_wait3A_192 = tpu.memref_slice %arg7[%add3A_185, %dma_wait3A_191] : memref<125x80xi32, #tpu.memory_space<vmem>> -> memref<1x80xi32, #tpu.memory_space<vmem>>
      %dma_wait3A_193 = tpu.memref_squeeze %dma_wait3A_192 : memref<1x80xi32, #tpu.memory_space<vmem>> -> memref<80xi32, #tpu.memory_space<vmem>>
      %dma_wait3A_194 = arith.constant 0 : i32
      %dma_wait3A_195 = arith.constant 0 : i32
      %dma_wait3A_196 = tpu.memref_slice %arg4[%dma_wait3A_194, %dma_wait3A_195] : memref<10240x32xf32, #tpu.memory_space<hbm>> -> memref<10240x32xf32, #tpu.memory_space<hbm>>
      tpu.wait_indirect_dma semaphore(%arg15 : memref<!tpu.dma_semaphore, #tpu.memory_space<semaphore_mem>>) src(%dma_wait3A_196 : memref<10240x32xf32, #tpu.memory_space<hbm>>) dst(%dma_wait3A_190 : memref<80x32xf32, #tpu.memory_space<vmem>>)
      %dma_start3A_197 = arith.constant 4 : i32
      %dma_start3A_198 = arith.constant 0 : i32
      %dma_start3A_199 = arith.constant 0 : i32
      %dma_start3A_200 = tpu.memref_slice %arg9[%dma_start3A_197, %dma_start3A_198, %dma_start3A_199] : memref<5x80x32xf32, #tpu.memory_space<vmem>> -> memref<1x80x32xf32, #tpu.memory_space<vmem>>
      %dma_start3A_201 = tpu.memref_squeeze %dma_start3A_200 : memref<1x80x32xf32, #tpu.memory_space<vmem>> -> memref<80x32xf32, #tpu.memory_space<vmem>>
      %dma_start3A_202 = arith.constant 0 : i32
      %dma_start3A_203 = tpu.memref_slice %arg8[%add3A_185, %dma_start3A_202] : memref<125x80xi32, #tpu.memory_space<vmem>> -> memref<1x80xi32, #tpu.memory_space<vmem>>
      %dma_start3A_204 = tpu.memref_squeeze %dma_start3A_203 : memref<1x80xi32, #tpu.memory_space<vmem>> -> memref<80xi32, #tpu.memory_space<vmem>>
      %dma_start3A_205 = arith.constant 0 : i32
      %dma_start3A_206 = arith.constant 0 : i32
      %dma_start3A_207 = tpu.memref_slice %arg10[%dma_start3A_205, %dma_start3A_206] : memref<10240x32xf32, #tpu.memory_space<vmem_shared>> -> memref<10240x32xf32, #tpu.memory_space<vmem_shared>>
      tpu.enqueue_indirect_dma source(%dma_start3A_201 : memref<80x32xf32, #tpu.memory_space<vmem>>) target(%dma_start3A_207 : memref<10240x32xf32, #tpu.memory_space<vmem_shared>>) offsets(%dma_start3A_204 : memref<80xi32, #tpu.memory_space<vmem>>) semaphore(%arg20 : memref<!tpu.dma_semaphore, #tpu.memory_space<semaphore_mem>>) {add = true}
      %dma_wait3A_208 = arith.constant 0 : i32
      %dma_wait3A_209 = arith.constant 0 : i32
      %dma_wait3A_210 = arith.constant 0 : i32
      %dma_wait3A_211 = tpu.memref_slice %arg9[%dma_wait3A_208, %dma_wait3A_209, %dma_wait3A_210] : memref<5x80x32xf32, #tpu.memory_space<vmem>> -> memref<1x80x32xf32, #tpu.memory_space<vmem>>
      %dma_wait3A_212 = tpu.memref_squeeze %dma_wait3A_211 : memref<1x80x32xf32, #tpu.memory_space<vmem>> -> memref<80x32xf32, #tpu.memory_space<vmem>>
      %dma_wait3A_213 = arith.constant 0 : i32
      %dma_wait3A_214 = tpu.memref_slice %arg8[%add3A_82, %dma_wait3A_213] : memref<125x80xi32, #tpu.memory_space<vmem>> -> memref<1x80xi32, #tpu.memory_space<vmem>>
      %dma_wait3A_215 = tpu.memref_squeeze %dma_wait3A_214 : memref<1x80xi32, #tpu.memory_space<vmem>> -> memref<80xi32, #tpu.memory_space<vmem>>
      %dma_wait3A_216 = arith.constant 0 : i32
      %dma_wait3A_217 = arith.constant 0 : i32
      %dma_wait3A_218 = tpu.memref_slice %arg10[%dma_wait3A_216, %dma_wait3A_217] : memref<10240x32xf32, #tpu.memory_space<vmem_shared>> -> memref<10240x32xf32, #tpu.memory_space<vmem_shared>>
      tpu.wait_indirect_dma semaphore(%arg16 : memref<!tpu.dma_semaphore, #tpu.memory_space<semaphore_mem>>) src(%dma_wait3A_212 : memref<80x32xf32, #tpu.memory_space<vmem>>) dst(%dma_wait3A_218 : memref<10240x32xf32, #tpu.memory_space<vmem_shared>>)
      %add3A_219 = arith.constant 1 : i32
      %add3A_220 = arith.addi %scan3A_78, %add3A_219 : i32
      %mul3A_221 = arith.constant 5 : i32
      %mul3A_222 = arith.muli %add3A_220, %mul3A_221 : i32
      %add3A_223 = arith.constant 0 : i32
      %add3A_224 = arith.addi %mul3A_222, %add3A_223 : i32
      %lt3A = arith.constant 125 : i32
      %lt3A_225 = arith.cmpi slt, %add3A_224, %lt3A : i32
      %convert_element_type3A = arith.extui %lt3A_225 : i1 to i32
      %cond3A = arith.constant 0 : i32
      %cond3A_226 = arith.cmpi ne, %convert_element_type3A, %cond3A : i32
      scf.if %cond3A_226 {
        %dma_start3A_315 = arith.constant 0 : i32
        %dma_start3A_316 = arith.constant 0 : i32
        %dma_start3A_317 = arith.constant 0 : i32
        %dma_start3A_318 = tpu.memref_slice %arg9[%dma_start3A_315, %dma_start3A_316, %dma_start3A_317] : memref<5x80x32xf32, #tpu.memory_space<vmem>> -> memref<1x80x32xf32, #tpu.memory_space<vmem>>
        %dma_start3A_319 = tpu.memref_squeeze %dma_start3A_318 : memref<1x80x32xf32, #tpu.memory_space<vmem>> -> memref<80x32xf32, #tpu.memory_space<vmem>>
        %dma_start3A_320 = arith.constant 0 : i32
        %dma_start3A_321 = tpu.memref_slice %arg7[%add3A_224, %dma_start3A_320] : memref<125x80xi32, #tpu.memory_space<vmem>> -> memref<1x80xi32, #tpu.memory_space<vmem>>
        %dma_start3A_322 = tpu.memref_squeeze %dma_start3A_321 : memref<1x80xi32, #tpu.memory_space<vmem>> -> memref<80xi32, #tpu.memory_space<vmem>>
        %dma_start3A_323 = arith.constant 0 : i32
        %dma_start3A_324 = arith.constant 0 : i32
        %dma_start3A_325 = tpu.memref_slice %arg4[%dma_start3A_323, %dma_start3A_324] : memref<10240x32xf32, #tpu.memory_space<hbm>> -> memref<10240x32xf32, #tpu.memory_space<hbm>>
        tpu.enqueue_indirect_dma source(%dma_start3A_325 : memref<10240x32xf32, #tpu.memory_space<hbm>>) target(%dma_start3A_319 : memref<80x32xf32, #tpu.memory_space<vmem>>) offsets(%dma_start3A_322 : memref<80xi32, #tpu.memory_space<vmem>>) semaphore(%arg11 : memref<!tpu.dma_semaphore, #tpu.memory_space<semaphore_mem>>)
      } else {
      }
      %dma_wait3A_227 = arith.constant 1 : i32
      %dma_wait3A_228 = arith.constant 0 : i32
      %dma_wait3A_229 = arith.constant 0 : i32
      %dma_wait3A_230 = tpu.memref_slice %arg9[%dma_wait3A_227, %dma_wait3A_228, %dma_wait3A_229] : memref<5x80x32xf32, #tpu.memory_space<vmem>> -> memref<1x80x32xf32, #tpu.memory_space<vmem>>
      %dma_wait3A_231 = tpu.memref_squeeze %dma_wait3A_230 : memref<1x80x32xf32, #tpu.memory_space<vmem>> -> memref<80x32xf32, #tpu.memory_space<vmem>>
      %dma_wait3A_232 = arith.constant 0 : i32
      %dma_wait3A_233 = tpu.memref_slice %arg8[%add3A_107, %dma_wait3A_232] : memref<125x80xi32, #tpu.memory_space<vmem>> -> memref<1x80xi32, #tpu.memory_space<vmem>>
      %dma_wait3A_234 = tpu.memref_squeeze %dma_wait3A_233 : memref<1x80xi32, #tpu.memory_space<vmem>> -> memref<80xi32, #tpu.memory_space<vmem>>
      %dma_wait3A_235 = arith.constant 0 : i32
      %dma_wait3A_236 = arith.constant 0 : i32
      %dma_wait3A_237 = tpu.memref_slice %arg10[%dma_wait3A_235, %dma_wait3A_236] : memref<10240x32xf32, #tpu.memory_space<vmem_shared>> -> memref<10240x32xf32, #tpu.memory_space<vmem_shared>>
      tpu.wait_indirect_dma semaphore(%arg17 : memref<!tpu.dma_semaphore, #tpu.memory_space<semaphore_mem>>) src(%dma_wait3A_231 : memref<80x32xf32, #tpu.memory_space<vmem>>) dst(%dma_wait3A_237 : memref<10240x32xf32, #tpu.memory_space<vmem_shared>>)
      %add3A_238 = arith.constant 1 : i32
      %add3A_239 = arith.addi %scan3A_78, %add3A_238 : i32
      %mul3A_240 = arith.constant 5 : i32
      %mul3A_241 = arith.muli %add3A_239, %mul3A_240 : i32
      %add3A_242 = arith.constant 1 : i32
      %add3A_243 = arith.addi %mul3A_241, %add3A_242 : i32
      %lt3A_244 = arith.constant 125 : i32
      %lt3A_245 = arith.cmpi slt, %add3A_243, %lt3A_244 : i32
      %convert_element_type3A_246 = arith.extui %lt3A_245 : i1 to i32
      %cond3A_247 = arith.constant 0 : i32
      %cond3A_248 = arith.cmpi ne, %convert_element_type3A_246, %cond3A_247 : i32
      scf.if %cond3A_248 {
        %dma_start3A_315 = arith.constant 1 : i32
        %dma_start3A_316 = arith.constant 0 : i32
        %dma_start3A_317 = arith.constant 0 : i32
        %dma_start3A_318 = tpu.memref_slice %arg9[%dma_start3A_315, %dma_start3A_316, %dma_start3A_317] : memref<5x80x32xf32, #tpu.memory_space<vmem>> -> memref<1x80x32xf32, #tpu.memory_space<vmem>>
        %dma_start3A_319 = tpu.memref_squeeze %dma_start3A_318 : memref<1x80x32xf32, #tpu.memory_space<vmem>> -> memref<80x32xf32, #tpu.memory_space<vmem>>
        %dma_start3A_320 = arith.constant 0 : i32
        %dma_start3A_321 = tpu.memref_slice %arg7[%add3A_243, %dma_start3A_320] : memref<125x80xi32, #tpu.memory_space<vmem>> -> memref<1x80xi32, #tpu.memory_space<vmem>>
        %dma_start3A_322 = tpu.memref_squeeze %dma_start3A_321 : memref<1x80xi32, #tpu.memory_space<vmem>> -> memref<80xi32, #tpu.memory_space<vmem>>
        %dma_start3A_323 = arith.constant 0 : i32
        %dma_start3A_324 = arith.constant 0 : i32
        %dma_start3A_325 = tpu.memref_slice %arg4[%dma_start3A_323, %dma_start3A_324] : memref<10240x32xf32, #tpu.memory_space<hbm>> -> memref<10240x32xf32, #tpu.memory_space<hbm>>
        tpu.enqueue_indirect_dma source(%dma_start3A_325 : memref<10240x32xf32, #tpu.memory_space<hbm>>) target(%dma_start3A_319 : memref<80x32xf32, #tpu.memory_space<vmem>>) offsets(%dma_start3A_322 : memref<80xi32, #tpu.memory_space<vmem>>) semaphore(%arg12 : memref<!tpu.dma_semaphore, #tpu.memory_space<semaphore_mem>>)
      } else {
      }
      %dma_wait3A_249 = arith.constant 2 : i32
      %dma_wait3A_250 = arith.constant 0 : i32
      %dma_wait3A_251 = arith.constant 0 : i32
      %dma_wait3A_252 = tpu.memref_slice %arg9[%dma_wait3A_249, %dma_wait3A_250, %dma_wait3A_251] : memref<5x80x32xf32, #tpu.memory_space<vmem>> -> memref<1x80x32xf32, #tpu.memory_space<vmem>>
      %dma_wait3A_253 = tpu.memref_squeeze %dma_wait3A_252 : memref<1x80x32xf32, #tpu.memory_space<vmem>> -> memref<80x32xf32, #tpu.memory_space<vmem>>
      %dma_wait3A_254 = arith.constant 0 : i32
      %dma_wait3A_255 = tpu.memref_slice %arg8[%add3A_133, %dma_wait3A_254] : memref<125x80xi32, #tpu.memory_space<vmem>> -> memref<1x80xi32, #tpu.memory_space<vmem>>
      %dma_wait3A_256 = tpu.memref_squeeze %dma_wait3A_255 : memref<1x80xi32, #tpu.memory_space<vmem>> -> memref<80xi32, #tpu.memory_space<vmem>>
      %dma_wait3A_257 = arith.constant 0 : i32
      %dma_wait3A_258 = arith.constant 0 : i32
      %dma_wait3A_259 = tpu.memref_slice %arg10[%dma_wait3A_257, %dma_wait3A_258] : memref<10240x32xf32, #tpu.memory_space<vmem_shared>> -> memref<10240x32xf32, #tpu.memory_space<vmem_shared>>
      tpu.wait_indirect_dma semaphore(%arg18 : memref<!tpu.dma_semaphore, #tpu.memory_space<semaphore_mem>>) src(%dma_wait3A_253 : memref<80x32xf32, #tpu.memory_space<vmem>>) dst(%dma_wait3A_259 : memref<10240x32xf32, #tpu.memory_space<vmem_shared>>)
      %add3A_260 = arith.constant 1 : i32
      %add3A_261 = arith.addi %scan3A_78, %add3A_260 : i32
      %mul3A_262 = arith.constant 5 : i32
      %mul3A_263 = arith.muli %add3A_261, %mul3A_262 : i32
      %add3A_264 = arith.constant 2 : i32
      %add3A_265 = arith.addi %mul3A_263, %add3A_264 : i32
      %lt3A_266 = arith.constant 125 : i32
      %lt3A_267 = arith.cmpi slt, %add3A_265, %lt3A_266 : i32
      %convert_element_type3A_268 = arith.extui %lt3A_267 : i1 to i32
      %cond3A_269 = arith.constant 0 : i32
      %cond3A_270 = arith.cmpi ne, %convert_element_type3A_268, %cond3A_269 : i32
      scf.if %cond3A_270 {
        %dma_start3A_315 = arith.constant 2 : i32
        %dma_start3A_316 = arith.constant 0 : i32
        %dma_start3A_317 = arith.constant 0 : i32
        %dma_start3A_318 = tpu.memref_slice %arg9[%dma_start3A_315, %dma_start3A_316, %dma_start3A_317] : memref<5x80x32xf32, #tpu.memory_space<vmem>> -> memref<1x80x32xf32, #tpu.memory_space<vmem>>
        %dma_start3A_319 = tpu.memref_squeeze %dma_start3A_318 : memref<1x80x32xf32, #tpu.memory_space<vmem>> -> memref<80x32xf32, #tpu.memory_space<vmem>>
        %dma_start3A_320 = arith.constant 0 : i32
        %dma_start3A_321 = tpu.memref_slice %arg7[%add3A_265, %dma_start3A_320] : memref<125x80xi32, #tpu.memory_space<vmem>> -> memref<1x80xi32, #tpu.memory_space<vmem>>
        %dma_start3A_322 = tpu.memref_squeeze %dma_start3A_321 : memref<1x80xi32, #tpu.memory_space<vmem>> -> memref<80xi32, #tpu.memory_space<vmem>>
        %dma_start3A_323 = arith.constant 0 : i32
        %dma_start3A_324 = arith.constant 0 : i32
        %dma_start3A_325 = tpu.memref_slice %arg4[%dma_start3A_323, %dma_start3A_324] : memref<10240x32xf32, #tpu.memory_space<hbm>> -> memref<10240x32xf32, #tpu.memory_space<hbm>>
        tpu.enqueue_indirect_dma source(%dma_start3A_325 : memref<10240x32xf32, #tpu.memory_space<hbm>>) target(%dma_start3A_319 : memref<80x32xf32, #tpu.memory_space<vmem>>) offsets(%dma_start3A_322 : memref<80xi32, #tpu.memory_space<vmem>>) semaphore(%arg13 : memref<!tpu.dma_semaphore, #tpu.memory_space<semaphore_mem>>)
      } else {
      }
      %dma_wait3A_271 = arith.constant 3 : i32
      %dma_wait3A_272 = arith.constant 0 : i32
      %dma_wait3A_273 = arith.constant 0 : i32
      %dma_wait3A_274 = tpu.memref_slice %arg9[%dma_wait3A_271, %dma_wait3A_272, %dma_wait3A_273] : memref<5x80x32xf32, #tpu.memory_space<vmem>> -> memref<1x80x32xf32, #tpu.memory_space<vmem>>
      %dma_wait3A_275 = tpu.memref_squeeze %dma_wait3A_274 : memref<1x80x32xf32, #tpu.memory_space<vmem>> -> memref<80x32xf32, #tpu.memory_space<vmem>>
      %dma_wait3A_276 = arith.constant 0 : i32
      %dma_wait3A_277 = tpu.memref_slice %arg8[%add3A_159, %dma_wait3A_276] : memref<125x80xi32, #tpu.memory_space<vmem>> -> memref<1x80xi32, #tpu.memory_space<vmem>>
      %dma_wait3A_278 = tpu.memref_squeeze %dma_wait3A_277 : memref<1x80xi32, #tpu.memory_space<vmem>> -> memref<80xi32, #tpu.memory_space<vmem>>
      %dma_wait3A_279 = arith.constant 0 : i32
      %dma_wait3A_280 = arith.constant 0 : i32
      %dma_wait3A_281 = tpu.memref_slice %arg10[%dma_wait3A_279, %dma_wait3A_280] : memref<10240x32xf32, #tpu.memory_space<vmem_shared>> -> memref<10240x32xf32, #tpu.memory_space<vmem_shared>>
      tpu.wait_indirect_dma semaphore(%arg19 : memref<!tpu.dma_semaphore, #tpu.memory_space<semaphore_mem>>) src(%dma_wait3A_275 : memref<80x32xf32, #tpu.memory_space<vmem>>) dst(%dma_wait3A_281 : memref<10240x32xf32, #tpu.memory_space<vmem_shared>>)
      %add3A_282 = arith.constant 1 : i32
      %add3A_283 = arith.addi %scan3A_78, %add3A_282 : i32
      %mul3A_284 = arith.constant 5 : i32
      %mul3A_285 = arith.muli %add3A_283, %mul3A_284 : i32
      %add3A_286 = arith.constant 3 : i32
      %add3A_287 = arith.addi %mul3A_285, %add3A_286 : i32
      %lt3A_288 = arith.constant 125 : i32
      %lt3A_289 = arith.cmpi slt, %add3A_287, %lt3A_288 : i32
      %convert_element_type3A_290 = arith.extui %lt3A_289 : i1 to i32
      %cond3A_291 = arith.constant 0 : i32
      %cond3A_292 = arith.cmpi ne, %convert_element_type3A_290, %cond3A_291 : i32
      scf.if %cond3A_292 {
        %dma_start3A_315 = arith.constant 3 : i32
        %dma_start3A_316 = arith.constant 0 : i32
        %dma_start3A_317 = arith.constant 0 : i32
        %dma_start3A_318 = tpu.memref_slice %arg9[%dma_start3A_315, %dma_start3A_316, %dma_start3A_317] : memref<5x80x32xf32, #tpu.memory_space<vmem>> -> memref<1x80x32xf32, #tpu.memory_space<vmem>>
        %dma_start3A_319 = tpu.memref_squeeze %dma_start3A_318 : memref<1x80x32xf32, #tpu.memory_space<vmem>> -> memref<80x32xf32, #tpu.memory_space<vmem>>
        %dma_start3A_320 = arith.constant 0 : i32
        %dma_start3A_321 = tpu.memref_slice %arg7[%add3A_287, %dma_start3A_320] : memref<125x80xi32, #tpu.memory_space<vmem>> -> memref<1x80xi32, #tpu.memory_space<vmem>>
        %dma_start3A_322 = tpu.memref_squeeze %dma_start3A_321 : memref<1x80xi32, #tpu.memory_space<vmem>> -> memref<80xi32, #tpu.memory_space<vmem>>
        %dma_start3A_323 = arith.constant 0 : i32
        %dma_start3A_324 = arith.constant 0 : i32
        %dma_start3A_325 = tpu.memref_slice %arg4[%dma_start3A_323, %dma_start3A_324] : memref<10240x32xf32, #tpu.memory_space<hbm>> -> memref<10240x32xf32, #tpu.memory_space<hbm>>
        tpu.enqueue_indirect_dma source(%dma_start3A_325 : memref<10240x32xf32, #tpu.memory_space<hbm>>) target(%dma_start3A_319 : memref<80x32xf32, #tpu.memory_space<vmem>>) offsets(%dma_start3A_322 : memref<80xi32, #tpu.memory_space<vmem>>) semaphore(%arg14 : memref<!tpu.dma_semaphore, #tpu.memory_space<semaphore_mem>>)
      } else {
      }
      %dma_wait3A_293 = arith.constant 4 : i32
      %dma_wait3A_294 = arith.constant 0 : i32
      %dma_wait3A_295 = arith.constant 0 : i32
      %dma_wait3A_296 = tpu.memref_slice %arg9[%dma_wait3A_293, %dma_wait3A_294, %dma_wait3A_295] : memref<5x80x32xf32, #tpu.memory_space<vmem>> -> memref<1x80x32xf32, #tpu.memory_space<vmem>>
      %dma_wait3A_297 = tpu.memref_squeeze %dma_wait3A_296 : memref<1x80x32xf32, #tpu.memory_space<vmem>> -> memref<80x32xf32, #tpu.memory_space<vmem>>
      %dma_wait3A_298 = arith.constant 0 : i32
      %dma_wait3A_299 = tpu.memref_slice %arg8[%add3A_185, %dma_wait3A_298] : memref<125x80xi32, #tpu.memory_space<vmem>> -> memref<1x80xi32, #tpu.memory_space<vmem>>
      %dma_wait3A_300 = tpu.memref_squeeze %dma_wait3A_299 : memref<1x80xi32, #tpu.memory_space<vmem>> -> memref<80xi32, #tpu.memory_space<vmem>>
      %dma_wait3A_301 = arith.constant 0 : i32
      %dma_wait3A_302 = arith.constant 0 : i32
      %dma_wait3A_303 = tpu.memref_slice %arg10[%dma_wait3A_301, %dma_wait3A_302] : memref<10240x32xf32, #tpu.memory_space<vmem_shared>> -> memref<10240x32xf32, #tpu.memory_space<vmem_shared>>
      tpu.wait_indirect_dma semaphore(%arg20 : memref<!tpu.dma_semaphore, #tpu.memory_space<semaphore_mem>>) src(%dma_wait3A_297 : memref<80x32xf32, #tpu.memory_space<vmem>>) dst(%dma_wait3A_303 : memref<10240x32xf32, #tpu.memory_space<vmem_shared>>)
      %add3A_304 = arith.constant 1 : i32
      %add3A_305 = arith.addi %scan3A_78, %add3A_304 : i32
      %mul3A_306 = arith.constant 5 : i32
      %mul3A_307 = arith.muli %add3A_305, %mul3A_306 : i32
      %add3A_308 = arith.constant 4 : i32
      %add3A_309 = arith.addi %mul3A_307, %add3A_308 : i32
      %lt3A_310 = arith.constant 125 : i32
      %lt3A_311 = arith.cmpi slt, %add3A_309, %lt3A_310 : i32
      %convert_element_type3A_312 = arith.extui %lt3A_311 : i1 to i32
      %cond3A_313 = arith.constant 0 : i32
      %cond3A_314 = arith.cmpi ne, %convert_element_type3A_312, %cond3A_313 : i32
      scf.if %cond3A_314 {
        %dma_start3A_315 = arith.constant 4 : i32
        %dma_start3A_316 = arith.constant 0 : i32
        %dma_start3A_317 = arith.constant 0 : i32
        %dma_start3A_318 = tpu.memref_slice %arg9[%dma_start3A_315, %dma_start3A_316, %dma_start3A_317] : memref<5x80x32xf32, #tpu.memory_space<vmem>> -> memref<1x80x32xf32, #tpu.memory_space<vmem>>
        %dma_start3A_319 = tpu.memref_squeeze %dma_start3A_318 : memref<1x80x32xf32, #tpu.memory_space<vmem>> -> memref<80x32xf32, #tpu.memory_space<vmem>>
        %dma_start3A_320 = arith.constant 0 : i32
        %dma_start3A_321 = tpu.memref_slice %arg7[%add3A_309, %dma_start3A_320] : memref<125x80xi32, #tpu.memory_space<vmem>> -> memref<1x80xi32, #tpu.memory_space<vmem>>
        %dma_start3A_322 = tpu.memref_squeeze %dma_start3A_321 : memref<1x80xi32, #tpu.memory_space<vmem>> -> memref<80xi32, #tpu.memory_space<vmem>>
        %dma_start3A_323 = arith.constant 0 : i32
        %dma_start3A_324 = arith.constant 0 : i32
        %dma_start3A_325 = tpu.memref_slice %arg4[%dma_start3A_323, %dma_start3A_324] : memref<10240x32xf32, #tpu.memory_space<hbm>> -> memref<10240x32xf32, #tpu.memory_space<hbm>>
        tpu.enqueue_indirect_dma source(%dma_start3A_325 : memref<10240x32xf32, #tpu.memory_space<hbm>>) target(%dma_start3A_319 : memref<80x32xf32, #tpu.memory_space<vmem>>) offsets(%dma_start3A_322 : memref<80xi32, #tpu.memory_space<vmem>>) semaphore(%arg15 : memref<!tpu.dma_semaphore, #tpu.memory_space<semaphore_mem>>)
      } else {
      }
    }
    %scan3A_76 = arith.constant 25 : i32
    %barrier3A_77 = arith.constant 0 : index
    tpu.barrier barrier_id(%barrier3A_77)
    "tpu.region"() ({
      %run_scoped3A = tpu.sem_alloc : memref<!tpu.dma_semaphore, #tpu.memory_space<semaphore_mem>>
      %dma_start3A_78 = arith.constant 0 : i32
      %dma_start3A_79 = tpu.memref_slice %arg6[%arg0, %mul3A_2, %dma_start3A_78] : memref<2x10240x32xf32, #tpu.memory_space<hbm>> -> memref<1x640x32xf32, #tpu.memory_space<hbm>>
      %dma_start3A_80 = tpu.memref_squeeze %dma_start3A_79 : memref<1x640x32xf32, #tpu.memory_space<hbm>> -> memref<640x32xf32, #tpu.memory_space<hbm>>
      %dma_start3A_81 = arith.constant 0 : i32
      %dma_start3A_82 = tpu.memref_slice %arg10[%mul3A_2, %dma_start3A_81] : memref<10240x32xf32, #tpu.memory_space<vmem_shared>> -> memref<640x32xf32, #tpu.memory_space<vmem_shared>>
      tpu.enqueue_dma source(%dma_start3A_82 : memref<640x32xf32, #tpu.memory_space<vmem_shared>>) target(%dma_start3A_80 : memref<640x32xf32, #tpu.memory_space<hbm>>) target_semaphore(%run_scoped3A : memref<!tpu.dma_semaphore, #tpu.memory_space<semaphore_mem>>)
      %dma_wait3A = arith.constant 0 : i32
      %dma_wait3A_83 = tpu.memref_slice %arg6[%arg0, %mul3A_2, %dma_wait3A] : memref<2x10240x32xf32, #tpu.memory_space<hbm>> -> memref<1x640x32xf32, #tpu.memory_space<hbm>>
      %dma_wait3A_84 = tpu.memref_squeeze %dma_wait3A_83 : memref<1x640x32xf32, #tpu.memory_space<hbm>> -> memref<640x32xf32, #tpu.memory_space<hbm>>
      %dma_wait3A_85 = arith.constant 0 : i32
      %dma_wait3A_86 = tpu.memref_slice %arg10[%mul3A_2, %dma_wait3A_85] : memref<10240x32xf32, #tpu.memory_space<vmem_shared>> -> memref<640x32xf32, #tpu.memory_space<vmem_shared>>
      tpu.wait_dma2 semaphore(%run_scoped3A : memref<!tpu.dma_semaphore, #tpu.memory_space<semaphore_mem>>) src(%dma_wait3A_86 : memref<640x32xf32, #tpu.memory_space<vmem_shared>>) dst(%dma_wait3A_84 : memref<640x32xf32, #tpu.memory_space<hbm>>)
      tpu.yield
    }) : () -> ()
    return
  }
}

module attributes {stable_mosaic.version = 14 : i64} {
  func.func @_tc_norms_body(%arg0: i32, %arg1: memref<2x2048x8xf32, #tpu.memory_space<vmem>>, %arg2: memref<2x2048x8xf32, #tpu.memory_space<vmem>>, %arg3: memref<2048x128xf32, #tpu.memory_space<vmem>>, %arg4: memref<2x2048x64xf32, #tpu.memory_space<vmem>>, %arg5: memref<2048x1xf32, #tpu.memory_space<vmem>>, %arg6: memref<2048x1xf32, #tpu.memory_space<vmem>>) attributes {dimension_semantics = [#tpu.dimension_semantics<arbitrary>], iteration_bounds = array<i64: 5>, scalar_prefetch = 0 : i64, scratch_operands = 0 : i64, tpu.core_type = #tpu.core_type<tc>, window_params = [{transform_indices = @transform_0, window_bounds = array<i64: 2, 2048, 8>}, {transform_indices = @transform_1, window_bounds = array<i64: 2, 2048, 8>}, {transform_indices = @transform_2, window_bounds = array<i64: 2048, 128>}, {transform_indices = @transform_3, window_bounds = array<i64: 2, 2048, 64>}, {transform_indices = @transform_4, window_bounds = array<i64: 2048, 1>}, {transform_indices = @transform_5, window_bounds = array<i64: 2048, 1>}]} {
    %get3A = arith.constant 0 : index
    %get3A_0 = arith.constant 0 : index
    %get3A_1 = arith.constant 0 : index
    %get3A_2 = vector.load %arg1[%get3A, %get3A_0, %get3A_1] : memref<2x2048x8xf32, #tpu.memory_space<vmem>>, vector<1x2048x8xf32>
    %get3A_3 = vector.shape_cast %get3A_2 : vector<1x2048x8xf32> to vector<2048x8xf32>
    %get3A_4 = arith.constant 1 : index
    %get3A_5 = arith.constant 0 : index
    %get3A_6 = arith.constant 0 : index
    %get3A_7 = vector.load %arg1[%get3A_4, %get3A_5, %get3A_6] : memref<2x2048x8xf32, #tpu.memory_space<vmem>>, vector<1x2048x8xf32>
    %get3A_8 = vector.shape_cast %get3A_7 : vector<1x2048x8xf32> to vector<2048x8xf32>
    %add3A = arith.addf %get3A_3, %get3A_8 : vector<2048x8xf32>
    %slice3A = vector.extract_strided_slice %add3A {offsets = [0, 0], sizes = [2048, 1], strides = [1, 1]} : vector<2048x8xf32> to vector<2048x1xf32>
    %get3A_9 = arith.constant 0 : index
    %get3A_10 = arith.constant 0 : index
    %get3A_11 = arith.constant 0 : index
    %get3A_12 = vector.load %arg2[%get3A_9, %get3A_10, %get3A_11] : memref<2x2048x8xf32, #tpu.memory_space<vmem>>, vector<1x2048x8xf32>
    %get3A_13 = vector.shape_cast %get3A_12 : vector<1x2048x8xf32> to vector<2048x8xf32>
    %get3A_14 = arith.constant 1 : index
    %get3A_15 = arith.constant 0 : index
    %get3A_16 = arith.constant 0 : index
    %get3A_17 = vector.load %arg2[%get3A_14, %get3A_15, %get3A_16] : memref<2x2048x8xf32, #tpu.memory_space<vmem>>, vector<1x2048x8xf32>
    %get3A_18 = vector.shape_cast %get3A_17 : vector<1x2048x8xf32> to vector<2048x8xf32>
    %add3A_19 = arith.addf %get3A_13, %get3A_18 : vector<2048x8xf32>
    %slice3A_20 = vector.extract_strided_slice %add3A_19 {offsets = [0, 0], sizes = [2048, 1], strides = [1, 1]} : vector<2048x8xf32> to vector<2048x1xf32>
    %max3A = arith.constant 1.000000e+00 : f32
    %max3A_21 = vector.broadcast %max3A : f32 to vector<2048x1xf32>
    %max3A_22 = arith.maximumf %slice3A, %max3A_21 : vector<2048x1xf32>
    %rsqrt3A = math.rsqrt %max3A_22 : vector<2048x1xf32>
    %max3A_23 = arith.constant 1.000000e+00 : f32
    %max3A_24 = vector.broadcast %max3A_23 : f32 to vector<2048x1xf32>
    %max3A_25 = arith.maximumf %slice3A_20, %max3A_24 : vector<2048x1xf32>
    %rsqrt3A_26 = math.rsqrt %max3A_25 : vector<2048x1xf32>
    %swap3A = arith.constant 0 : index
    %swap3A_27 = arith.constant 0 : index
    %swap3A_28 = vector.load %arg5[%swap3A, %swap3A_27] : memref<2048x1xf32, #tpu.memory_space<vmem>>, vector<2048x1xf32>
    tpu.vector_store %arg5[%swap3A, %swap3A_27], %rsqrt3A {strides = array<i32>} : memref<2048x1xf32, #tpu.memory_space<vmem>>, vector<2048x1xf32>,
    %swap3A_29 = arith.constant 0 : index
    %swap3A_30 = arith.constant 0 : index
    %swap3A_31 = vector.load %arg6[%swap3A_29, %swap3A_30] : memref<2048x1xf32, #tpu.memory_space<vmem>>, vector<2048x1xf32>
    tpu.vector_store %arg6[%swap3A_29, %swap3A_30], %rsqrt3A_26 {strides = array<i32>} : memref<2048x1xf32, #tpu.memory_space<vmem>>, vector<2048x1xf32>,
    %get3A_32 = arith.constant 0 : index
    %get3A_33 = arith.constant 0 : index
    %get3A_34 = vector.load %arg3[%get3A_32, %get3A_33] : memref<2048x128xf32, #tpu.memory_space<vmem>>, vector<2048x128xf32>
    %mul3A = vector.broadcast %rsqrt3A : vector<2048x1xf32> to vector<2048x128xf32>
    %mul3A_35 = arith.mulf %get3A_34, %mul3A : vector<2048x128xf32>
    %slice3A_36 = vector.extract_strided_slice %mul3A_35 {offsets = [0, 0], sizes = [2048, 64], strides = [1, 1]} : vector<2048x128xf32> to vector<2048x64xf32>
    %swap3A_37 = arith.constant 0 : index
    %swap3A_38 = arith.constant 0 : index
    %swap3A_39 = arith.constant 0 : index
    %swap3A_40 = vector.load %arg4[%swap3A_37, %swap3A_38, %swap3A_39] : memref<2x2048x64xf32, #tpu.memory_space<vmem>>, vector<1x2048x64xf32>
    %swap3A_41 = vector.shape_cast %swap3A_40 : vector<1x2048x64xf32> to vector<2048x64xf32>
    %swap3A_42 = vector.shape_cast %slice3A_36 : vector<2048x64xf32> to vector<1x2048x64xf32>
    tpu.vector_store %arg4[%swap3A_37, %swap3A_38, %swap3A_39], %swap3A_42 {strides = array<i32>} : memref<2x2048x64xf32, #tpu.memory_space<vmem>>, vector<1x2048x64xf32>,
    %slice3A_43 = vector.extract_strided_slice %mul3A_35 {offsets = [0, 64], sizes = [2048, 64], strides = [1, 1]} : vector<2048x128xf32> to vector<2048x64xf32>
    %swap3A_44 = arith.constant 1 : index
    %swap3A_45 = arith.constant 0 : index
    %swap3A_46 = arith.constant 0 : index
    %swap3A_47 = vector.load %arg4[%swap3A_44, %swap3A_45, %swap3A_46] : memref<2x2048x64xf32, #tpu.memory_space<vmem>>, vector<1x2048x64xf32>
    %swap3A_48 = vector.shape_cast %swap3A_47 : vector<1x2048x64xf32> to vector<2048x64xf32>
    %swap3A_49 = vector.shape_cast %slice3A_43 : vector<2048x64xf32> to vector<1x2048x64xf32>
    tpu.vector_store %arg4[%swap3A_44, %swap3A_45, %swap3A_46], %swap3A_49 {strides = array<i32>} : memref<2x2048x64xf32, #tpu.memory_space<vmem>>, vector<1x2048x64xf32>,
    return
  }
  func.func @transform_0(%arg0: i32) -> (i32, i32, i32) {
    %c0_i32 = arith.constant 0 : i32
    %c0_i32_0 = arith.constant 0 : i32
    %c0_i32_1 = arith.constant 0 : i32
    return %c0_i32, %arg0, %c0_i32_0 : i32, i32, i32
  }
  func.func @transform_1(%arg0: i32) -> (i32, i32, i32) {
    %c0_i32 = arith.constant 0 : i32
    %c0_i32_0 = arith.constant 0 : i32
    %c0_i32_1 = arith.constant 0 : i32
    return %c0_i32, %arg0, %c0_i32_0 : i32, i32, i32
  }
  func.func @transform_2(%arg0: i32) -> (i32, i32) {
    %c0_i32 = arith.constant 0 : i32
    %c0_i32_0 = arith.constant 0 : i32
    return %arg0, %c0_i32 : i32, i32
  }
  func.func @transform_3(%arg0: i32) -> (i32, i32, i32) {
    %c0_i32 = arith.constant 0 : i32
    %c0_i32_0 = arith.constant 0 : i32
    %c0_i32_1 = arith.constant 0 : i32
    return %c0_i32, %arg0, %c0_i32_0 : i32, i32, i32
  }
  func.func @transform_4(%arg0: i32) -> (i32, i32) {
    %c0_i32 = arith.constant 0 : i32
    %c0_i32_0 = arith.constant 0 : i32
    return %arg0, %c0_i32 : i32, i32
  }
  func.func @transform_5(%arg0: i32) -> (i32, i32) {
    %c0_i32 = arith.constant 0 : i32
    %c0_i32_0 = arith.constant 0 : i32
    return %arg0, %c0_i32 : i32, i32
  }
}

module attributes {stable_mosaic.version = 14 : i64} {
  func.func @_tc_mid_body(%arg0: i32, %arg1: memref<2x1024x64xf32, #tpu.memory_space<vmem>>, %arg2: memref<1024x1xf32, #tpu.memory_space<vmem>>, %arg3: memref<1024x1xf32, #tpu.memory_space<vmem>>, %arg4: memref<128x256xf32, #tpu.memory_space<vmem>>, %arg5: memref<256xf32, #tpu.memory_space<vmem>>, %arg6: memref<256x32xf32, #tpu.memory_space<vmem>>, %arg7: memref<1024x32xf32, #tpu.memory_space<vmem>>) attributes {dimension_semantics = [#tpu.dimension_semantics<arbitrary>], iteration_bounds = array<i64: 10>, scalar_prefetch = 0 : i64, scratch_operands = 0 : i64, tpu.core_type = #tpu.core_type<tc>, window_params = [{transform_indices = @transform_0, window_bounds = array<i64: 2, 1024, 64>}, {transform_indices = @transform_1, window_bounds = array<i64: 1024, 1>}, {transform_indices = @transform_2, window_bounds = array<i64: 1024, 1>}, {pipeline_mode = #tpu.pipeline_mode<synchronous>, transform_indices = @transform_3, window_bounds = array<i64: 128, 256>}, {pipeline_mode = #tpu.pipeline_mode<synchronous>, transform_indices = @transform_4, window_bounds = array<i64: 256>}, {pipeline_mode = #tpu.pipeline_mode<synchronous>, transform_indices = @transform_5, window_bounds = array<i64: 256, 32>}, {transform_indices = @transform_6, window_bounds = array<i64: 1024, 32>}]} {
    %get3A = arith.constant 0 : index
    %get3A_0 = arith.constant 0 : index
    %get3A_1 = arith.constant 0 : index
    %get3A_2 = vector.load %arg1[%get3A, %get3A_0, %get3A_1] : memref<2x1024x64xf32, #tpu.memory_space<vmem>>, vector<1x1024x64xf32>
    %get3A_3 = vector.shape_cast %get3A_2 : vector<1x1024x64xf32> to vector<1024x64xf32>
    %get3A_4 = arith.constant 1 : index
    %get3A_5 = arith.constant 0 : index
    %get3A_6 = arith.constant 0 : index
    %get3A_7 = vector.load %arg1[%get3A_4, %get3A_5, %get3A_6] : memref<2x1024x64xf32, #tpu.memory_space<vmem>>, vector<1x1024x64xf32>
    %get3A_8 = vector.shape_cast %get3A_7 : vector<1x1024x64xf32> to vector<1024x64xf32>
    %concatenate3A = tpu.concatenate %get3A_3, %get3A_8 in 1 : vector<1024x64xf32>, vector<1024x64xf32> -> vector<1024x128xf32>
    %get3A_9 = arith.constant 0 : index
    %get3A_10 = arith.constant 0 : index
    %get3A_11 = vector.load %arg2[%get3A_9, %get3A_10] : memref<1024x1xf32, #tpu.memory_space<vmem>>, vector<1024x1xf32>
    %mul3A = vector.broadcast %get3A_11 : vector<1024x1xf32> to vector<1024x128xf32>
    %mul3A_12 = arith.mulf %concatenate3A, %mul3A : vector<1024x128xf32>
    %get3A_13 = arith.constant 0 : index
    %get3A_14 = arith.constant 0 : index
    %get3A_15 = vector.load %arg4[%get3A_13, %get3A_14] : memref<128x256xf32, #tpu.memory_space<vmem>>, vector<128x256xf32>
    %dot_general3A = arith.constant dense<0.000000e+00> : vector<1024x256xf32>
    %dot_general3A_16 = tpu.matmul %mul3A_12, %get3A_15, %dot_general3A {dimension_numbers = #tpu.dot_dimension_numbers<[1], [0], [0], [1], [0, 0, 1, 1], [], []>, transpose_lhs_hint = false} : vector<1024x128xf32>, vector<128x256xf32>, vector<1024x256xf32> -> vector<1024x256xf32>
    %get3A_17 = arith.constant 0 : index
    %get3A_18 = vector.load %arg5[%get3A_17] : memref<256xf32, #tpu.memory_space<vmem>>, vector<256xf32>
    %broadcast_in_dim3A = vector.shape_cast %get3A_18 : vector<256xf32> to vector<1x256xf32>
    %add3A = vector.broadcast %broadcast_in_dim3A : vector<1x256xf32> to vector<1024x256xf32>
    %add3A_19 = arith.addf %dot_general3A_16, %add3A : vector<1024x256xf32>
    %max3A = arith.constant 0.000000e+00 : f32
    %max3A_20 = vector.broadcast %max3A : f32 to vector<1024x256xf32>
    %max3A_21 = arith.maximumf %add3A_19, %max3A_20 : vector<1024x256xf32>
    %get3A_22 = arith.constant 0 : index
    %get3A_23 = arith.constant 0 : index
    %get3A_24 = vector.load %arg3[%get3A_22, %get3A_23] : memref<1024x1xf32, #tpu.memory_space<vmem>>, vector<1024x1xf32>
    %mul3A_25 = vector.broadcast %get3A_24 : vector<1024x1xf32> to vector<1024x256xf32>
    %mul3A_26 = arith.mulf %max3A_21, %mul3A_25 : vector<1024x256xf32>
    %get3A_27 = arith.constant 0 : index
    %get3A_28 = arith.constant 0 : index
    %get3A_29 = vector.load %arg6[%get3A_27, %get3A_28] : memref<256x32xf32, #tpu.memory_space<vmem>>, vector<256x32xf32>
    %dot_general3A_30 = arith.constant dense<0.000000e+00> : vector<1024x32xf32>
    %dot_general3A_31 = tpu.matmul %mul3A_26, %get3A_29, %dot_general3A_30 {dimension_numbers = #tpu.dot_dimension_numbers<[1], [0], [0], [1], [0, 0, 1, 1], [], []>, transpose_lhs_hint = false} : vector<1024x256xf32>, vector<256x32xf32>, vector<1024x32xf32> -> vector<1024x32xf32>
    %swap3A = arith.constant 0 : index
    %swap3A_32 = arith.constant 0 : index
    %swap3A_33 = vector.load %arg7[%swap3A, %swap3A_32] : memref<1024x32xf32, #tpu.memory_space<vmem>>, vector<1024x32xf32>
    tpu.vector_store %arg7[%swap3A, %swap3A_32], %dot_general3A_31 {strides = array<i32>} : memref<1024x32xf32, #tpu.memory_space<vmem>>, vector<1024x32xf32>,
    return
  }
  func.func @transform_0(%arg0: i32) -> (i32, i32, i32) {
    %c0_i32 = arith.constant 0 : i32
    %c0_i32_0 = arith.constant 0 : i32
    %c0_i32_1 = arith.constant 0 : i32
    return %c0_i32, %arg0, %c0_i32_0 : i32, i32, i32
  }
  func.func @transform_1(%arg0: i32) -> (i32, i32) {
    %c0_i32 = arith.constant 0 : i32
    %c0_i32_0 = arith.constant 0 : i32
    return %arg0, %c0_i32 : i32, i32
  }
  func.func @transform_2(%arg0: i32) -> (i32, i32) {
    %c0_i32 = arith.constant 0 : i32
    %c0_i32_0 = arith.constant 0 : i32
    return %arg0, %c0_i32 : i32, i32
  }
  func.func @transform_3(%arg0: i32) -> (i32, i32) {
    %c0_i32 = arith.constant 0 : i32
    %c0_i32_0 = arith.constant 0 : i32
    %c0_i32_1 = arith.constant 0 : i32
    return %c0_i32, %c0_i32_0 : i32, i32
  }
  func.func @transform_4(%arg0: i32) -> i32 {
    %c0_i32 = arith.constant 0 : i32
    %c0_i32_0 = arith.constant 0 : i32
    return %c0_i32 : i32
  }
  func.func @transform_5(%arg0: i32) -> (i32, i32) {
    %c0_i32 = arith.constant 0 : i32
    %c0_i32_0 = arith.constant 0 : i32
    %c0_i32_1 = arith.constant 0 : i32
    return %c0_i32, %c0_i32_0 : i32, i32
  }
  func.func @transform_6(%arg0: i32) -> (i32, i32) {
    %c0_i32 = arith.constant 0 : i32
    %c0_i32_0 = arith.constant 0 : i32
    return %arg0, %c0_i32 : i32, i32
  }
}

module attributes {stable_mosaic.version = 14 : i64} {
  func.func @_tc_final_body(%arg0: i32, %arg1: memref<2x1024x32xf32, #tpu.memory_space<vmem>>, %arg2: memref<1024x1xf32, #tpu.memory_space<vmem>>, %arg3: memref<32xf32, #tpu.memory_space<vmem>>, %arg4: memref<1024x32xf32, #tpu.memory_space<vmem>>) attributes {dimension_semantics = [#tpu.dimension_semantics<arbitrary>], iteration_bounds = array<i64: 10>, scalar_prefetch = 0 : i64, scratch_operands = 0 : i64, tpu.core_type = #tpu.core_type<tc>, window_params = [{transform_indices = @transform_0, window_bounds = array<i64: 2, 1024, 32>}, {transform_indices = @transform_1, window_bounds = array<i64: 1024, 1>}, {pipeline_mode = #tpu.pipeline_mode<synchronous>, transform_indices = @transform_2, window_bounds = array<i64: 32>}, {transform_indices = @transform_3, window_bounds = array<i64: 1024, 32>}]} {
    %get3A = arith.constant 0 : index
    %get3A_0 = arith.constant 0 : index
    %get3A_1 = arith.constant 0 : index
    %get3A_2 = vector.load %arg1[%get3A, %get3A_0, %get3A_1] : memref<2x1024x32xf32, #tpu.memory_space<vmem>>, vector<1x1024x32xf32>
    %get3A_3 = vector.shape_cast %get3A_2 : vector<1x1024x32xf32> to vector<1024x32xf32>
    %get3A_4 = arith.constant 1 : index
    %get3A_5 = arith.constant 0 : index
    %get3A_6 = arith.constant 0 : index
    %get3A_7 = vector.load %arg1[%get3A_4, %get3A_5, %get3A_6] : memref<2x1024x32xf32, #tpu.memory_space<vmem>>, vector<1x1024x32xf32>
    %get3A_8 = vector.shape_cast %get3A_7 : vector<1x1024x32xf32> to vector<1024x32xf32>
    %add3A = arith.addf %get3A_3, %get3A_8 : vector<1024x32xf32>
    %get3A_9 = arith.constant 0 : index
    %get3A_10 = arith.constant 0 : index
    %get3A_11 = vector.load %arg2[%get3A_9, %get3A_10] : memref<1024x1xf32, #tpu.memory_space<vmem>>, vector<1024x1xf32>
    %mul3A = vector.broadcast %get3A_11 : vector<1024x1xf32> to vector<1024x32xf32>
    %mul3A_12 = arith.mulf %add3A, %mul3A : vector<1024x32xf32>
    %get3A_13 = arith.constant 0 : index
    %get3A_14 = vector.load %arg3[%get3A_13] : memref<32xf32, #tpu.memory_space<vmem>>, vector<32xf32>
    %broadcast_in_dim3A = vector.shape_cast %get3A_14 : vector<32xf32> to vector<1x32xf32>
    %add3A_15 = vector.broadcast %broadcast_in_dim3A : vector<1x32xf32> to vector<1024x32xf32>
    %add3A_16 = arith.addf %mul3A_12, %add3A_15 : vector<1024x32xf32>
    %logistic3A = arith.negf %add3A_16 : vector<1024x32xf32>
    %logistic3A_17 = math.exp %logistic3A : vector<1024x32xf32>
    %logistic3A_18 = arith.constant 1.000000e+00 : f32
    %logistic3A_19 = vector.broadcast %logistic3A_18 : f32 to vector<1024x32xf32>
    %logistic3A_20 = arith.addf %logistic3A_19, %logistic3A_17 : vector<1024x32xf32>
    %logistic3A_21 = arith.divf %logistic3A_19, %logistic3A_20 : vector<1024x32xf32>
    %swap3A = arith.constant 0 : index
    %swap3A_22 = arith.constant 0 : index
    %swap3A_23 = vector.load %arg4[%swap3A, %swap3A_22] : memref<1024x32xf32, #tpu.memory_space<vmem>>, vector<1024x32xf32>
    tpu.vector_store %arg4[%swap3A, %swap3A_22], %logistic3A_21 {strides = array<i32>} : memref<1024x32xf32, #tpu.memory_space<vmem>>, vector<1024x32xf32>,
    return
  }
  func.func @transform_0(%arg0: i32) -> (i32, i32, i32) {
    %c0_i32 = arith.constant 0 : i32
    %c0_i32_0 = arith.constant 0 : i32
    %c0_i32_1 = arith.constant 0 : i32
    return %c0_i32, %arg0, %c0_i32_0 : i32, i32, i32
  }
  func.func @transform_1(%arg0: i32) -> (i32, i32) {
    %c0_i32 = arith.constant 0 : i32
    %c0_i32_0 = arith.constant 0 : i32
    return %arg0, %c0_i32 : i32, i32
  }
  func.func @transform_2(%arg0: i32) -> i32 {
    %c0_i32 = arith.constant 0 : i32
    %c0_i32_0 = arith.constant 0 : i32
    return %c0_i32 : i32
  }
  func.func @transform_3(%arg0: i32) -> (i32, i32) {
    %c0_i32 = arith.constant 0 : i32
    %c0_i32_0 = arith.constant 0 : i32
    return %arg0, %c0_i32 : i32, i32
  }
}

</mosaic_0001>

<sc_bundles>
// kernel: kernel.11.cloned.1.call-start
scs
__scs_entry_jumppad:
0x0: {  	(pc) =	sbr.rel $0x88, $3  }
0x1: {  	(tag) =	ssettag $0x0;
	lr =	simm.s32 $0x1  }
0x2: {  	[smem:$0x3F9B] =	sst lr;
	_ =	strace $0xD0000000  }
0x3: {  	_ = 	snop  }
0x4: {  	_ = 	snop  }
0x5: {  	_ = 	snop  }
0x6: {  	_ = 	snop  }
0x7: {  	_ = 	snop  }
__scs_overlays_trampoline_lowered:
0x8: {  	[smem:$0x3FAA] =	sst s0  }
0x9: {  	[smem:$0x3FAB] =	sst s1  }
0xa: {  	[smem:$0x3FAC] =	sst s2  }
0xb: {  	[smem:$0x3FAD] =	sst s3  }
0xc: {  	[smem:$0x3FAE] =	sst s4  }
0xd: {  	[smem:$0x3FAF] =	sst s5  }
0xe: {  	[smem:$0x3FB0] =	sst s6  }
0xf: {  	[smem:$0x3FB1] =	sst s7  }
0x10: {  	[smem:$0x3FB2] =	sst s8  }
0x11: {  	[smem:$0x3FB3] =	sst s9;
	s0 =	simm.s32 @!p0 $0x0  }
0x12: {  	s1 =	sld [smem:$0x3F99];
	s0 =	simm.s32 @p0 $0x1  }
0x13: {  	[smem:$0x3FB4] =	sst s0;
	s0 =	simm.s32 @!p1 $0x0  }
0x14: {  	s2 =	sld [smem:$0x3F98];
	s0 =	simm.s32 @p1 $0x1  }
0x15: {  	[smem:$0x3FB5] =	sst s0;
	s0 =	simm.s32 @!p2 $0x0  }
0x16: {  	s3 =	sld [smem:$0x3FDB];
	s0 =	simm.s32 @p2 $0x1  }
0x17: {  	s4 =	simm.s32 $0x1BF5;
	[smem:$0x3FB7] =	sst s0  }
0x18: {  	s0 =	sld [smem:$0x3F9A];
	_ =	swait.ge [sflag:s4], $0x0  }
0x19: {  	s7 =	sld [smem:$0x3F9B]  }
0x1a: {  	s8 =	sadd.s32 $0xFFFFE003, lr  }
0x1b: {  	s9 =	sadd.s32 $0xFFFFFEF7, lr;
	s5 =	simm.s32 $0xFFFFFFFF;
	p2 =	slt.u32 s8, $0xFFFFF086  }
0x1c: {  	p1 =	slt.u32 s9, $0xF7A;
	s5 =	simm.s32 @!p2 $0x0  }
0x1d: {  	s5 =	simm.s32 @p1 $0x1;
	p0 =	seq.s32 s7, s2  }
0x1e: {  	s7 =	smul.u32 @!p0 $0xF7A, s2;
	p2 =	seq.s32 @!p0 s5, $0x0  }
0x1f: {  	s9 =	smul.u32 $0xF7A, s1;
	s8 =	simm.s32 @!p0 $0x1BF5;
	p2 =	por !p2, p0  }
0x20: {  	[sflag:s8] =	ssyncset.s32 @!p0 $0xFFFFF086;
	s6 =	sadd.s32 @!p0 s3, s7;
	s7 =	simm.s32 @!p0 $0x108  }
0x21: {  	s3 =	sadd.s32 s3, s9;
	s6 =	sadd.s32 @!p0 $0x88, s6;
	s7 =	simm.s32 @p2 $0x1082  }
0x22: {  	[simem:s7], [sflag:s8] =	dma.local @!p0 [hbm:s6], $0xF7A  }
0x23: {  	s9 =	sor.u32 $0xD0000000, s2;
	s6 =	simm.s32 $0x108;
	_ =	swait.ge @!p0 [sflag:s8], $0x0  }
0x24: {  	s3 =	sadd.s32 $0x88, s3;
	s6 =	simm.s32 @!p1 $0x1082;
	[sflag:s4] =	ssyncset.s32 $0xFFFFF086  }
0x25: {  	[simem:s6], [sflag:s4] =	dma.local [hbm:s3], $0xF7A  }
0x26: {  	[smem:$0x3F9B] =	sst s1;
	(tag) =	ssettag s2;
	_ =	strace s9  }
0x27: {  	s1 =	sld [smem:$0x3FAB]  }
0x28: {  	s2 =	sld [smem:$0x3FAC]  }
0x29: {  	s4 =	sld [smem:$0x3FAE]  }
0x2a: {  	p0 =	seq.s32 s5, $0x0;
	s5 =	sld [smem:$0x3FAF]  }
0x2b: {  	s6 =	sld [smem:$0x3FB0]  }
0x2c: {  	s7 =	sld [smem:$0x3FB1]  }
0x2d: {  	s3 =	simm.s32 $0x108;
	s8 =	sld [smem:$0x3FB2]  }
0x2e: {  	s3 =	simm.s32 @!p0 $0x1082;
	s9 =	sld [smem:$0x3FB3]  }
0x2f: {  	lr =	sadd.s32 s0, s3;
	s0 =	sld [smem:$0x3FAA]  }
0x30: {  	s3 =	sld [smem:$0x3FAD]  }
0x31: {  	[smem:$0x3FB6] =	sst s10  }
0x32: {  	s10 =	sld [smem:$0x3FB4];
	_ =	sdelay $0x3  }
0x33: {  	p0 =	seq.s32 s10, $0x1;
	s10 =	sld [smem:$0x3FB6];
	_ =	sdelay $0x3  }
0x34: {  	[smem:$0x3FB6] =	sst s10  }
0x35: {  	s10 =	sld [smem:$0x3FB5];
	_ =	sdelay $0x3  }
0x36: {  	p1 =	seq.s32 s10, $0x1;
	s10 =	sld [smem:$0x3FB6];
	_ =	sdelay $0x3  }
0x37: {  	[smem:$0x3FB6] =	sst s10  }
0x38: {  	s10 =	sld [smem:$0x3FB7]  }
0x39: {  	_ = 	snop;
	(pc) =	sbr.ind lr, $3  }
0x3a: {  	_ = 	snop  }
0x3b: {  	_ = 	snop  }
0x3c: {  	p2 =	seq.s32 s10, $0x1;
	s10 =	sld [smem:$0x3FB6]  }
0x3d: {  	_ =	shalt  }
0x3e: {  	_ =	shalt  }
0x3f: {  	_ =	shalt  }
0x40: {  	_ =	shalt  }
0x41: {  	_ =	shalt  }
0x42: {  	_ =	shalt  }
0x43: {  	_ =	shalt  }
0x44: {  	_ =	shalt  }
0x45: {  	_ =	shalt  }
0x46: {  	_ =	shalt  }
0x47: {  	_ =	shalt  }
0x48: {  	_ =	shalt  }
0x49: {  	_ =	shalt  }
0x4a: {  	_ =	shalt  }
0x4b: {  	_ =	shalt  }
0x4c: {  	_ =	shalt  }
0x4d: {  	_ =	shalt  }
0x4e: {  	_ =	shalt  }
0x4f: {  	_ =	shalt  }
0x50: {  	_ =	shalt  }
0x51: {  	_ =	shalt  }
0x52: {  	_ =	shalt  }
0x53: {  	_ =	shalt  }
0x54: {  	_ =	shalt  }
0x55: {  	_ =	shalt  }
0x56: {  	_ =	shalt  }
0x57: {  	_ =	shalt  }
0x58: {  	_ =	shalt  }
0x59: {  	_ =	shalt  }
0x5a: {  	_ =	shalt  }
0x5b: {  	_ =	shalt  }
0x5c: {  	_ =	shalt  }
0x5d: {  	_ =	shalt  }
0x5e: {  	_ =	shalt  }
0x5f: {  	_ =	shalt  }
0x60: {  	_ =	shalt  }
0x61: {  	_ =	shalt  }
0x62: {  	_ =	shalt  }
0x63: {  	_ =	shalt  }
0x64: {  	_ =	shalt  }
0x65: {  	_ =	shalt  }
0x66: {  	_ =	shalt  }
0x67: {  	_ =	shalt  }
0x68: {  	_ =	shalt  }
0x69: {  	_ =	shalt  }
0x6a: {  	_ =	shalt  }
0x6b: {  	_ =	shalt  }
0x6c: {  	_ =	shalt  }
0x6d: {  	_ =	shalt  }
0x6e: {  	_ =	shalt  }
0x6f: {  	_ =	shalt  }
0x70: {  	_ =	shalt  }
0x71: {  	_ =	shalt  }
0x72: {  	_ =	shalt  }
0x73: {  	_ =	shalt  }
0x74: {  	_ =	shalt  }
0x75: {  	_ =	shalt  }
0x76: {  	_ =	shalt  }
0x77: {  	_ =	shalt  }
0x78: {  	_ =	shalt  }
0x79: {  	_ =	shalt  }
0x7a: {  	_ =	shalt  }
0x7b: {  	_ =	shalt  }
0x7c: {  	_ =	shalt  }
0x7d: {  	_ =	shalt  }
0x7e: {  	_ =	shalt  }
0x7f: {  	_ =	shalt  }
0x80: {  	_ =	shalt  }
0x81: {  	_ =	shalt  }
0x82: {  	_ =	shalt  }
0x83: {  	_ =	shalt  }
0x84: {  	_ =	shalt  }
0x85: {  	_ =	shalt  }
0x86: {  	_ =	shalt  }
0x87: {  	_ =	shalt  }
.Lfunc_end0:
.L_simem_size_0:
called_computation.1_lowered:
.L_overlay_start_0:
0x88: {  	s2 =	sld [smem:$0x3FD9]  }
0x89: {  	s3 =	sld [smem:$0x3FFE];
	_ =	sdelay $0x1  }
0x8a: {  	s1 =	srdreg.scid  }
0x8b: {  	s0 =	sand.u32 $0x1, s1  }
0x8c: {  	s16 =	sshll.u32 s0, $0xA;
	s2 =	sadd.s32 s3, s2  }
0x8d: {  	s2 =	sadd.s32 s2, s16  }
0x8e: {  	[smem:$0x3FC2] =	sst s2  }
0x8f: {  	_ = 	snop  }
0x90: {  	(tm) =	ssettm $0x1  }
0x91: {  	s17 =	sld [smem:$0x3FFB];
	_ =	sdelay $0x3  }
0x92: {  	_ =	strace s17  }
0x93: {  	s2 =	sld [smem:$0x3FFC];
	_ =	sdelay $0x3  }
0x94: {  	_ =	strace s2  }
0x95: {  	s2 =	sld [smem:$0x3FFD];
	_ =	sdelay $0x3  }
0x96: {  	_ =	strace s2  }
0x97: {  	_ =	strace $0x8FFFFFFF  }
0x98: {  	s18 =	sld [smem:$0x3FDB];
	_ =	sdelay $0x1  }
0x99: {  	s19 =	simm.s32 $_scs_section_size  }
0x9a: {  	s4 =	simm.s32 $_size__tile_overlayer_lowered;
	s5 =	simm.s32 $_tile_overlayer_lowered  }
0x9b: {  	s22 =	simm.s32 $0x1BFF;
	s21 =	sshll.u32 s5, $0x1;
	s2 =	sadd.s32 s19, s18  }
0x9c: {  	s6 =	simm.s32 $0x0;
	s20 =	sshll.u32 s4, $0x1;
	s4 =	sadd.s32 s21, s2  }
0x9d: {  	[timem:s6], [sflag:s22] =	dma.local [hbm:s4], s20  }
0x9e: {  	_ =	swait.ge [sflag:s22], s20  }
0x9f: {  	s3 =	ssub.s32 $0x0, s20;
	[sflag:s22] =	ssyncset.done $0x0  }
0xa0: {  	[sflag:s22] =	ssyncadd.s32 s3;
	_ =	sdelay $0x1  }
0xa1: {  	s23 =	simm.s32 $0x1B8B  }
0xa2: {  	_ =	swait.ge [sflag:s23], $0x1  }
0xa3: {  	[sflag:s23] =	ssyncset.done $0x0  }
0xa4: {  	s25 =	simm.s32 $0x1B8E;
	s24 =	sld [smem:$0x3FFE];
	[sflag:s23] =	ssyncadd.s32 $0xFFFFFFFF  }
0xa5: {  	s26 =	simm.s32 $execute0_lowered;
	[smem:$0x3FD2] =	sst s25  }
0xa6: {  	s4 =	sshll.u32 s26, $0x1;
	_ =	strace $0x80000049;
	[dreg:$0x1] =	wrdreg $0xFFFFFFFF  }
0xa7: {  	s28 =	simm.s32 $_size_execute0_lowered;
	s2 =	sadd.s32 s2, s4;
	[dreg:$0x0] =	wrdreg $0x0  }
0xa8: {  	s4 =	sshll.u32 s28, $0x1;
	[dreg:$0x2] =	wrdreg s2  }
0xa9: {  	[dreg:$0x3] =	wrdreg s4  }
0xaa: {  	[dreg:$0x4] =	wrdreg $0xC0  }
0xab: {  	_ =	task [dreg:s6], $0x5FFFF  }
0xac: {  	[dreg:$0x1] =	wrdreg $0xFFFFFFFF  }
0xad: {  	[dreg:$0x0] =	wrdreg $0x60  }
0xae: {  	[dreg:$0x2] =	wrdreg s24  }
0xaf: {  	[dreg:$0x3] =	wrdreg $0x67200  }
0xb0: {  	[dreg:$0x4] =	wrdreg $0x9  }
0xb1: {  	_ =	task.clear_ibuf [dreg:s6], $0x5FFFF;
	_ =	strace $0x90000049  }
0xb2: {  	s29 =	simm.s32 $0x9;
	_ =	strace $0x8000004B  }
0xb3: {  	_ =	swait.ge [sflag:s29], $0x1  }
0xb4: {  	[sflag:s29] =	ssyncadd.s32 $0xFFFFFFFF  }
0xb5: {  	_ =	strace $0x9000004B  }
0xb6: {  	_ =	sfence  }
0xb7: {  	s30 =	sld [smem:$0x0];
	_ =	sdelay $0x2  }
0xb8: {  	s31 =	sshll.u32 s1, $0xD;
	s1 =	sshrl.u32 s1, $0x2  }
0xb9: {  	s3 =	sand.u32 $0x4000, s31;
	s1 =	sadd.s32 s1, s30  }
0xba: {  	s0 =	sor.u32 s3, s0;
	s1 =	sshll.u32 s1, $0x11  }
0xbb: {  	s0 =	sor.u32 s1, s0  }
0xbc: {  	s0 =	sadd.s32 $0x8F2B, s0  }
0xbd: {  	[sflag:s0] =	ssyncadd.remote.s32 $0x1  }
0xbe: {  	_ =	sfence.sel $0xFFFF  }
0xbf: {  	[dreg:$0x0] =	wrdreg $0xFFFFFFFF;
	(pc) =	sbr.abs _section_cstart, $3  }
0xc0: {  	[dreg:$0x1] =	wrdreg $0xFFFFFFFF  }
0xc1: {  	_ =	task.clear_ibuf [dreg:s6], $0x2FFFF;
	_ =	strace $0x9FFFFFFF  }
0xc2: {  	(tm) =	ssettm $0x7FFFFFFF  }
0xc3: {  	_ =	shalt  }
tec
execute0_lowered:
.L_overlay_start_1:
0x0: {  	(tag) =	ssettag $0x1  }
0x1: {  	s0 =	rddreg [dreg:$0x0]  }
0x2: {  	s2 =	rddreg [dreg:$0x1]  }
0x3: {  	s1 =	srdreg.scid;
	s3 =	stileid.u32;
	s4 =	simm.s32 $0x0  }
0x4: {  	s30 =	simm.s32 $0x280;
	s31 =	simm.s32 $0xB;
	s28 =	simm.s32 $0xA  }
0x5: {  	s1 =	sand.u32 $0x1, s1;
	s6 =	smul.u32 $0xA000, s3;
	[smem:$0x7FF] =	sst s4  }
0x6: {  	s4 =	sadd.s32 $0x16600, s0;
	s5 =	sadd.s32 $0x3D800, s0;
	s21 =	smul.u32 $0x28000, s3  }
0x7: {  	s8 =	sadd.s32 $0xC000, s0;
	s10 =	smul.u32 $0x9C40, s3;
	s24 =	sshll.u32 s3, $0x6  }
0x8: {  	s7 =	smul.u32 $0xA0000, s1;
	_ =	strace $0x8000004A;
	[dreg:$0x3] =	wrdreg s8  }
0x9: {  	s9 =	ssub.s32 $0x2, s1;
	s1 =	smul.u32 $0x9C400, s1;
	s14 =	sor.u32 $0x1C10, s24  }
0xa: {  	s8 =	simm.s32 $0x7;
	s22 =	sshrl.u32 s9, $0x1;
	s23 =	sshrl.u32 s21, $0x2  }
0xb: {  	[dreg:$0x5] =	wrdreg s14;
	s7 =	sadd.s32 s6, s7;
	s6 =	sadd.s32 s6, s2  }
0xc: {  	s1 =	sadd.s32 s10, s1;
	s7 =	sshrl.u32 s7, $0x3;
	[dreg:$0x4] =	wrdreg s6  }
0xd: {  	s6 =	sadd.s32 s23, s2;
	s26 =	sshrl.u32 s1, $0x3;
	s16 =	sadd.s32 $0x5A0, s1  }
0xe: {  	s19 =	sadd.s32 $0x500, s1;
	s20 =	sadd.s32 $0x460, s1;
	s21 =	sadd.s32 $0x3C0, s1  }
0xf: {  	s23 =	sadd.s32 $0x320, s1;
	s1 =	simm.s32 $0x320;
	s0 =	sadd.s32 s7, s0  }
0x10: {  	s7 =	ssub.s32 s9, s22;
	s25 =	sadd.s32 $0x2000, s6;
	s29 =	sadd.s32 $0x4000, s6  }
0x11: {  	s11 =	sadd.s32 $0x6000, s6;
	s12 =	sadd.s32 s4, s26;
	s6 =	sadd.s32 $0x8000, s6  }
0x12: {  	s18 =	sshrl.u32 s16, $0x3;
	s22 =	sshrl.u32 s21, $0x3;
	[dreg:$0xe] =	wrdreg s23  }
0x13: {  	s16 =	smov.u32 s4;
	s9 =	sadd.s32 $0x14, s12;
	[dreg:$0x6] =	wrdreg s12  }
0x14: {  	s23 =	simm.s32 $0x3;
	s13 =	sadd.s32 $0x28, s12;
	[dreg:$0x7] =	wrdreg s9  }
0x15: {  	s21 =	simm.s32 $0x8;
	s15 =	sadd.s32 $0x3C, s12;
	[dreg:$0x8] =	wrdreg s13  }
0x16: {  	s3 =	sadd.s32 $0x50, s12;
	s0 =	sadd.s32 $0x65800, s0;
	[dreg:$0x9] =	wrdreg s15  }
0x17: {  	s17 =	smax.u32 s7, $0x1;
	s7 =	sshrl.u32 s20, $0x3;
	[dreg:$0xa] =	wrdreg s3  }
0x18: {  	s24 =	sshrl.u32 s25, $0x3;
	s25 =	sshrl.u32 s29, $0x3;
	[dreg:$0xb] =	wrdreg s0  }
0x19: {  	s26 =	sshrl.u32 s11, $0x3;
	s29 =	sshrl.u32 s6, $0x3;
	[dreg:$0xc] =	wrdreg s17  }
0x1a: {  	s11 =	simm.s32 $0xD;
	s12 =	simm.s32 $0x2B20;
	[dreg:$0xf] =	wrdreg s24  }
0x1b: {  	s20 =	simm.s32 $0x1;
	s6 =	simm.s32 $0x6;
	[dreg:$0x10] =	wrdreg s25  }
0x1c: {  	s0 =	sadd.s32 s18, s4;
	s18 =	sadd.s32 s7, s4;
	[dreg:$0x11] =	wrdreg s26  }
.Ltmp0:
0x1d: {  	[dreg:$0x12] =	wrdreg s29;
	s7 =	simm.s32 $0xC;
	(pc) =	sbr.rel .LBB2_1-.Ltmp0, $4  }
0x1e: {  	s13 =	simm.s32 $0xE;
	s15 =	simm.s32 $0xF;
	s25 =	simm.s32 $0x5  }
0x1f: {  	s26 =	simm.s32 $0x9;
	s9 =	simm.s32 $0x0;
	[dreg:$0xd] =	wrdreg s0  }
0x20: {  	s0 =	sshrl.u32 s19, $0x3;
	s19 =	sadd.s32 s22, s4;
	s22 =	simm.s32 $0x5320  }
0x21: {  	s17 =	sadd.s32 s0, s4;
	s4 =	simm.s32 $0x10;
	s0 =	simm.s32 $0x50  }
.LBB2_4:
0x22: {  	_ =	swait.ge [sflag:s6], $0x1400  }
0x23: {  	[sflag:s6] =	ssyncset.done $0x0  }
0x24: {  	[sflag:s6] =	ssyncadd.s32 $0xFFFFEC00  }
0x25: {  	_ =	swait.ge [sflag:s8], $0x1400  }
0x26: {  	[sflag:s8] =	ssyncset.done $0x0  }
0x27: {  	[sflag:s8] =	ssyncadd.s32 $0xFFFFEC00  }
0x28: {  	_ =	swait.ge [sflag:s21], $0x1400  }
0x29: {  	[sflag:s21] =	ssyncset.done $0x0  }
0x2a: {  	[sflag:s21] =	ssyncadd.s32 $0xFFFFEC00  }
0x2b: {  	_ =	swait.ge [sflag:s26], $0x1400  }
0x2c: {  	[sflag:s26] =	ssyncset.done $0x0  }
0x2d: {  	[sflag:s26] =	ssyncadd.s32 $0xFFFFEC00  }
0x2e: {  	_ =	swait.ge [sflag:s28], $0x1400  }
0x2f: {  	[sflag:s28] =	ssyncset.done $0x0  }
0x30: {  	[sflag:s28] =	ssyncadd.s32 $0xFFFFEC00  }
0x31: {  	[bflag:$0x0] =	sbarrier.arrive $0xFFFF  }
0x32: {  	s14 =	rddreg [dreg:$0x5]  }
0x33: {  	s3 =	rddreg [dreg:$0xb]  }
0x34: {  	s4 =	rddreg [dreg:$0x14]  }
0x35: {  	[hbm:s3], [sflag:s14] =	dma.local [spmem:s4], $0x1400  }
0x36: {  	s4 =	simm.s32 $0x10  }
0x37: {  	_ =	swait.ge [sflag:s4], $0x1400  }
0x38: {  	s9 =	rddreg [dreg:$0x13]  }
0x39: {  	s29 =	rddreg [dreg:$0xc];
	s9 =	sadd.s32 $0x1, s9  }
0x3a: {  	p0 =	sne.s32 s9, s29  }
.Ltmp1:
0x3b: {  	_ = 	snop;
	(pc) =	sbr.rel @!p0 .LBB2_5-.Ltmp1, $3  }
0x3c: {  	_ =	sdelay $0x1  }
0x3d: {  	[sflag:s4] =	ssyncset.done $0x0  }
0x3e: {  	[sflag:s4] =	ssyncadd.s32 $0xFFFFEC00  }
.LBB2_1:
0x3f: {  	[dreg:$0x13] =	wrdreg s9  }
0x40: {  	s3 =	rddreg [dreg:$0x4]  }
0x41: {  	s24 =	sshrl.u32 s3, $0x3;
	s3 =	rddreg [dreg:$0x3]  }
0x42: {  	[dreg:$0x14] =	wrdreg s24  }
0x43: {  	[spmem:s24], [sflag:s14] =	dma.local [hbm:s3], $0x400  }
0x44: {  	_ =	swait.ge [sflag:s4], $0x400  }
0x45: {  	[sflag:s4] =	ssyncset.done $0x0  }
0x46: {  	s10 =	rddreg [dreg:$0xf];
	[sflag:s4] =	ssyncadd.s32 $0xFFFFFC00  }
0x47: {  	[spmem:s10], [sflag:s14] =	dma.local [hbm:s3], $0x400  }
0x48: {  	_ =	swait.ge [sflag:s4], $0x400  }
0x49: {  	[sflag:s4] =	ssyncset.done $0x0  }
0x4a: {  	s24 =	rddreg [dreg:$0x10];
	[sflag:s4] =	ssyncadd.s32 $0xFFFFFC00  }
0x4b: {  	[spmem:s24], [sflag:s14] =	dma.local [hbm:s3], $0x400  }
0x4c: {  	_ =	swait.ge [sflag:s4], $0x400  }
0x4d: {  	[sflag:s4] =	ssyncset.done $0x0  }
0x4e: {  	s10 =	rddreg [dreg:$0x11];
	[sflag:s4] =	ssyncadd.s32 $0xFFFFFC00  }
0x4f: {  	[spmem:s10], [sflag:s14] =	dma.local [hbm:s3], $0x400  }
0x50: {  	_ =	swait.ge [sflag:s4], $0x400  }
0x51: {  	[sflag:s4] =	ssyncset.done $0x0  }
0x52: {  	s24 =	rddreg [dreg:$0x12];
	[sflag:s4] =	ssyncadd.s32 $0xFFFFFC00  }
0x53: {  	[spmem:s24], [sflag:s14] =	dma.local [hbm:s3], $0x400  }
0x54: {  	_ =	swait.ge [sflag:s4], $0x400  }
0x55: {  	[sflag:s4] =	ssyncset.done $0x0  }
0x56: {  	[sflag:s4] =	ssyncadd.s32 $0xFFFFFC00  }
0x57: {  	[bflag:$0x0] =	sbarrier.arrive $0xFFFF  }
0x58: {  	s3 =	simm.s32 $0x0;
	s9 =	rddreg [dreg:$0x6]  }
0x59: {  	[tilespmem:s3], [sflag:$0xB] =	stream.linear.gather [hbm4b:s9+s3], $0xA0, $0x38;
	[tilespmem:$0x10720] =	vst v63  }
0x5a: {  	s10 =	rddreg [dreg:$0x7];
	s9 =	simm.s32 $0xA0  }
0x5b: {  	[tilespmem:s9], [sflag:$0xC] =	stream.linear.gather [hbm4b:s10+s3], $0xA0, $0x38;
	[tilespmem:$0x10720] =	vst v63  }
0x5c: {  	s14 =	rddreg [dreg:$0x8];
	s10 =	simm.s32 $0x140  }
0x5d: {  	[tilespmem:s10], [sflag:$0xD] =	stream.linear.gather [hbm4b:s14+s3], $0xA0, $0x38;
	[tilespmem:$0x10720] =	vst v63  }
0x5e: {  	s24 =	rddreg [dreg:$0x9];
	s14 =	simm.s32 $0x1E0  }
0x5f: {  	[tilespmem:s14], [sflag:$0xE] =	stream.linear.gather [hbm4b:s24+s3], $0xA0, $0x38;
	[tilespmem:$0x10720] =	vst v63  }
0x60: {  	s24 =	rddreg [dreg:$0xa]  }
0x61: {  	[tilespmem:s30], [sflag:$0xF] =	stream.linear.gather [hbm4b:s24+s3], $0xA0, $0x38;
	[tilespmem:$0x10720] =	vst v63  }
0x62: {  	_ =	swait.ge [sflag:s31], $0xA0  }
0x63: {  	[sflag:s31] =	ssyncset.done $0x0  }
0x64: {  	[sflag:s31] =	ssyncadd.s32 $0xFFFFFF60  }
0x65: {  	[tilespmem:s1], [sflag:$0x1] =	stream.indirect.gather [hbm4b:s5+s0], $0x40, s3, s0, $0xb8;
	[tilespmem:$0x10720] =	vst v63  }
0x66: {  	_ =	swait.ge [sflag:s7], $0xA0  }
0x67: {  	[sflag:s7] =	ssyncset.done $0x0  }
0x68: {  	s4 =	simm.s32 $0x1720;
	[sflag:s7] =	ssyncadd.s32 $0xFFFFFF60  }
0x69: {  	[tilespmem:s4], [sflag:$0x2] =	stream.indirect.gather [hbm4b:s5+s0], $0x40, s9, s0, $0xb8;
	[tilespmem:$0x10720] =	vst v63  }
0x6a: {  	_ =	swait.ge [sflag:s11], $0xA0  }
0x6b: {  	[sflag:s11] =	ssyncset.done $0x0  }
0x6c: {  	[sflag:s11] =	ssyncadd.s32 $0xFFFFFF60  }
0x6d: {  	[tilespmem:s12], [sflag:$0x3] =	stream.indirect.gather [hbm4b:s5+s0], $0x40, s10, s0, $0xb8;
	[tilespmem:$0x10720] =	vst v63  }
0x6e: {  	_ =	swait.ge [sflag:s13], $0xA0  }
0x6f: {  	[sflag:s13] =	ssyncset.done $0x0  }
0x70: {  	s24 =	simm.s32 $0x3F20;
	[sflag:s13] =	ssyncadd.s32 $0xFFFFFF60  }
0x71: {  	[tilespmem:s24], [sflag:$0x4] =	stream.indirect.gather [hbm4b:s5+s0], $0x40, s14, s0, $0xb8;
	[tilespmem:$0x10720] =	vst v63  }
0x72: {  	_ =	swait.ge [sflag:s15], $0xA0  }
0x73: {  	[sflag:s15] =	ssyncset.done $0x0  }
0x74: {  	s29 =	simm.s32 $0x0;
	s10 =	rddreg [dreg:$0xe];
	[sflag:s15] =	ssyncadd.s32 $0xFFFFFF60  }
0x75: {  	[tilespmem:s22], [sflag:$0x5] =	stream.indirect.gather [hbm4b:s5+s0], $0x40, s30, s0, $0xb8;
	[tilespmem:$0x10720] =	vst v63  }
.LBB2_2:
0x76: {  	_ =	swait.ge [sflag:s20], $0x1400  }
0x77: {  	p0 =	seq.s32 s29, $0x1324;
	[sflag:s20] =	ssyncset.done $0x0  }
0x78: {  	s14 =	simm.s32 @p0 $0x2;
	[sflag:s20] =	ssyncadd.s32 $0xFFFFEC00  }
0x79: {  	[spmem:s2] =	stream.indirect.scatter.add.f32 [tilespmem:s1], [sflag:$0x6], $0x40, s0, s0, $0xb8;
	[tilespmem:$0x10720] =	vst v63  }
0x7a: {  	_ =	swait.ge @p0 [sflag:s14], $0x1400  }
0x7b: {  	s24 =	simm.s32 @p0 $0xF0;
	[sflag:s14] =	ssyncset.done @p0 $0x0  }
0x7c: {  	s9 =	simm.s32 @p0 $0x1720;
	[sflag:s14] =	ssyncadd.s32 @p0 $0xFFFFEC00;
	s14 =	simm.s32 @p0 $0x50  }
0x7d: {  	[spmem:s2] =	stream.indirect.scatter.add.f32 @p0 [tilespmem:s9], [sflag:$0x7], $0x40, s24, s14, $0xb8;
	[tilespmem:$0x10720] =	vst v63  }
0x7e: {  	s9 =	sshrl.u32 @!p0 s10, $0x3  }
0x7f: {  	s24 =	simm.s32 @!p0 $0x0;
	s9 =	sadd.s32 @!p0 s16, s9  }
0x80: {  	[tilespmem:s24], [sflag:$0xB] =	stream.linear.gather @!p0 [hbm4b:s9+s24], $0xA0, $0x38;
	[tilespmem:$0x10720] =	vst v63  }
0x81: {  	s9 =	simm.s32 @!p0 $0x2  }
0x82: {  	_ =	swait.ge @!p0 [sflag:s9], $0x1400  }
0x83: {  	s4 =	simm.s32 @!p0 $0xF0;
	[sflag:s9] =	ssyncset.done @!p0 $0x0  }
0x84: {  	s3 =	simm.s32 @!p0 $0x1720;
	[sflag:s9] =	ssyncadd.s32 @!p0 $0xFFFFEC00;
	s9 =	simm.s32 @!p0 $0x50  }
0x85: {  	[spmem:s2] =	stream.indirect.scatter.add.f32 @!p0 [tilespmem:s3], [sflag:$0x7], $0x40, s4, s9, $0xb8;
	[tilespmem:$0x10720] =	vst v63  }
0x86: {  	s3 =	sadd.s32 @!p0 s29, s19;
	s4 =	simm.s32 @!p0 $0xA0  }
0x87: {  	[tilespmem:s4], [sflag:$0xC] =	stream.linear.gather @!p0 [hbm4b:s3+s24], $0xA0, $0x38;
	[tilespmem:$0x10720] =	vst v63  }
0x88: {  	_ =	swait.ge [sflag:s23], $0x1400  }
0x89: {  	[sflag:s23] =	ssyncset.done $0x0  }
0x8a: {  	s4 =	simm.s32 $0x190;
	s3 =	simm.s32 @p0 $0x4;
	[sflag:s23] =	ssyncadd.s32 $0xFFFFEC00  }
0x8b: {  	[spmem:s2] =	stream.indirect.scatter.add.f32 [tilespmem:s12], [sflag:$0x8], $0x40, s4, s0, $0xb8;
	[tilespmem:$0x10720] =	vst v63  }
0x8c: {  	_ =	swait.ge @p0 [sflag:s3], $0x1400  }
0x8d: {  	[sflag:s3] =	ssyncset.done @p0 $0x0  }
0x8e: {  	s4 =	simm.s32 @p0 $0x3F20;
	[sflag:s3] =	ssyncadd.s32 @p0 $0xFFFFEC00;
	s3 =	simm.s32 @p0 $0x230  }
0x8f: {  	[spmem:s2] =	stream.indirect.scatter.add.f32 @p0 [tilespmem:s4], [sflag:$0x9], $0x40, s3, s14, $0xb8;
	[tilespmem:$0x10720] =	vst v63  }
0x90: {  	s3 =	sadd.s32 @!p0 s29, s18;
	s4 =	simm.s32 @!p0 $0x140  }
0x91: {  	[tilespmem:s4], [sflag:$0xD] =	stream.linear.gather @!p0 [hbm4b:s3+s24], $0xA0, $0x38;
	[tilespmem:$0x10720] =	vst v63  }
0x92: {  	s3 =	simm.s32 @!p0 $0x4  }
0x93: {  	_ =	swait.ge @!p0 [sflag:s3], $0x1400  }
0x94: {  	[sflag:s3] =	ssyncset.done @!p0 $0x0  }
0x95: {  	s4 =	simm.s32 @!p0 $0x3F20;
	[sflag:s3] =	ssyncadd.s32 @!p0 $0xFFFFEC00;
	s3 =	simm.s32 @!p0 $0x230  }
0x96: {  	[spmem:s2] =	stream.indirect.scatter.add.f32 @!p0 [tilespmem:s4], [sflag:$0x9], $0x40, s3, s9, $0xb8;
	[tilespmem:$0x10720] =	vst v63  }
0x97: {  	s3 =	sadd.s32 @!p0 s29, s17;
	s4 =	simm.s32 @!p0 $0x1E0  }
0x98: {  	[tilespmem:s4], [sflag:$0xE] =	stream.linear.gather @!p0 [hbm4b:s3+s24], $0xA0, $0x38;
	[tilespmem:$0x10720] =	vst v63  }
.Ltmp2:
0x99: {  	_ = 	snop;
	(pc) =	sbr.rel @p0 .LBB2_4-.Ltmp2, $4  }
0x9a: {  	_ =	swait.ge [sflag:s25], $0x1400  }
0x9b: {  	[sflag:s25] =	ssyncset.done $0x0  }
0x9c: {  	s24 =	simm.s32 $0x2D0;
	[sflag:s25] =	ssyncadd.s32 $0xFFFFEC00  }
0x9d: {  	[spmem:s2] =	stream.indirect.scatter.add.f32 [tilespmem:s22], [sflag:$0xA], $0x40, s24, s0, $0xb8;
	[tilespmem:$0x10720] =	vst v63  }
0x9e: {  	s3 =	rddreg [dreg:$0xd]  }
0x9f: {  	s4 =	simm.s32 $0x0;
	s3 =	sadd.s32 s29, s3  }
0xa0: {  	[tilespmem:s30], [sflag:$0xF] =	stream.linear.gather [hbm4b:s3+s4], $0xA0, $0x38;
	[tilespmem:$0x10720] =	vst v63  }
0xa1: {  	_ =	swait.ge [sflag:s6], $0x1400  }
0xa2: {  	[sflag:s6] =	ssyncset.done $0x0  }
0xa3: {  	[sflag:s6] =	ssyncadd.s32 $0xFFFFEC00  }
0xa4: {  	_ =	swait.ge [sflag:s31], $0xA0  }
0xa5: {  	[sflag:s31] =	ssyncset.done $0x0  }
0xa6: {  	[sflag:s31] =	ssyncadd.s32 $0xFFFFFF60  }
0xa7: {  	[tilespmem:s1], [sflag:$0x1] =	stream.indirect.gather [hbm4b:s5+s0], $0x40, s4, s0, $0xb8;
	[tilespmem:$0x10720] =	vst v63  }
0xa8: {  	_ =	swait.ge [sflag:s8], $0x1400  }
0xa9: {  	[sflag:s8] =	ssyncset.done $0x0  }
0xaa: {  	[sflag:s8] =	ssyncadd.s32 $0xFFFFEC00  }
0xab: {  	_ =	swait.ge [sflag:s7], $0xA0  }
0xac: {  	[sflag:s7] =	ssyncset.done $0x0  }
0xad: {  	s14 =	simm.s32 $0xA0;
	s24 =	simm.s32 $0x1720;
	[sflag:s7] =	ssyncadd.s32 $0xFFFFFF60  }
0xae: {  	[tilespmem:s24], [sflag:$0x2] =	stream.indirect.gather [hbm4b:s5+s0], $0x40, s14, s0, $0xb8;
	[tilespmem:$0x10720] =	vst v63  }
0xaf: {  	_ =	swait.ge [sflag:s21], $0x1400  }
0xb0: {  	[sflag:s21] =	ssyncset.done $0x0  }
0xb1: {  	[sflag:s21] =	ssyncadd.s32 $0xFFFFEC00  }
0xb2: {  	_ =	swait.ge [sflag:s11], $0xA0  }
0xb3: {  	[sflag:s11] =	ssyncset.done $0x0  }
0xb4: {  	s9 =	simm.s32 $0x140;
	[sflag:s11] =	ssyncadd.s32 $0xFFFFFF60  }
0xb5: {  	[tilespmem:s12], [sflag:$0x3] =	stream.indirect.gather [hbm4b:s5+s0], $0x40, s9, s0, $0xb8;
	[tilespmem:$0x10720] =	vst v63  }
0xb6: {  	_ =	swait.ge [sflag:s26], $0x1400  }
0xb7: {  	[sflag:s26] =	ssyncset.done $0x0  }
0xb8: {  	[sflag:s26] =	ssyncadd.s32 $0xFFFFEC00  }
0xb9: {  	_ =	swait.ge [sflag:s13], $0xA0  }
0xba: {  	[sflag:s13] =	ssyncset.done $0x0  }
0xbb: {  	s14 =	simm.s32 $0x1E0;
	s24 =	simm.s32 $0x3F20;
	[sflag:s13] =	ssyncadd.s32 $0xFFFFFF60  }
0xbc: {  	[tilespmem:s24], [sflag:$0x4] =	stream.indirect.gather [hbm4b:s5+s0], $0x40, s14, s0, $0xb8;
	[tilespmem:$0x10720] =	vst v63  }
0xbd: {  	_ =	swait.ge [sflag:s28], $0x1400  }
0xbe: {  	[sflag:s28] =	ssyncset.done $0x0  }
.Ltmp3:
0xbf: {  	[sflag:s28] =	ssyncadd.s32 $0xFFFFEC00;
	(pc) =	sbr.rel .LBB2_2-.Ltmp3, $4  }
0xc0: {  	_ =	swait.ge [sflag:s15], $0xA0  }
0xc1: {  	[sflag:s15] =	ssyncset.done $0x0  }
0xc2: {  	s10 =	sadd.s32 $0x320, s10;
	s29 =	sadd.s32 $0x64, s29;
	[sflag:s15] =	ssyncadd.s32 $0xFFFFFF60  }
0xc3: {  	[tilespmem:s22], [sflag:$0x5] =	stream.indirect.gather [hbm4b:s5+s0], $0x40, s30, s0, $0xb8;
	[tilespmem:$0x10720] =	vst v63  }
.LBB2_5:
0xc4: {  	_ =	sfence.sel $0x180000  }
0xc5: {  	[bflag:$0x0] =	sbarrier.arrive $0xFFFF  }
0xc6: {  	_ =	strace $0x9000004A  }
0xc7: {  	s0 =	stileid.u32;
	[bflag:$0x2] =	sbarrier.arrive $0xFFFF  }
0xc8: {  	p0 =	sne.s32 s0, $0x0;
	s0 =	rddreg [dreg:$0x2]  }
0xc9: {  	s0 =	sadd.s32 @!p0 $0x100000, s0  }
0xca: {  	[sflag:s0] =	ssyncadd.tile.s32 @!p0 $0x1;
	_ =	shalt  }
.Lfunc_end2:
_tile_overlayer_lowered:
.L_overlay_start_2:
0xcb: {  	(tag) =	ssettag $0x2  }
0xcc: {  	s0 =	rddreg [dreg:$0x0];
	s2 =	stileid.u32  }
0xcd: {  	s1 =	rddreg [dreg:$0x1];
	p0 =	sne.s32 s2, $0x0  }
0xce: {  	s3 =	rddreg [dreg:$0x2];
	[bflag:$0x3] =	sbarrier.arrive $0xFFFF;
	s2 =	simm.s32 @!p0 $0x1C10  }
0xcf: {  	[timem:s3], [sflag:s2] =	dma.local @!p0 [hbm:s0], s1  }
0xd0: {  	s0 =	simm.s32 @!p0 $0x10  }
0xd1: {  	_ =	swait.ge @!p0 [sflag:s0], s1  }
0xd2: {  	s1 =	ssub.s32 @!p0 $0x0, s1;
	[sflag:s0] =	ssyncset.done @!p0 $0x0  }
0xd3: {  	[sflag:s0] =	ssyncadd.s32 @!p0 s1  }
0xd4: {  	[bflag:$0x3] =	sbarrier.arrive $0xFFFF  }
0xd5: {  	_ =	shalt  }

// kernel: kernel.14.cloned.1.call-start
scs
__scs_entry_jumppad:
0x0: {  	(pc) =	sbr.rel $0x88, $3  }
0x1: {  	(tag) =	ssettag $0x0;
	lr =	simm.s32 $0x1  }
0x2: {  	[smem:$0x3F9B] =	sst lr;
	_ =	strace $0xD0000000  }
0x3: {  	_ = 	snop  }
0x4: {  	_ = 	snop  }
0x5: {  	_ = 	snop  }
0x6: {  	_ = 	snop  }
0x7: {  	_ = 	snop  }
__scs_overlays_trampoline_lowered:
0x8: {  	[smem:$0x3FAA] =	sst s0  }
0x9: {  	[smem:$0x3FAB] =	sst s1  }
0xa: {  	[smem:$0x3FAC] =	sst s2  }
0xb: {  	[smem:$0x3FAD] =	sst s3  }
0xc: {  	[smem:$0x3FAE] =	sst s4  }
0xd: {  	[smem:$0x3FAF] =	sst s5  }
0xe: {  	[smem:$0x3FB0] =	sst s6  }
0xf: {  	[smem:$0x3FB1] =	sst s7  }
0x10: {  	[smem:$0x3FB2] =	sst s8  }
0x11: {  	[smem:$0x3FB3] =	sst s9;
	s0 =	simm.s32 @!p0 $0x0  }
0x12: {  	s1 =	sld [smem:$0x3F99];
	s0 =	simm.s32 @p0 $0x1  }
0x13: {  	[smem:$0x3FB4] =	sst s0;
	s0 =	simm.s32 @!p1 $0x0  }
0x14: {  	s2 =	sld [smem:$0x3F98];
	s0 =	simm.s32 @p1 $0x1  }
0x15: {  	[smem:$0x3FB5] =	sst s0;
	s0 =	simm.s32 @!p2 $0x0  }
0x16: {  	s3 =	sld [smem:$0x3FDB];
	s0 =	simm.s32 @p2 $0x1  }
0x17: {  	s4 =	simm.s32 $0x1BF5;
	[smem:$0x3FB7] =	sst s0  }
0x18: {  	s0 =	sld [smem:$0x3F9A];
	_ =	swait.ge [sflag:s4], $0x0  }
0x19: {  	s7 =	sld [smem:$0x3F9B]  }
0x1a: {  	s8 =	sadd.s32 $0xFFFFE003, lr  }
0x1b: {  	s9 =	sadd.s32 $0xFFFFFEF7, lr;
	s5 =	simm.s32 $0xFFFFFFFF;
	p2 =	slt.u32 s8, $0xFFFFF086  }
0x1c: {  	p1 =	slt.u32 s9, $0xF7A;
	s5 =	simm.s32 @!p2 $0x0  }
0x1d: {  	s5 =	simm.s32 @p1 $0x1;
	p0 =	seq.s32 s7, s2  }
0x1e: {  	s7 =	smul.u32 @!p0 $0xF7A, s2;
	p2 =	seq.s32 @!p0 s5, $0x0  }
0x1f: {  	s9 =	smul.u32 $0xF7A, s1;
	s8 =	simm.s32 @!p0 $0x1BF5;
	p2 =	por !p2, p0  }
0x20: {  	[sflag:s8] =	ssyncset.s32 @!p0 $0xFFFFF086;
	s6 =	sadd.s32 @!p0 s3, s7;
	s7 =	simm.s32 @!p0 $0x108  }
0x21: {  	s3 =	sadd.s32 s3, s9;
	s6 =	sadd.s32 @!p0 $0x88, s6;
	s7 =	simm.s32 @p2 $0x1082  }
0x22: {  	[simem:s7], [sflag:s8] =	dma.local @!p0 [hbm:s6], $0xF7A  }
0x23: {  	s9 =	sor.u32 $0xD0000000, s2;
	s6 =	simm.s32 $0x108;
	_ =	swait.ge @!p0 [sflag:s8], $0x0  }
0x24: {  	s3 =	sadd.s32 $0x88, s3;
	s6 =	simm.s32 @!p1 $0x1082;
	[sflag:s4] =	ssyncset.s32 $0xFFFFF086  }
0x25: {  	[simem:s6], [sflag:s4] =	dma.local [hbm:s3], $0xF7A  }
0x26: {  	[smem:$0x3F9B] =	sst s1;
	(tag) =	ssettag s2;
	_ =	strace s9  }
0x27: {  	s1 =	sld [smem:$0x3FAB]  }
0x28: {  	s2 =	sld [smem:$0x3FAC]  }
0x29: {  	s4 =	sld [smem:$0x3FAE]  }
0x2a: {  	p0 =	seq.s32 s5, $0x0;
	s5 =	sld [smem:$0x3FAF]  }
0x2b: {  	s6 =	sld [smem:$0x3FB0]  }
0x2c: {  	s7 =	sld [smem:$0x3FB1]  }
0x2d: {  	s3 =	simm.s32 $0x108;
	s8 =	sld [smem:$0x3FB2]  }
0x2e: {  	s3 =	simm.s32 @!p0 $0x1082;
	s9 =	sld [smem:$0x3FB3]  }
0x2f: {  	lr =	sadd.s32 s0, s3;
	s0 =	sld [smem:$0x3FAA]  }
0x30: {  	s3 =	sld [smem:$0x3FAD]  }
0x31: {  	[smem:$0x3FB6] =	sst s10  }
0x32: {  	s10 =	sld [smem:$0x3FB4];
	_ =	sdelay $0x3  }
0x33: {  	p0 =	seq.s32 s10, $0x1;
	s10 =	sld [smem:$0x3FB6];
	_ =	sdelay $0x3  }
0x34: {  	[smem:$0x3FB6] =	sst s10  }
0x35: {  	s10 =	sld [smem:$0x3FB5];
	_ =	sdelay $0x3  }
0x36: {  	p1 =	seq.s32 s10, $0x1;
	s10 =	sld [smem:$0x3FB6];
	_ =	sdelay $0x3  }
0x37: {  	[smem:$0x3FB6] =	sst s10  }
0x38: {  	s10 =	sld [smem:$0x3FB7]  }
0x39: {  	_ = 	snop;
	(pc) =	sbr.ind lr, $3  }
0x3a: {  	_ = 	snop  }
0x3b: {  	_ = 	snop  }
0x3c: {  	p2 =	seq.s32 s10, $0x1;
	s10 =	sld [smem:$0x3FB6]  }
0x3d: {  	_ =	shalt  }
0x3e: {  	_ =	shalt  }
0x3f: {  	_ =	shalt  }
0x40: {  	_ =	shalt  }
0x41: {  	_ =	shalt  }
0x42: {  	_ =	shalt  }
0x43: {  	_ =	shalt  }
0x44: {  	_ =	shalt  }
0x45: {  	_ =	shalt  }
0x46: {  	_ =	shalt  }
0x47: {  	_ =	shalt  }
0x48: {  	_ =	shalt  }
0x49: {  	_ =	shalt  }
0x4a: {  	_ =	shalt  }
0x4b: {  	_ =	shalt  }
0x4c: {  	_ =	shalt  }
0x4d: {  	_ =	shalt  }
0x4e: {  	_ =	shalt  }
0x4f: {  	_ =	shalt  }
0x50: {  	_ =	shalt  }
0x51: {  	_ =	shalt  }
0x52: {  	_ =	shalt  }
0x53: {  	_ =	shalt  }
0x54: {  	_ =	shalt  }
0x55: {  	_ =	shalt  }
0x56: {  	_ =	shalt  }
0x57: {  	_ =	shalt  }
0x58: {  	_ =	shalt  }
0x59: {  	_ =	shalt  }
0x5a: {  	_ =	shalt  }
0x5b: {  	_ =	shalt  }
0x5c: {  	_ =	shalt  }
0x5d: {  	_ =	shalt  }
0x5e: {  	_ =	shalt  }
0x5f: {  	_ =	shalt  }
0x60: {  	_ =	shalt  }
0x61: {  	_ =	shalt  }
0x62: {  	_ =	shalt  }
0x63: {  	_ =	shalt  }
0x64: {  	_ =	shalt  }
0x65: {  	_ =	shalt  }
0x66: {  	_ =	shalt  }
0x67: {  	_ =	shalt  }
0x68: {  	_ =	shalt  }
0x69: {  	_ =	shalt  }
0x6a: {  	_ =	shalt  }
0x6b: {  	_ =	shalt  }
0x6c: {  	_ =	shalt  }
0x6d: {  	_ =	shalt  }
0x6e: {  	_ =	shalt  }
0x6f: {  	_ =	shalt  }
0x70: {  	_ =	shalt  }
0x71: {  	_ =	shalt  }
0x72: {  	_ =	shalt  }
0x73: {  	_ =	shalt  }
0x74: {  	_ =	shalt  }
0x75: {  	_ =	shalt  }
0x76: {  	_ =	shalt  }
0x77: {  	_ =	shalt  }
0x78: {  	_ =	shalt  }
0x79: {  	_ =	shalt  }
0x7a: {  	_ =	shalt  }
0x7b: {  	_ =	shalt  }
0x7c: {  	_ =	shalt  }
0x7d: {  	_ =	shalt  }
0x7e: {  	_ =	shalt  }
0x7f: {  	_ =	shalt  }
0x80: {  	_ =	shalt  }
0x81: {  	_ =	shalt  }
0x82: {  	_ =	shalt  }
0x83: {  	_ =	shalt  }
0x84: {  	_ =	shalt  }
0x85: {  	_ =	shalt  }
0x86: {  	_ =	shalt  }
0x87: {  	_ =	shalt  }
.Lfunc_end0:
.L_simem_size_0:
called_computation.2_lowered:
.L_overlay_start_0:
0x88: {  	s2 =	sld [smem:$0x3FD9]  }
0x89: {  	s3 =	sld [smem:$0x3FFE];
	_ =	sdelay $0x1  }
0x8a: {  	s1 =	srdreg.scid  }
0x8b: {  	s0 =	sand.u32 $0x1, s1  }
0x8c: {  	s17 =	sshll.u32 s0, $0xA;
	s2 =	sadd.s32 s3, s2  }
0x8d: {  	s2 =	sadd.s32 s2, s17  }
0x8e: {  	[smem:$0x3FC2] =	sst s2  }
0x8f: {  	_ = 	snop  }
0x90: {  	s2 =	sld [smem:$0x3FD0];
	(tm) =	ssettm $0x1  }
0x91: {  	s18 =	sld [smem:$0x3FFB];
	_ =	sdelay $0x3  }
0x92: {  	_ =	strace s18  }
0x93: {  	s3 =	sld [smem:$0x3FFC];
	_ =	sdelay $0x3  }
0x94: {  	_ =	strace s3  }
0x95: {  	s3 =	sld [smem:$0x3FFD];
	_ =	sdelay $0x3  }
0x96: {  	_ =	strace s3  }
0x97: {  	_ =	strace $0x8FFFFFFF  }
0x98: {  	s19 =	sld [smem:$0x3FDB];
	_ =	sdelay $0x1  }
0x99: {  	s4 =	simm.s32 $_scs_section_size  }
0x9a: {  	s5 =	simm.s32 $_size__tile_overlayer_lowered;
	s6 =	simm.s32 $_tile_overlayer_lowered  }
0x9b: {  	s22 =	simm.s32 $0x1BFF;
	s21 =	sshll.u32 s6, $0x1;
	s3 =	sadd.s32 s4, s19  }
0x9c: {  	s7 =	simm.s32 $0x0;
	s20 =	sshll.u32 s5, $0x1;
	s5 =	sadd.s32 s21, s3  }
0x9d: {  	[timem:s7], [sflag:s22] =	dma.local [hbm:s5], s20  }
0x9e: {  	_ =	swait.ge [sflag:s22], s20  }
0x9f: {  	s4 =	ssub.s32 $0x0, s20;
	[sflag:s22] =	ssyncset.done $0x0  }
0xa0: {  	[sflag:s22] =	ssyncadd.s32 s4;
	_ =	sdelay $0x1  }
0xa1: {  	s23 =	simm.s32 $0x1B8B  }
0xa2: {  	_ =	swait.ge [sflag:s23], $0x1  }
0xa3: {  	[sflag:s23] =	ssyncset.done $0x0  }
0xa4: {  	s25 =	simm.s32 $0x1B8E;
	s24 =	sld [smem:$0x3FFE];
	[sflag:s23] =	ssyncadd.s32 $0xFFFFFFFF  }
0xa5: {  	s26 =	simm.s32 $execute0_lowered;
	[smem:$0x3FD2] =	sst s25  }
0xa6: {  	s5 =	sshll.u32 s26, $0x1;
	_ =	strace $0x8000004C;
	[dreg:$0x1] =	wrdreg $0xFFFFFFFF  }
0xa7: {  	s28 =	simm.s32 $_size_execute0_lowered;
	s3 =	sadd.s32 s3, s5;
	[dreg:$0x0] =	wrdreg $0x0  }
0xa8: {  	s5 =	sshll.u32 s28, $0x1;
	[dreg:$0x2] =	wrdreg s3  }
0xa9: {  	[dreg:$0x3] =	wrdreg s5  }
0xaa: {  	[dreg:$0x4] =	wrdreg $0xC0  }
0xab: {  	_ =	task [dreg:s7], $0x5FFFF  }
0xac: {  	[dreg:$0x1] =	wrdreg $0xFFFFFFFF  }
0xad: {  	[dreg:$0x0] =	wrdreg $0x60  }
0xae: {  	[dreg:$0x2] =	wrdreg s24  }
0xaf: {  	[dreg:$0x3] =	wrdreg s2  }
0xb0: {  	[dreg:$0x4] =	wrdreg $0x80200  }
0xb1: {  	[dreg:$0x5] =	wrdreg $0x9  }
0xb2: {  	_ =	task.clear_ibuf [dreg:s7], $0x6FFFF;
	_ =	strace $0x9000004C  }
0xb3: {  	s29 =	simm.s32 $0x9;
	_ =	strace $0x8000004E  }
0xb4: {  	_ =	swait.ge [sflag:s29], $0x1  }
0xb5: {  	[sflag:s29] =	ssyncadd.s32 $0xFFFFFFFF  }
0xb6: {  	_ =	strace $0x9000004E  }
0xb7: {  	_ =	sfence  }
0xb8: {  	s30 =	sld [smem:$0x0];
	_ =	sdelay $0x2  }
0xb9: {  	s31 =	sshll.u32 s1, $0xD;
	s1 =	sshrl.u32 s1, $0x2  }
0xba: {  	s3 =	sand.u32 $0x4000, s31;
	s1 =	sadd.s32 s1, s30  }
0xbb: {  	s0 =	sor.u32 s3, s0;
	s1 =	sshll.u32 s1, $0x11  }
0xbc: {  	s0 =	sor.u32 s1, s0  }
0xbd: {  	s0 =	sadd.s32 $0x8F2B, s0  }
0xbe: {  	[sflag:s0] =	ssyncadd.remote.s32 $0x1  }
0xbf: {  	_ =	sfence.sel $0xFFFF  }
0xc0: {  	[dreg:$0x0] =	wrdreg $0xFFFFFFFF;
	(pc) =	sbr.abs _section_cstart, $3  }
0xc1: {  	[dreg:$0x1] =	wrdreg $0xFFFFFFFF  }
0xc2: {  	_ =	task.clear_ibuf [dreg:s7], $0x2FFFF;
	_ =	strace $0x9FFFFFFF  }
0xc3: {  	(tm) =	ssettm $0x7FFFFFFF  }
tec
execute0_lowered:
.L_overlay_start_1:
0x0: {  	(tag) =	ssettag $0x1  }
0x1: {  	s0 =	srdreg.scid;
	s1 =	rddreg [dreg:$0x0]  }
0x2: {  	s12 =	stileid.u32;
	s7 =	rddreg [dreg:$0x1]  }
0x3: {  	s18 =	simm.s32 $0x50;
	s19 =	simm.s32 $0x4E20;
	s20 =	simm.s32 $0x5820  }
0x4: {  	s22 =	simm.s32 $0x6220;
	s28 =	simm.s32 $0x1;
	s29 =	simm.s32 $0x2  }
0x5: {  	s30 =	simm.s32 $0x3;
	s31 =	simm.s32 $0x4;
	s17 =	simm.s32 $0x7  }
0x6: {  	s21 =	simm.s32 $0x8;
	s23 =	simm.s32 $0x9;
	s6 =	smul.u32 $0x5000, s12  }
0x7: {  	s0 =	sand.u32 $0x1, s0;
	s4 =	sadd.s32 $0xC000, s1;
	s11 =	smul.u32 $0x14000, s12  }
0x8: {  	s25 =	sshll.u32 s12, $0x6;
	s2 =	sshll.u32 s0, $0x4;
	s5 =	smul.u32 $0x50000, s0  }
0x9: {  	s0 =	ssub.s32 $0x2, s0;
	s3 =	sor.u32 s12, s2;
	s2 =	rddreg [dreg:$0x2]  }
0xa: {  	s24 =	sshrl.u32 s0, $0x1;
	s11 =	sshrl.u32 s11, $0x2;
	s12 =	simm.s32 $0xB  }
0xb: {  	s8 =	smul.u32 $0x4E2, s3;
	s3 =	simm.s32 $0x0;
	s10 =	sadd.s32 s6, s5  }
0xc: {  	s5 =	sadd.s32 $0x16000, s1;
	s0 =	ssub.s32 s0, s24;
	s11 =	sadd.s32 s11, s2  }
0xd: {  	s26 =	sadd.s32 s6, s2;
	s6 =	sor.u32 $0x1C0B, s25;
	s24 =	simm.s32 $0x6C20  }
0xe: {  	s25 =	simm.s32 $0xA;
	[smem:$0x7FF] =	sst s3;
	s10 =	sshrl.u32 s10, $0x3  }
0xf: {  	s13 =	sadd.s32 $0x1000, s11;
	s14 =	sadd.s32 $0x2000, s11;
	s15 =	sadd.s32 $0x3000, s11  }
0x10: {  	s16 =	sadd.s32 $0x4000, s11;
	s0 =	smax.u32 s0, $0x1;
	s11 =	sshrl.u32 s26, $0x3  }
0x11: {  	s26 =	simm.s32 $0x7620;
	_ =	strace $0x8000004D;
	s9 =	sadd.s32 s8, s1  }
0x12: {  	s1 =	sadd.s32 s10, s1;
	s7 =	sadd.s32 s7, s8;
	[dreg:$0x7] =	wrdreg s0  }
0x13: {  	s13 =	sshrl.u32 s13, $0x3;
	s14 =	sshrl.u32 s14, $0x3;
	s15 =	sshrl.u32 s15, $0x3  }
0x14: {  	s16 =	sshrl.u32 s16, $0x3;
	s9 =	sadd.s32 $0x2200, s9;
	[dreg:$0x5] =	wrdreg s7  }
0x15: {  	s0 =	simm.s32 $0x6;
	s1 =	sadd.s32 $0x16200, s1;
	[dreg:$0x4] =	wrdreg s9  }
0x16: {  	s7 =	simm.s32 $0x0;
	[dreg:$0x6] =	wrdreg s1;
	s1 =	simm.s32 $0x5  }
.LBB2_1:
0x17: {  	[spmem:s11], [sflag:s6] =	dma.local [hbm:s5], $0x200  }
0x18: {  	_ =	swait.ge [sflag:s12], $0x200  }
0x19: {  	[sflag:s12] =	ssyncset.done $0x0  }
0x1a: {  	[sflag:s12] =	ssyncadd.s32 $0xFFFFFE00  }
0x1b: {  	[spmem:s13], [sflag:s6] =	dma.local [hbm:s5], $0x200  }
0x1c: {  	_ =	swait.ge [sflag:s12], $0x200  }
0x1d: {  	[sflag:s12] =	ssyncset.done $0x0  }
0x1e: {  	[sflag:s12] =	ssyncadd.s32 $0xFFFFFE00  }
0x1f: {  	[spmem:s14], [sflag:s6] =	dma.local [hbm:s5], $0x200  }
0x20: {  	_ =	swait.ge [sflag:s12], $0x200  }
0x21: {  	[sflag:s12] =	ssyncset.done $0x0  }
0x22: {  	[sflag:s12] =	ssyncadd.s32 $0xFFFFFE00  }
0x23: {  	[spmem:s15], [sflag:s6] =	dma.local [hbm:s5], $0x200  }
0x24: {  	_ =	swait.ge [sflag:s12], $0x200  }
0x25: {  	[sflag:s12] =	ssyncset.done $0x0  }
0x26: {  	[sflag:s12] =	ssyncadd.s32 $0xFFFFFE00  }
0x27: {  	[spmem:s16], [sflag:s6] =	dma.local [hbm:s5], $0x200  }
0x28: {  	_ =	swait.ge [sflag:s12], $0x200  }
0x29: {  	[sflag:s12] =	ssyncset.done $0x0  }
0x2a: {  	s8 =	rddreg [dreg:$0x4];
	[sflag:s12] =	ssyncadd.s32 $0xFFFFFE00  }
0x2b: {  	[tilespmem:s3], [sflag:$0xB] =	stream.linear.gather [hbm4b:s8+s3], $0x2710, $0x38;
	[tilespmem:$0xD020] =	vst v63  }
0x2c: {  	_ =	swait.ge [sflag:s12], $0x2710  }
0x2d: {  	[sflag:s12] =	ssyncset.done $0x0  }
0x2e: {  	s9 =	simm.s32 $0x2710;
	s10 =	rddreg [dreg:$0x5];
	[sflag:s12] =	ssyncadd.s32 $0xFFFFD8F0  }
0x2f: {  	[tilespmem:s9], [sflag:$0xB] =	stream.linear.gather [hbm4b:s10+s3], $0x2710, $0x38;
	[tilespmem:$0xD020] =	vst v63  }
0x30: {  	_ =	swait.ge [sflag:s12], $0x2710  }
0x31: {  	[sflag:s12] =	ssyncset.done $0x0  }
0x32: {  	[sflag:s12] =	ssyncadd.s32 $0xFFFFD8F0  }
0x33: {  	[bflag:$0x0] =	sbarrier.arrive $0xFFFF  }
0x34: {  	[tilespmem:s19], [sflag:$0x1] =	stream.indirect.gather [hbm4b:s4+s18], $0x20, s3, s18, $0xb8;
	[tilespmem:$0xD020] =	vst v63  }
0x35: {  	_ = 	snop  }
0x36: {  	[tilespmem:s20], [sflag:$0x2] =	stream.indirect.gather [hbm4b:s4+s18], $0x20, s18, s18, $0xb8;
	[tilespmem:$0xD020] =	vst v63  }
0x37: {  	s9 =	simm.s32 $0xA0  }
0x38: {  	[tilespmem:s22], [sflag:$0x3] =	stream.indirect.gather [hbm4b:s4+s18], $0x20, s9, s18, $0xb8;
	[tilespmem:$0xD020] =	vst v63  }
0x39: {  	s10 =	simm.s32 $0xF0  }
0x3a: {  	[tilespmem:s24], [sflag:$0x4] =	stream.indirect.gather [hbm4b:s4+s18], $0x20, s10, s18, $0xb8;
	[tilespmem:$0xD020] =	vst v63  }
0x3b: {  	s9 =	simm.s32 $0x140  }
0x3c: {  	[tilespmem:s26], [sflag:$0x5] =	stream.indirect.gather [hbm4b:s4+s18], $0x20, s9, s18, $0xb8;
	[tilespmem:$0xD020] =	vst v63  }
0x3d: {  	_ =	swait.ge [sflag:s28], $0xA00  }
0x3e: {  	[sflag:s28] =	ssyncset.done $0x0  }
0x3f: {  	s10 =	simm.s32 $0x2710;
	[sflag:s28] =	ssyncadd.s32 $0xFFFFF600  }
0x40: {  	[spmem:s2] =	stream.indirect.scatter.add.f32 [tilespmem:s19], [sflag:$0x6], $0x20, s10, s18, $0xb8;
	[tilespmem:$0xD020] =	vst v63  }
0x41: {  	_ =	swait.ge [sflag:s29], $0xA00  }
0x42: {  	[sflag:s29] =	ssyncset.done $0x0  }
0x43: {  	s9 =	simm.s32 $0x2760;
	[sflag:s29] =	ssyncadd.s32 $0xFFFFF600  }
0x44: {  	[spmem:s2] =	stream.indirect.scatter.add.f32 [tilespmem:s20], [sflag:$0x7], $0x20, s9, s18, $0xb8;
	[tilespmem:$0xD020] =	vst v63  }
0x45: {  	_ =	swait.ge [sflag:s30], $0xA00  }
0x46: {  	[sflag:s30] =	ssyncset.done $0x0  }
0x47: {  	s10 =	simm.s32 $0x27B0;
	[sflag:s30] =	ssyncadd.s32 $0xFFFFF600  }
0x48: {  	[spmem:s2] =	stream.indirect.scatter.add.f32 [tilespmem:s22], [sflag:$0x8], $0x20, s10, s18, $0xb8;
	[tilespmem:$0xD020] =	vst v63  }
0x49: {  	_ =	swait.ge [sflag:s31], $0xA00  }
0x4a: {  	[sflag:s31] =	ssyncset.done $0x0  }
0x4b: {  	s9 =	simm.s32 $0x2800;
	[sflag:s31] =	ssyncadd.s32 $0xFFFFF600  }
0x4c: {  	[spmem:s2] =	stream.indirect.scatter.add.f32 [tilespmem:s24], [sflag:$0x9], $0x20, s9, s18, $0xb8;
	[tilespmem:$0xD020] =	vst v63  }
0x4d: {  	_ =	swait.ge [sflag:s1], $0xA00  }
0x4e: {  	[sflag:s1] =	ssyncset.done $0x0  }
0x4f: {  	s10 =	simm.s32 $0x2850;
	[sflag:s1] =	ssyncadd.s32 $0xFFFFF600  }
0x50: {  	[spmem:s2] =	stream.indirect.scatter.add.f32 [tilespmem:s26], [sflag:$0xA], $0x20, s10, s18, $0xb8;
	[tilespmem:$0xD020] =	vst v63  }
0x51: {  	_ =	swait.ge [sflag:s0], $0xA00  }
0x52: {  	[sflag:s0] =	ssyncset.done $0x0  }
0x53: {  	s9 =	simm.s32 $0x190;
	[sflag:s0] =	ssyncadd.s32 $0xFFFFF600  }
0x54: {  	[tilespmem:s19], [sflag:$0x1] =	stream.indirect.gather [hbm4b:s4+s18], $0x20, s9, s18, $0xb8;
	[tilespmem:$0xD020] =	vst v63  }
0x55: {  	_ =	swait.ge [sflag:s17], $0xA00  }
0x56: {  	[sflag:s17] =	ssyncset.done $0x0  }
0x57: {  	s10 =	simm.s32 $0x1E0;
	[sflag:s17] =	ssyncadd.s32 $0xFFFFF600  }
0x58: {  	[tilespmem:s20], [sflag:$0x2] =	stream.indirect.gather [hbm4b:s4+s18], $0x20, s10, s18, $0xb8;
	[tilespmem:$0xD020] =	vst v63  }
0x59: {  	_ =	swait.ge [sflag:s21], $0xA00  }
0x5a: {  	[sflag:s21] =	ssyncset.done $0x0  }
0x5b: {  	s9 =	simm.s32 $0x230;
	[sflag:s21] =	ssyncadd.s32 $0xFFFFF600  }
0x5c: {  	[tilespmem:s22], [sflag:$0x3] =	stream.indirect.gather [hbm4b:s4+s18], $0x20, s9, s18, $0xb8;
	[tilespmem:$0xD020] =	vst v63  }
0x5d: {  	_ =	swait.ge [sflag:s23], $0xA00  }
0x5e: {  	[sflag:s23] =	ssyncset.done $0x0  }
0x5f: {  	s10 =	simm.s32 $0x280;
	[sflag:s23] =	ssyncadd.s32 $0xFFFFF600  }
0x60: {  	[tilespmem:s24], [sflag:$0x4] =	stream.indirect.gather [hbm4b:s4+s18], $0x20, s10, s18, $0xb8;
	[tilespmem:$0xD020] =	vst v63  }
0x61: {  	_ =	swait.ge [sflag:s25], $0xA00  }
0x62: {  	[sflag:s25] =	ssyncset.done $0x0  }
0x63: {  	s8 =	simm.s32 $0x640;
	s9 =	simm.s32 $0x2D0;
	[sflag:s25] =	ssyncadd.s32 $0xFFFFF600  }
.LBB2_2:
0x64: {  	[tilespmem:s26], [sflag:$0x5] =	stream.indirect.gather [hbm4b:s4+s18], $0x20, s9, s18, $0xb8;
	[tilespmem:$0xD020] =	vst v63  }
0x65: {  	s9 =	smov.u32 s8  }
0x66: {  	p0 =	sne.s32 s8, $0x8FC0;
	s8 =	sadd.s32 $0x640, s8;
	_ =	swait.ge [sflag:s28], $0xA00  }
0x67: {  	s9 =	sshra.s32 s9, $0x2;
	[sflag:s28] =	ssyncset.done $0x0  }
0x68: {  	s10 =	sadd.s32 $0x2710, s9;
	[sflag:s28] =	ssyncadd.s32 $0xFFFFF600  }
0x69: {  	[spmem:s2] =	stream.indirect.scatter.add.f32 [tilespmem:s19], [sflag:$0x6], $0x20, s10, s18, $0xb8;
	[tilespmem:$0xD020] =	vst v63  }
0x6a: {  	_ =	swait.ge [sflag:s29], $0xA00  }
0x6b: {  	[sflag:s29] =	ssyncset.done $0x0  }
0x6c: {  	s10 =	sadd.s32 $0x2760, s9;
	[sflag:s29] =	ssyncadd.s32 $0xFFFFF600  }
0x6d: {  	[spmem:s2] =	stream.indirect.scatter.add.f32 [tilespmem:s20], [sflag:$0x7], $0x20, s10, s18, $0xb8;
	[tilespmem:$0xD020] =	vst v63  }
0x6e: {  	_ =	swait.ge [sflag:s30], $0xA00  }
0x6f: {  	[sflag:s30] =	ssyncset.done $0x0  }
0x70: {  	s10 =	sadd.s32 $0x27B0, s9;
	[sflag:s30] =	ssyncadd.s32 $0xFFFFF600  }
0x71: {  	[spmem:s2] =	stream.indirect.scatter.add.f32 [tilespmem:s22], [sflag:$0x8], $0x20, s10, s18, $0xb8;
	[tilespmem:$0xD020] =	vst v63  }
0x72: {  	_ =	swait.ge [sflag:s31], $0xA00  }
0x73: {  	[sflag:s31] =	ssyncset.done $0x0  }
0x74: {  	s10 =	sadd.s32 $0x2800, s9;
	[sflag:s31] =	ssyncadd.s32 $0xFFFFF600  }
0x75: {  	[spmem:s2] =	stream.indirect.scatter.add.f32 [tilespmem:s24], [sflag:$0x9], $0x20, s10, s18, $0xb8;
	[tilespmem:$0xD020] =	vst v63  }
0x76: {  	_ =	swait.ge [sflag:s1], $0xA00  }
0x77: {  	[sflag:s1] =	ssyncset.done $0x0  }
0x78: {  	s10 =	sadd.s32 $0x2850, s9;
	[sflag:s1] =	ssyncadd.s32 $0xFFFFF600  }
0x79: {  	[spmem:s2] =	stream.indirect.scatter.add.f32 [tilespmem:s26], [sflag:$0xA], $0x20, s10, s18, $0xb8;
	[tilespmem:$0xD020] =	vst v63  }
0x7a: {  	_ =	swait.ge [sflag:s0], $0xA00  }
0x7b: {  	[sflag:s0] =	ssyncset.done $0x0  }
0x7c: {  	s10 =	sadd.s32 $0x190, s9;
	[sflag:s0] =	ssyncadd.s32 $0xFFFFF600  }
0x7d: {  	[tilespmem:s19], [sflag:$0x1] =	stream.indirect.gather [hbm4b:s4+s18], $0x20, s10, s18, $0xb8;
	[tilespmem:$0xD020] =	vst v63  }
0x7e: {  	_ =	swait.ge [sflag:s17], $0xA00  }
0x7f: {  	[sflag:s17] =	ssyncset.done $0x0  }
0x80: {  	s10 =	sadd.s32 $0x1E0, s9;
	[sflag:s17] =	ssyncadd.s32 $0xFFFFF600  }
0x81: {  	[tilespmem:s20], [sflag:$0x2] =	stream.indirect.gather [hbm4b:s4+s18], $0x20, s10, s18, $0xb8;
	[tilespmem:$0xD020] =	vst v63  }
0x82: {  	_ =	swait.ge [sflag:s21], $0xA00  }
0x83: {  	[sflag:s21] =	ssyncset.done $0x0  }
0x84: {  	s10 =	sadd.s32 $0x230, s9;
	[sflag:s21] =	ssyncadd.s32 $0xFFFFF600  }
0x85: {  	[tilespmem:s22], [sflag:$0x3] =	stream.indirect.gather [hbm4b:s4+s18], $0x20, s10, s18, $0xb8;
	[tilespmem:$0xD020] =	vst v63  }
0x86: {  	_ =	swait.ge [sflag:s23], $0xA00  }
0x87: {  	[sflag:s23] =	ssyncset.done $0x0  }
.Ltmp0:
0x88: {  	s10 =	sadd.s32 $0x280, s9;
	[sflag:s23] =	ssyncadd.s32 $0xFFFFF600;
	(pc) =	sbr.rel @p0 .LBB2_2-.Ltmp0, $4  }
0x89: {  	[tilespmem:s24], [sflag:$0x4] =	stream.indirect.gather [hbm4b:s4+s18], $0x20, s10, s18, $0xb8;
	[tilespmem:$0xD020] =	vst v63  }
0x8a: {  	_ =	swait.ge [sflag:s25], $0xA00  }
0x8b: {  	[sflag:s25] =	ssyncset.done $0x0  }
0x8c: {  	s9 =	sadd.s32 $0x2D0, s9;
	[sflag:s25] =	ssyncadd.s32 $0xFFFFF600  }
0x8d: {  	[tilespmem:s26], [sflag:$0x5] =	stream.indirect.gather [hbm4b:s4+s18], $0x20, s9, s18, $0xb8;
	[tilespmem:$0xD020] =	vst v63  }
0x8e: {  	_ =	swait.ge [sflag:s28], $0xA00  }
0x8f: {  	[sflag:s28] =	ssyncset.done $0x0  }
0x90: {  	s8 =	simm.s32 $0x4C90;
	[sflag:s28] =	ssyncadd.s32 $0xFFFFF600  }
0x91: {  	[spmem:s2] =	stream.indirect.scatter.add.f32 [tilespmem:s19], [sflag:$0x6], $0x20, s8, s18, $0xb8;
	[tilespmem:$0xD020] =	vst v63  }
0x92: {  	_ =	swait.ge [sflag:s29], $0xA00  }
0x93: {  	[sflag:s29] =	ssyncset.done $0x0  }
0x94: {  	s9 =	simm.s32 $0x4CE0;
	[sflag:s29] =	ssyncadd.s32 $0xFFFFF600  }
0x95: {  	[spmem:s2] =	stream.indirect.scatter.add.f32 [tilespmem:s20], [sflag:$0x7], $0x20, s9, s18, $0xb8;
	[tilespmem:$0xD020] =	vst v63  }
0x96: {  	_ =	swait.ge [sflag:s30], $0xA00  }
0x97: {  	[sflag:s30] =	ssyncset.done $0x0  }
0x98: {  	s10 =	simm.s32 $0x4D30;
	[sflag:s30] =	ssyncadd.s32 $0xFFFFF600  }
0x99: {  	[spmem:s2] =	stream.indirect.scatter.add.f32 [tilespmem:s22], [sflag:$0x8], $0x20, s10, s18, $0xb8;
	[tilespmem:$0xD020] =	vst v63  }
0x9a: {  	_ =	swait.ge [sflag:s31], $0xA00  }
0x9b: {  	[sflag:s31] =	ssyncset.done $0x0  }
0x9c: {  	s9 =	simm.s32 $0x4D80;
	[sflag:s31] =	ssyncadd.s32 $0xFFFFF600  }
0x9d: {  	[spmem:s2] =	stream.indirect.scatter.add.f32 [tilespmem:s24], [sflag:$0x9], $0x20, s9, s18, $0xb8;
	[tilespmem:$0xD020] =	vst v63  }
0x9e: {  	_ =	swait.ge [sflag:s1], $0xA00  }
0x9f: {  	[sflag:s1] =	ssyncset.done $0x0  }
0xa0: {  	s10 =	simm.s32 $0x4DD0;
	[sflag:s1] =	ssyncadd.s32 $0xFFFFF600  }
0xa1: {  	[spmem:s2] =	stream.indirect.scatter.add.f32 [tilespmem:s26], [sflag:$0xA], $0x20, s10, s18, $0xb8;
	[tilespmem:$0xD020] =	vst v63  }
0xa2: {  	_ =	swait.ge [sflag:s0], $0xA00  }
0xa3: {  	[sflag:s0] =	ssyncset.done $0x0  }
0xa4: {  	[sflag:s0] =	ssyncadd.s32 $0xFFFFF600  }
0xa5: {  	_ =	swait.ge [sflag:s17], $0xA00  }
0xa6: {  	[sflag:s17] =	ssyncset.done $0x0  }
0xa7: {  	[sflag:s17] =	ssyncadd.s32 $0xFFFFF600  }
0xa8: {  	_ =	swait.ge [sflag:s21], $0xA00  }
0xa9: {  	[sflag:s21] =	ssyncset.done $0x0  }
0xaa: {  	[sflag:s21] =	ssyncadd.s32 $0xFFFFF600  }
0xab: {  	_ =	swait.ge [sflag:s23], $0xA00  }
0xac: {  	[sflag:s23] =	ssyncset.done $0x0  }
0xad: {  	[sflag:s23] =	ssyncadd.s32 $0xFFFFF600  }
0xae: {  	_ =	swait.ge [sflag:s25], $0xA00  }
0xaf: {  	[sflag:s25] =	ssyncset.done $0x0  }
0xb0: {  	[sflag:s25] =	ssyncadd.s32 $0xFFFFF600  }
0xb1: {  	[bflag:$0x0] =	sbarrier.arrive $0xFFFF  }
0xb2: {  	s9 =	rddreg [dreg:$0x6]  }
0xb3: {  	[hbm:s9], [sflag:s6] =	dma.local [spmem:s11], $0xA00  }
0xb4: {  	_ =	swait.ge [sflag:s12], $0xA00  }
0xb5: {  	s7 =	sadd.s32 $0x1, s7;
	s10 =	rddreg [dreg:$0x7]  }
0xb6: {  	p0 =	sne.s32 s7, s10  }
.Ltmp1:
0xb7: {  	_ = 	snop;
	(pc) =	sbr.rel @p0 .LBB2_1-.Ltmp1, $3  }
0xb8: {  	_ =	sdelay $0x1  }
0xb9: {  	[sflag:s12] =	ssyncset.done $0x0  }
0xba: {  	[sflag:s12] =	ssyncadd.s32 $0xFFFFF600  }
0xbb: {  	_ =	sfence.sel $0x180000  }
0xbc: {  	[bflag:$0x0] =	sbarrier.arrive $0xFFFF  }
0xbd: {  	_ =	strace $0x9000004D  }
0xbe: {  	s0 =	stileid.u32;
	[bflag:$0x2] =	sbarrier.arrive $0xFFFF  }
0xbf: {  	p0 =	sne.s32 s0, $0x0;
	s0 =	rddreg [dreg:$0x3]  }
0xc0: {  	s0 =	sadd.s32 @!p0 $0x100000, s0  }
0xc1: {  	[sflag:s0] =	ssyncadd.tile.s32 @!p0 $0x1;
	_ =	shalt  }
.Lfunc_end2:
_tile_overlayer_lowered:
.L_overlay_start_2:
0xc2: {  	(tag) =	ssettag $0x2  }
0xc3: {  	s0 =	rddreg [dreg:$0x0];
	s2 =	stileid.u32  }
0xc4: {  	s1 =	rddreg [dreg:$0x1];
	p0 =	sne.s32 s2, $0x0  }
0xc5: {  	s3 =	rddreg [dreg:$0x2];
	[bflag:$0x3] =	sbarrier.arrive $0xFFFF;
	s2 =	simm.s32 @!p0 $0x1C0B  }
0xc6: {  	[timem:s3], [sflag:s2] =	dma.local @!p0 [hbm:s0], s1  }
0xc7: {  	s0 =	simm.s32 @!p0 $0xB  }
0xc8: {  	_ =	swait.ge @!p0 [sflag:s0], s1  }
0xc9: {  	s1 =	ssub.s32 @!p0 $0x0, s1;
	[sflag:s0] =	ssyncset.done @!p0 $0x0  }
0xca: {  	[sflag:s0] =	ssyncadd.s32 @!p0 s1  }
0xcb: {  	[bflag:$0x3] =	sbarrier.arrive $0xFFFF  }
0xcc: {  	_ =	shalt  }

// kernel: kernel.8.cloned.1.call-start
scs
__scs_entry_jumppad:
0x0: {  	(pc) =	sbr.rel $0x88, $3  }
0x1: {  	(tag) =	ssettag $0x0;
	lr =	simm.s32 $0x1  }
0x2: {  	[smem:$0x3F9B] =	sst lr;
	_ =	strace $0xD0000000  }
0x3: {  	_ = 	snop  }
0x4: {  	_ = 	snop  }
0x5: {  	_ = 	snop  }
0x6: {  	_ = 	snop  }
0x7: {  	_ = 	snop  }
__scs_overlays_trampoline_lowered:
0x8: {  	[smem:$0x3FAA] =	sst s0  }
0x9: {  	[smem:$0x3FAB] =	sst s1  }
0xa: {  	[smem:$0x3FAC] =	sst s2  }
0xb: {  	[smem:$0x3FAD] =	sst s3  }
0xc: {  	[smem:$0x3FAE] =	sst s4  }
0xd: {  	[smem:$0x3FAF] =	sst s5  }
0xe: {  	[smem:$0x3FB0] =	sst s6  }
0xf: {  	[smem:$0x3FB1] =	sst s7  }
0x10: {  	[smem:$0x3FB2] =	sst s8  }
0x11: {  	[smem:$0x3FB3] =	sst s9;
	s0 =	simm.s32 @!p0 $0x0  }
0x12: {  	s1 =	sld [smem:$0x3F99];
	s0 =	simm.s32 @p0 $0x1  }
0x13: {  	[smem:$0x3FB4] =	sst s0;
	s0 =	simm.s32 @!p1 $0x0  }
0x14: {  	s2 =	sld [smem:$0x3F98];
	s0 =	simm.s32 @p1 $0x1  }
0x15: {  	[smem:$0x3FB5] =	sst s0;
	s0 =	simm.s32 @!p2 $0x0  }
0x16: {  	s3 =	sld [smem:$0x3FDB];
	s0 =	simm.s32 @p2 $0x1  }
0x17: {  	s4 =	simm.s32 $0x1BF5;
	[smem:$0x3FB7] =	sst s0  }
0x18: {  	s0 =	sld [smem:$0x3F9A];
	_ =	swait.ge [sflag:s4], $0x0  }
0x19: {  	s7 =	sld [smem:$0x3F9B]  }
0x1a: {  	s8 =	sadd.s32 $0xFFFFE003, lr  }
0x1b: {  	s9 =	sadd.s32 $0xFFFFFEF7, lr;
	s5 =	simm.s32 $0xFFFFFFFF;
	p2 =	slt.u32 s8, $0xFFFFF086  }
0x1c: {  	p1 =	slt.u32 s9, $0xF7A;
	s5 =	simm.s32 @!p2 $0x0  }
0x1d: {  	s5 =	simm.s32 @p1 $0x1;
	p0 =	seq.s32 s7, s2  }
0x1e: {  	s7 =	smul.u32 @!p0 $0xF7A, s2;
	p2 =	seq.s32 @!p0 s5, $0x0  }
0x1f: {  	s9 =	smul.u32 $0xF7A, s1;
	s8 =	simm.s32 @!p0 $0x1BF5;
	p2 =	por !p2, p0  }
0x20: {  	[sflag:s8] =	ssyncset.s32 @!p0 $0xFFFFF086;
	s6 =	sadd.s32 @!p0 s3, s7;
	s7 =	simm.s32 @!p0 $0x108  }
0x21: {  	s3 =	sadd.s32 s3, s9;
	s6 =	sadd.s32 @!p0 $0x88, s6;
	s7 =	simm.s32 @p2 $0x1082  }
0x22: {  	[simem:s7], [sflag:s8] =	dma.local @!p0 [hbm:s6], $0xF7A  }
0x23: {  	s9 =	sor.u32 $0xD0000000, s2;
	s6 =	simm.s32 $0x108;
	_ =	swait.ge @!p0 [sflag:s8], $0x0  }
0x24: {  	s3 =	sadd.s32 $0x88, s3;
	s6 =	simm.s32 @!p1 $0x1082;
	[sflag:s4] =	ssyncset.s32 $0xFFFFF086  }
0x25: {  	[simem:s6], [sflag:s4] =	dma.local [hbm:s3], $0xF7A  }
0x26: {  	[smem:$0x3F9B] =	sst s1;
	(tag) =	ssettag s2;
	_ =	strace s9  }
0x27: {  	s1 =	sld [smem:$0x3FAB]  }
0x28: {  	s2 =	sld [smem:$0x3FAC]  }
0x29: {  	s4 =	sld [smem:$0x3FAE]  }
0x2a: {  	p0 =	seq.s32 s5, $0x0;
	s5 =	sld [smem:$0x3FAF]  }
0x2b: {  	s6 =	sld [smem:$0x3FB0]  }
0x2c: {  	s7 =	sld [smem:$0x3FB1]  }
0x2d: {  	s3 =	simm.s32 $0x108;
	s8 =	sld [smem:$0x3FB2]  }
0x2e: {  	s3 =	simm.s32 @!p0 $0x1082;
	s9 =	sld [smem:$0x3FB3]  }
0x2f: {  	lr =	sadd.s32 s0, s3;
	s0 =	sld [smem:$0x3FAA]  }
0x30: {  	s3 =	sld [smem:$0x3FAD]  }
0x31: {  	[smem:$0x3FB6] =	sst s10  }
0x32: {  	s10 =	sld [smem:$0x3FB4];
	_ =	sdelay $0x3  }
0x33: {  	p0 =	seq.s32 s10, $0x1;
	s10 =	sld [smem:$0x3FB6];
	_ =	sdelay $0x3  }
0x34: {  	[smem:$0x3FB6] =	sst s10  }
0x35: {  	s10 =	sld [smem:$0x3FB5];
	_ =	sdelay $0x3  }
0x36: {  	p1 =	seq.s32 s10, $0x1;
	s10 =	sld [smem:$0x3FB6];
	_ =	sdelay $0x3  }
0x37: {  	[smem:$0x3FB6] =	sst s10  }
0x38: {  	s10 =	sld [smem:$0x3FB7]  }
0x39: {  	_ = 	snop;
	(pc) =	sbr.ind lr, $3  }
0x3a: {  	_ = 	snop  }
0x3b: {  	_ = 	snop  }
0x3c: {  	p2 =	seq.s32 s10, $0x1;
	s10 =	sld [smem:$0x3FB6]  }
0x3d: {  	_ =	shalt  }
0x3e: {  	_ =	shalt  }
0x3f: {  	_ =	shalt  }
0x40: {  	_ =	shalt  }
0x41: {  	_ =	shalt  }
0x42: {  	_ =	shalt  }
0x43: {  	_ =	shalt  }
0x44: {  	_ =	shalt  }
0x45: {  	_ =	shalt  }
0x46: {  	_ =	shalt  }
0x47: {  	_ =	shalt  }
0x48: {  	_ =	shalt  }
0x49: {  	_ =	shalt  }
0x4a: {  	_ =	shalt  }
0x4b: {  	_ =	shalt  }
0x4c: {  	_ =	shalt  }
0x4d: {  	_ =	shalt  }
0x4e: {  	_ =	shalt  }
0x4f: {  	_ =	shalt  }
0x50: {  	_ =	shalt  }
0x51: {  	_ =	shalt  }
0x52: {  	_ =	shalt  }
0x53: {  	_ =	shalt  }
0x54: {  	_ =	shalt  }
0x55: {  	_ =	shalt  }
0x56: {  	_ =	shalt  }
0x57: {  	_ =	shalt  }
0x58: {  	_ =	shalt  }
0x59: {  	_ =	shalt  }
0x5a: {  	_ =	shalt  }
0x5b: {  	_ =	shalt  }
0x5c: {  	_ =	shalt  }
0x5d: {  	_ =	shalt  }
0x5e: {  	_ =	shalt  }
0x5f: {  	_ =	shalt  }
0x60: {  	_ =	shalt  }
0x61: {  	_ =	shalt  }
0x62: {  	_ =	shalt  }
0x63: {  	_ =	shalt  }
0x64: {  	_ =	shalt  }
0x65: {  	_ =	shalt  }
0x66: {  	_ =	shalt  }
0x67: {  	_ =	shalt  }
0x68: {  	_ =	shalt  }
0x69: {  	_ =	shalt  }
0x6a: {  	_ =	shalt  }
0x6b: {  	_ =	shalt  }
0x6c: {  	_ =	shalt  }
0x6d: {  	_ =	shalt  }
0x6e: {  	_ =	shalt  }
0x6f: {  	_ =	shalt  }
0x70: {  	_ =	shalt  }
0x71: {  	_ =	shalt  }
0x72: {  	_ =	shalt  }
0x73: {  	_ =	shalt  }
0x74: {  	_ =	shalt  }
0x75: {  	_ =	shalt  }
0x76: {  	_ =	shalt  }
0x77: {  	_ =	shalt  }
0x78: {  	_ =	shalt  }
0x79: {  	_ =	shalt  }
0x7a: {  	_ =	shalt  }
0x7b: {  	_ =	shalt  }
0x7c: {  	_ =	shalt  }
0x7d: {  	_ =	shalt  }
0x7e: {  	_ =	shalt  }
0x7f: {  	_ =	shalt  }
0x80: {  	_ =	shalt  }
0x81: {  	_ =	shalt  }
0x82: {  	_ =	shalt  }
0x83: {  	_ =	shalt  }
0x84: {  	_ =	shalt  }
0x85: {  	_ =	shalt  }
0x86: {  	_ =	shalt  }
0x87: {  	_ =	shalt  }
.Lfunc_end0:
.L_simem_size_0:
called_computation_lowered:
.L_overlay_start_0:
0x88: {  	s2 =	sld [smem:$0x3FD9]  }
0x89: {  	s3 =	sld [smem:$0x3FFE];
	_ =	sdelay $0x1  }
0x8a: {  	s1 =	srdreg.scid  }
0x8b: {  	s0 =	sand.u32 $0x1, s1  }
0x8c: {  	s17 =	sshll.u32 s0, $0xA;
	s2 =	sadd.s32 s3, s2  }
0x8d: {  	s2 =	sadd.s32 s2, s17  }
0x8e: {  	[smem:$0x3FC2] =	sst s2  }
0x8f: {  	_ = 	snop  }
0x90: {  	s2 =	sld [smem:$0x3FD0];
	(tm) =	ssettm $0x1  }
0x91: {  	s18 =	sld [smem:$0x3FFB];
	_ =	sdelay $0x3  }
0x92: {  	_ =	strace s18  }
0x93: {  	s3 =	sld [smem:$0x3FFC];
	_ =	sdelay $0x3  }
0x94: {  	_ =	strace s3  }
0x95: {  	s3 =	sld [smem:$0x3FFD];
	_ =	sdelay $0x3  }
0x96: {  	_ =	strace s3  }
0x97: {  	_ =	strace $0x8FFFFFFF  }
0x98: {  	s19 =	sld [smem:$0x3FDB];
	_ =	sdelay $0x1  }
0x99: {  	s4 =	simm.s32 $_scs_section_size  }
0x9a: {  	s5 =	simm.s32 $_size__tile_overlayer_lowered;
	s6 =	simm.s32 $_tile_overlayer_lowered  }
0x9b: {  	s22 =	simm.s32 $0x1BFF;
	s21 =	sshll.u32 s6, $0x1;
	s3 =	sadd.s32 s4, s19  }
0x9c: {  	s7 =	simm.s32 $0x0;
	s20 =	sshll.u32 s5, $0x1;
	s5 =	sadd.s32 s21, s3  }
0x9d: {  	[timem:s7], [sflag:s22] =	dma.local [hbm:s5], s20  }
0x9e: {  	_ =	swait.ge [sflag:s22], s20  }
0x9f: {  	s4 =	ssub.s32 $0x0, s20;
	[sflag:s22] =	ssyncset.done $0x0  }
0xa0: {  	[sflag:s22] =	ssyncadd.s32 s4;
	_ =	sdelay $0x1  }
0xa1: {  	s23 =	simm.s32 $0x1B8B  }
0xa2: {  	_ =	swait.ge [sflag:s23], $0x1  }
0xa3: {  	[sflag:s23] =	ssyncset.done $0x0  }
0xa4: {  	s25 =	simm.s32 $0x1B8E;
	s24 =	sld [smem:$0x3FFE];
	[sflag:s23] =	ssyncadd.s32 $0xFFFFFFFF  }
0xa5: {  	s26 =	simm.s32 $execute0_lowered;
	[smem:$0x3FD2] =	sst s25  }
0xa6: {  	s5 =	sshll.u32 s26, $0x1;
	_ =	strace $0x80000046;
	[dreg:$0x1] =	wrdreg $0xFFFFFFFF  }
0xa7: {  	s28 =	simm.s32 $_size_execute0_lowered;
	s3 =	sadd.s32 s3, s5;
	[dreg:$0x0] =	wrdreg $0x0  }
0xa8: {  	s5 =	sshll.u32 s28, $0x1;
	[dreg:$0x2] =	wrdreg s3  }
0xa9: {  	[dreg:$0x3] =	wrdreg s5  }
0xaa: {  	[dreg:$0x4] =	wrdreg $0xC0  }
0xab: {  	_ =	task [dreg:s7], $0x5FFFF  }
0xac: {  	[dreg:$0x1] =	wrdreg $0xFFFFFFFF  }
0xad: {  	[dreg:$0x0] =	wrdreg $0x60  }
0xae: {  	[dreg:$0x2] =	wrdreg s24  }
0xaf: {  	[dreg:$0x3] =	wrdreg s2  }
0xb0: {  	[dreg:$0x4] =	wrdreg $0x50A00  }
0xb1: {  	[dreg:$0x5] =	wrdreg $0x64A00  }
0xb2: {  	[dreg:$0x6] =	wrdreg $0x9  }
0xb3: {  	_ =	task.clear_ibuf [dreg:s7], $0x7FFFF;
	_ =	strace $0x90000046  }
0xb4: {  	s29 =	simm.s32 $0x9;
	_ =	strace $0x80000048  }
0xb5: {  	_ =	swait.ge [sflag:s29], $0x1  }
0xb6: {  	[sflag:s29] =	ssyncadd.s32 $0xFFFFFFFF  }
0xb7: {  	_ =	strace $0x90000048  }
0xb8: {  	_ =	sfence  }
0xb9: {  	s30 =	sld [smem:$0x0];
	_ =	sdelay $0x2  }
0xba: {  	s31 =	sshll.u32 s1, $0xD;
	s1 =	sshrl.u32 s1, $0x2  }
0xbb: {  	s3 =	sand.u32 $0x4000, s31;
	s1 =	sadd.s32 s1, s30  }
0xbc: {  	s0 =	sor.u32 s3, s0;
	s1 =	sshll.u32 s1, $0x11  }
0xbd: {  	s0 =	sor.u32 s1, s0  }
0xbe: {  	s0 =	sadd.s32 $0x8F2B, s0  }
0xbf: {  	[sflag:s0] =	ssyncadd.remote.s32 $0x1  }
0xc0: {  	_ =	sfence.sel $0xFFFF  }
0xc1: {  	[dreg:$0x0] =	wrdreg $0xFFFFFFFF;
	(pc) =	sbr.abs _section_cstart, $3  }
0xc2: {  	[dreg:$0x1] =	wrdreg $0xFFFFFFFF  }
0xc3: {  	_ =	task.clear_ibuf [dreg:s7], $0x2FFFF;
	_ =	strace $0x9FFFFFFF  }
0xc4: {  	(tm) =	ssettm $0x7FFFFFFF  }
0xc5: {  	_ =	shalt  }
tec
execute0_lowered:
.L_overlay_start_1:
0x0: {  	(tag) =	ssettag $0x1  }
0x1: {  	s0 =	srdreg.scid;
	s1 =	rddreg [dreg:$0x0]  }
0x2: {  	s12 =	stileid.u32;
	s9 =	rddreg [dreg:$0x1]  }
0x3: {  	s4 =	simm.s32 $0x0;
	s14 =	simm.s32 $0xB;
	s17 =	simm.s32 $0x4E20  }
0x4: {  	s18 =	simm.s32 $0x50;
	s19 =	simm.s32 $0x1;
	s20 =	simm.s32 $0x6  }
0x5: {  	s21 =	simm.s32 $0x2;
	s22 =	simm.s32 $0x7;
	s23 =	simm.s32 $0x3  }
0x6: {  	s24 =	simm.s32 $0x8;
	s25 =	simm.s32 $0x4;
	s28 =	simm.s32 $0x5  }
0x7: {  	s29 =	simm.s32 $0xA;
	s30 =	simm.s32 $0x0;
	s0 =	sand.u32 $0x1, s0  }
0x8: {  	s8 =	smul.u32 $0x1400, s12;
	[smem:$0x7FF] =	sst s4;
	s31 =	sshll.u32 s12, $0x6  }
0x9: {  	s2 =	sshll.u32 s0, $0x4;
	s5 =	smul.u32 $0x14000, s0;
	s0 =	ssub.s32 $0x2, s0  }
0xa: {  	s3 =	sor.u32 s12, s2;
	s2 =	rddreg [dreg:$0x2];
	s26 =	sshrl.u32 s0, $0x1  }
0xb: {  	s10 =	smul.u32 $0x4E2, s3;
	s3 =	rddreg [dreg:$0x3];
	_ =	strace $0x80000047  }
0xc: {  	s6 =	sadd.s32 s8, s5;
	s5 =	sadd.s32 $0xC400, s1;
	s0 =	ssub.s32 s0, s26  }
0xd: {  	s13 =	sadd.s32 s8, s2;
	s26 =	simm.s32 $0x9;
	s7 =	sshrl.u32 s6, $0x3  }
0xe: {  	s6 =	sadd.s32 $0xC000, s1;
	s15 =	sadd.s32 s8, s3;
	s12 =	smax.u32 s0, $0x1  }
0xf: {  	s13 =	sshrl.u32 s13, $0x3;
	s11 =	sadd.s32 s10, s1;
	s1 =	sadd.s32 s7, s1  }
0x10: {  	s7 =	sor.u32 $0x1C0B, s31;
	s9 =	sadd.s32 s9, s10;
	s15 =	sshrl.u32 s15, $0x3  }
0x11: {  	s8 =	sadd.s32 $0x2200, s11;
	s10 =	sadd.s32 $0x11600, s1;
	s11 =	sadd.s32 $0xC600, s1  }
.LBB2_1:
0x12: {  	[spmem:s13], [sflag:s7] =	dma.local [hbm:s6], $0x280  }
0x13: {  	_ =	swait.ge [sflag:s14], $0x280  }
0x14: {  	[sflag:s14] =	ssyncset.done $0x0  }
0x15: {  	[sflag:s14] =	ssyncadd.s32 $0xFFFFFD80  }
0x16: {  	[spmem:s15], [sflag:s7] =	dma.local [hbm:s6], $0x280  }
0x17: {  	_ =	swait.ge [sflag:s14], $0x280  }
0x18: {  	[sflag:s14] =	ssyncset.done $0x0  }
0x19: {  	[sflag:s14] =	ssyncadd.s32 $0xFFFFFD80  }
0x1a: {  	[tilespmem:s4], [sflag:$0xB] =	stream.linear.gather [hbm4b:s8+s4], $0x2710, $0x38;
	[tilespmem:$0x78A0] =	vst v63  }
0x1b: {  	_ =	swait.ge [sflag:s14], $0x2710  }
0x1c: {  	[sflag:s14] =	ssyncset.done $0x0  }
0x1d: {  	s0 =	simm.s32 $0x2710;
	[sflag:s14] =	ssyncadd.s32 $0xFFFFD8F0  }
0x1e: {  	[tilespmem:s0], [sflag:$0xB] =	stream.linear.gather [hbm4b:s9+s4], $0x2710, $0x38;
	[tilespmem:$0x78A0] =	vst v63  }
0x1f: {  	_ =	swait.ge [sflag:s14], $0x2710  }
0x20: {  	[sflag:s14] =	ssyncset.done $0x0  }
0x21: {  	[sflag:s14] =	ssyncadd.s32 $0xFFFFD8F0  }
0x22: {  	[tilespmem:s17], [sflag:$0xB] =	stream.linear.gather [hbm4b:s5+s4], $0x280, $0x38;
	[tilespmem:$0x78A0] =	vst v63  }
0x23: {  	_ =	swait.ge [sflag:s14], $0x280  }
0x24: {  	[sflag:s14] =	ssyncset.done $0x0  }
0x25: {  	[sflag:s14] =	ssyncadd.s32 $0xFFFFFD80  }
0x26: {  	s1 =	simm.s32 $0x0;
	[bflag:$0x0] =	sbarrier.arrive $0xFFFF  }
0x27: {  	[spmem:s2] =	stream.indirect.scatter.add.f32 [tilespmem:s17], [sflag:$0x1], $0x8, s1, s18, $0xb8;
	[tilespmem:$0x78A0] =	vst v63  }
0x28: {  	s16 =	simm.s32 $0x2710  }
0x29: {  	[spmem:s3] =	stream.indirect.scatter.add.f32 [tilespmem:s17], [sflag:$0x6], $0x8, s16, s18, $0xb8;
	[tilespmem:$0x78A0] =	vst v63  }
0x2a: {  	s1 =	simm.s32 $0x50  }
0x2b: {  	[spmem:s2] =	stream.indirect.scatter.add.f32 [tilespmem:s17], [sflag:$0x2], $0x8, s1, s18, $0xb8;
	[tilespmem:$0x78A0] =	vst v63  }
0x2c: {  	s16 =	simm.s32 $0x2760  }
0x2d: {  	[spmem:s3] =	stream.indirect.scatter.add.f32 [tilespmem:s17], [sflag:$0x7], $0x8, s16, s18, $0xb8;
	[tilespmem:$0x78A0] =	vst v63  }
0x2e: {  	s1 =	simm.s32 $0xA0  }
0x2f: {  	[spmem:s2] =	stream.indirect.scatter.add.f32 [tilespmem:s17], [sflag:$0x3], $0x8, s1, s18, $0xb8;
	[tilespmem:$0x78A0] =	vst v63  }
0x30: {  	s16 =	simm.s32 $0x27B0  }
0x31: {  	[spmem:s3] =	stream.indirect.scatter.add.f32 [tilespmem:s17], [sflag:$0x8], $0x8, s16, s18, $0xb8;
	[tilespmem:$0x78A0] =	vst v63  }
0x32: {  	s1 =	simm.s32 $0xF0  }
0x33: {  	[spmem:s2] =	stream.indirect.scatter.add.f32 [tilespmem:s17], [sflag:$0x4], $0x8, s1, s18, $0xb8;
	[tilespmem:$0x78A0] =	vst v63  }
0x34: {  	s16 =	simm.s32 $0x2800  }
0x35: {  	[spmem:s3] =	stream.indirect.scatter.add.f32 [tilespmem:s17], [sflag:$0x9], $0x8, s16, s18, $0xb8;
	[tilespmem:$0x78A0] =	vst v63  }
0x36: {  	s1 =	simm.s32 $0x140  }
0x37: {  	[spmem:s2] =	stream.indirect.scatter.add.f32 [tilespmem:s17], [sflag:$0x5], $0x8, s1, s18, $0xb8;
	[tilespmem:$0x78A0] =	vst v63  }
0x38: {  	s16 =	simm.s32 $0x2850  }
0x39: {  	[spmem:s3] =	stream.indirect.scatter.add.f32 [tilespmem:s17], [sflag:$0xA], $0x8, s16, s18, $0xb8;
	[tilespmem:$0x78A0] =	vst v63  }
0x3a: {  	_ =	swait.ge [sflag:s19], $0x280  }
0x3b: {  	[sflag:s19] =	ssyncset.done $0x0  }
0x3c: {  	[sflag:s19] =	ssyncadd.s32 $0xFFFFFD80  }
0x3d: {  	_ =	swait.ge [sflag:s20], $0x280  }
0x3e: {  	[sflag:s20] =	ssyncset.done $0x0  }
0x3f: {  	[sflag:s20] =	ssyncadd.s32 $0xFFFFFD80  }
0x40: {  	_ =	swait.ge [sflag:s21], $0x280  }
0x41: {  	[sflag:s21] =	ssyncset.done $0x0  }
0x42: {  	[sflag:s21] =	ssyncadd.s32 $0xFFFFFD80  }
0x43: {  	_ =	swait.ge [sflag:s22], $0x280  }
0x44: {  	[sflag:s22] =	ssyncset.done $0x0  }
0x45: {  	[sflag:s22] =	ssyncadd.s32 $0xFFFFFD80  }
0x46: {  	_ =	swait.ge [sflag:s23], $0x280  }
0x47: {  	[sflag:s23] =	ssyncset.done $0x0  }
0x48: {  	[sflag:s23] =	ssyncadd.s32 $0xFFFFFD80  }
0x49: {  	_ =	swait.ge [sflag:s24], $0x280  }
0x4a: {  	[sflag:s24] =	ssyncset.done $0x0  }
0x4b: {  	[sflag:s24] =	ssyncadd.s32 $0xFFFFFD80  }
0x4c: {  	_ =	swait.ge [sflag:s25], $0x280  }
0x4d: {  	[sflag:s25] =	ssyncset.done $0x0  }
0x4e: {  	[sflag:s25] =	ssyncadd.s32 $0xFFFFFD80  }
0x4f: {  	_ =	swait.ge [sflag:s26], $0x280  }
0x50: {  	[sflag:s26] =	ssyncset.done $0x0  }
0x51: {  	[sflag:s26] =	ssyncadd.s32 $0xFFFFFD80  }
0x52: {  	_ =	swait.ge [sflag:s28], $0x280  }
0x53: {  	[sflag:s28] =	ssyncset.done $0x0  }
0x54: {  	[sflag:s28] =	ssyncadd.s32 $0xFFFFFD80  }
0x55: {  	_ =	swait.ge [sflag:s29], $0x280  }
0x56: {  	s31 =	simm.s32 $0x640;
	s1 =	simm.s32 $0xC80;
	[sflag:s29] =	ssyncset.done $0x0  }
.LBB2_2:
0x57: {  	s16 =	sshra.s32 s31, $0x2  }
0x58: {  	[sflag:s29] =	ssyncadd.s32 $0xFFFFFD80;
	s31 =	smov.u32 s1;
	s0 =	sadd.s32 $0x640, s1  }
0x59: {  	[spmem:s2] =	stream.indirect.scatter.add.f32 [tilespmem:s17], [sflag:$0x1], $0x8, s16, s18, $0xb8;
	[tilespmem:$0x78A0] =	vst v63  }
0x5a: {  	p0 =	sne.s32 s1, $0x9600;
	s1 =	sadd.s32 $0x2710, s16  }
0x5b: {  	[spmem:s3] =	stream.indirect.scatter.add.f32 [tilespmem:s17], [sflag:$0x6], $0x8, s1, s18, $0xb8;
	[tilespmem:$0x78A0] =	vst v63  }
0x5c: {  	s1 =	sadd.s32 $0x50, s16  }
0x5d: {  	[spmem:s2] =	stream.indirect.scatter.add.f32 [tilespmem:s17], [sflag:$0x2], $0x8, s1, s18, $0xb8;
	[tilespmem:$0x78A0] =	vst v63  }
0x5e: {  	s1 =	sadd.s32 $0x2760, s16  }
0x5f: {  	[spmem:s3] =	stream.indirect.scatter.add.f32 [tilespmem:s17], [sflag:$0x7], $0x8, s1, s18, $0xb8;
	[tilespmem:$0x78A0] =	vst v63  }
0x60: {  	s1 =	sadd.s32 $0xA0, s16  }
0x61: {  	[spmem:s2] =	stream.indirect.scatter.add.f32 [tilespmem:s17], [sflag:$0x3], $0x8, s1, s18, $0xb8;
	[tilespmem:$0x78A0] =	vst v63  }
0x62: {  	s1 =	sadd.s32 $0x27B0, s16  }
0x63: {  	[spmem:s3] =	stream.indirect.scatter.add.f32 [tilespmem:s17], [sflag:$0x8], $0x8, s1, s18, $0xb8;
	[tilespmem:$0x78A0] =	vst v63  }
0x64: {  	s1 =	sadd.s32 $0xF0, s16  }
0x65: {  	[spmem:s2] =	stream.indirect.scatter.add.f32 [tilespmem:s17], [sflag:$0x4], $0x8, s1, s18, $0xb8;
	[tilespmem:$0x78A0] =	vst v63  }
0x66: {  	s1 =	sadd.s32 $0x2800, s16  }
0x67: {  	[spmem:s3] =	stream.indirect.scatter.add.f32 [tilespmem:s17], [sflag:$0x9], $0x8, s1, s18, $0xb8;
	[tilespmem:$0x78A0] =	vst v63  }
0x68: {  	s1 =	sadd.s32 $0x140, s16  }
0x69: {  	[spmem:s2] =	stream.indirect.scatter.add.f32 [tilespmem:s17], [sflag:$0x5], $0x8, s1, s18, $0xb8;
	[tilespmem:$0x78A0] =	vst v63  }
0x6a: {  	s1 =	sadd.s32 $0x2850, s16  }
0x6b: {  	[spmem:s3] =	stream.indirect.scatter.add.f32 [tilespmem:s17], [sflag:$0xA], $0x8, s1, s18, $0xb8;
	[tilespmem:$0x78A0] =	vst v63  }
0x6c: {  	_ =	swait.ge [sflag:s19], $0x280  }
0x6d: {  	[sflag:s19] =	ssyncset.done $0x0  }
0x6e: {  	[sflag:s19] =	ssyncadd.s32 $0xFFFFFD80  }
0x6f: {  	_ =	swait.ge [sflag:s20], $0x280  }
0x70: {  	[sflag:s20] =	ssyncset.done $0x0  }
0x71: {  	[sflag:s20] =	ssyncadd.s32 $0xFFFFFD80  }
0x72: {  	_ =	swait.ge [sflag:s21], $0x280  }
0x73: {  	[sflag:s21] =	ssyncset.done $0x0  }
0x74: {  	[sflag:s21] =	ssyncadd.s32 $0xFFFFFD80  }
0x75: {  	_ =	swait.ge [sflag:s22], $0x280  }
0x76: {  	[sflag:s22] =	ssyncset.done $0x0  }
0x77: {  	[sflag:s22] =	ssyncadd.s32 $0xFFFFFD80  }
0x78: {  	_ =	swait.ge [sflag:s23], $0x280  }
0x79: {  	[sflag:s23] =	ssyncset.done $0x0  }
0x7a: {  	[sflag:s23] =	ssyncadd.s32 $0xFFFFFD80  }
0x7b: {  	_ =	swait.ge [sflag:s24], $0x280  }
0x7c: {  	[sflag:s24] =	ssyncset.done $0x0  }
0x7d: {  	[sflag:s24] =	ssyncadd.s32 $0xFFFFFD80  }
0x7e: {  	_ =	swait.ge [sflag:s25], $0x280  }
0x7f: {  	[sflag:s25] =	ssyncset.done $0x0  }
0x80: {  	[sflag:s25] =	ssyncadd.s32 $0xFFFFFD80  }
0x81: {  	_ =	swait.ge [sflag:s26], $0x280  }
0x82: {  	[sflag:s26] =	ssyncset.done $0x0  }
0x83: {  	[sflag:s26] =	ssyncadd.s32 $0xFFFFFD80  }
.Ltmp0:
0x84: {  	_ =	swait.ge [sflag:s28], $0x280;
	(pc) =	sbr.rel @p0 .LBB2_2-.Ltmp0, $4  }
0x85: {  	[sflag:s28] =	ssyncset.done $0x0  }
0x86: {  	[sflag:s28] =	ssyncadd.s32 $0xFFFFFD80  }
0x87: {  	_ =	swait.ge [sflag:s29], $0x280  }
0x88: {  	s1 =	smov.u32 s0;
	[sflag:s29] =	ssyncset.done $0x0  }
0x89: {  	s0 =	sshra.s32 s31, $0x2;
	[sflag:s29] =	ssyncadd.s32 $0xFFFFFD80  }
0x8a: {  	[spmem:s2] =	stream.indirect.scatter.add.f32 [tilespmem:s17], [sflag:$0x1], $0x8, s0, s18, $0xb8;
	[tilespmem:$0x78A0] =	vst v63  }
0x8b: {  	s1 =	sadd.s32 $0x2710, s0  }
0x8c: {  	[spmem:s3] =	stream.indirect.scatter.add.f32 [tilespmem:s17], [sflag:$0x6], $0x8, s1, s18, $0xb8;
	[tilespmem:$0x78A0] =	vst v63  }
0x8d: {  	s31 =	sadd.s32 $0x50, s0  }
0x8e: {  	[spmem:s2] =	stream.indirect.scatter.add.f32 [tilespmem:s17], [sflag:$0x2], $0x8, s31, s18, $0xb8;
	[tilespmem:$0x78A0] =	vst v63  }
0x8f: {  	s16 =	sadd.s32 $0x2760, s0  }
0x90: {  	[spmem:s3] =	stream.indirect.scatter.add.f32 [tilespmem:s17], [sflag:$0x7], $0x8, s16, s18, $0xb8;
	[tilespmem:$0x78A0] =	vst v63  }
0x91: {  	s31 =	sadd.s32 $0xA0, s0  }
0x92: {  	[spmem:s2] =	stream.indirect.scatter.add.f32 [tilespmem:s17], [sflag:$0x3], $0x8, s31, s18, $0xb8;
	[tilespmem:$0x78A0] =	vst v63  }
0x93: {  	s16 =	sadd.s32 $0x27B0, s0  }
0x94: {  	[spmem:s3] =	stream.indirect.scatter.add.f32 [tilespmem:s17], [sflag:$0x8], $0x8, s16, s18, $0xb8;
	[tilespmem:$0x78A0] =	vst v63  }
0x95: {  	s31 =	sadd.s32 $0xF0, s0  }
0x96: {  	[spmem:s2] =	stream.indirect.scatter.add.f32 [tilespmem:s17], [sflag:$0x4], $0x8, s31, s18, $0xb8;
	[tilespmem:$0x78A0] =	vst v63  }
0x97: {  	s16 =	sadd.s32 $0x2800, s0  }
0x98: {  	[spmem:s3] =	stream.indirect.scatter.add.f32 [tilespmem:s17], [sflag:$0x9], $0x8, s16, s18, $0xb8;
	[tilespmem:$0x78A0] =	vst v63  }
0x99: {  	s31 =	sadd.s32 $0x140, s0  }
0x9a: {  	[spmem:s2] =	stream.indirect.scatter.add.f32 [tilespmem:s17], [sflag:$0x5], $0x8, s31, s18, $0xb8;
	[tilespmem:$0x78A0] =	vst v63  }
0x9b: {  	s0 =	sadd.s32 $0x2850, s0  }
0x9c: {  	[spmem:s3] =	stream.indirect.scatter.add.f32 [tilespmem:s17], [sflag:$0xA], $0x8, s0, s18, $0xb8;
	[tilespmem:$0x78A0] =	vst v63  }
0x9d: {  	_ =	swait.ge [sflag:s19], $0x280  }
0x9e: {  	[sflag:s19] =	ssyncset.done $0x0  }
0x9f: {  	[sflag:s19] =	ssyncadd.s32 $0xFFFFFD80  }
0xa0: {  	_ =	swait.ge [sflag:s20], $0x280  }
0xa1: {  	[sflag:s20] =	ssyncset.done $0x0  }
0xa2: {  	[sflag:s20] =	ssyncadd.s32 $0xFFFFFD80  }
0xa3: {  	_ =	swait.ge [sflag:s21], $0x280  }
0xa4: {  	[sflag:s21] =	ssyncset.done $0x0  }
0xa5: {  	[sflag:s21] =	ssyncadd.s32 $0xFFFFFD80  }
0xa6: {  	_ =	swait.ge [sflag:s22], $0x280  }
0xa7: {  	[sflag:s22] =	ssyncset.done $0x0  }
0xa8: {  	[sflag:s22] =	ssyncadd.s32 $0xFFFFFD80  }
0xa9: {  	_ =	swait.ge [sflag:s23], $0x280  }
0xaa: {  	[sflag:s23] =	ssyncset.done $0x0  }
0xab: {  	[sflag:s23] =	ssyncadd.s32 $0xFFFFFD80  }
0xac: {  	_ =	swait.ge [sflag:s24], $0x280  }
0xad: {  	[sflag:s24] =	ssyncset.done $0x0  }
0xae: {  	[sflag:s24] =	ssyncadd.s32 $0xFFFFFD80  }
0xaf: {  	_ =	swait.ge [sflag:s25], $0x280  }
0xb0: {  	[sflag:s25] =	ssyncset.done $0x0  }
0xb1: {  	[sflag:s25] =	ssyncadd.s32 $0xFFFFFD80  }
0xb2: {  	_ =	swait.ge [sflag:s26], $0x280  }
0xb3: {  	[sflag:s26] =	ssyncset.done $0x0  }
0xb4: {  	[sflag:s26] =	ssyncadd.s32 $0xFFFFFD80  }
0xb5: {  	_ =	swait.ge [sflag:s28], $0x280  }
0xb6: {  	[sflag:s28] =	ssyncset.done $0x0  }
0xb7: {  	[sflag:s28] =	ssyncadd.s32 $0xFFFFFD80  }
0xb8: {  	_ =	swait.ge [sflag:s29], $0x280  }
0xb9: {  	[sflag:s29] =	ssyncset.done $0x0  }
0xba: {  	[sflag:s29] =	ssyncadd.s32 $0xFFFFFD80  }
0xbb: {  	[bflag:$0x0] =	sbarrier.arrive $0xFFFF  }
0xbc: {  	[hbm:s10], [sflag:s7] =	dma.local [spmem:s13], $0x280  }
0xbd: {  	s30 =	sadd.s32 $0x1, s30;
	_ =	swait.ge [sflag:s14], $0x280  }
0xbe: {  	p0 =	sne.s32 s30, s12;
	[sflag:s14] =	ssyncset.done $0x0  }
.Ltmp1:
0xbf: {  	[sflag:s14] =	ssyncadd.s32 $0xFFFFFD80;
	(pc) =	sbr.rel @p0 .LBB2_1-.Ltmp1, $4  }
0xc0: {  	[hbm:s11], [sflag:s7] =	dma.local [spmem:s15], $0x280  }
0xc1: {  	_ =	swait.ge [sflag:s14], $0x280  }
0xc2: {  	[sflag:s14] =	ssyncset.done $0x0  }
0xc3: {  	[sflag:s14] =	ssyncadd.s32 $0xFFFFFD80  }
0xc4: {  	_ =	sfence.sel $0x180000  }
0xc5: {  	[bflag:$0x0] =	sbarrier.arrive $0xFFFF  }
0xc6: {  	_ =	strace $0x90000047  }
0xc7: {  	s0 =	stileid.u32;
	[bflag:$0x2] =	sbarrier.arrive $0xFFFF  }
0xc8: {  	p0 =	sne.s32 s0, $0x0;
	s0 =	rddreg [dreg:$0x4]  }
0xc9: {  	s0 =	sadd.s32 @!p0 $0x100000, s0  }
0xca: {  	[sflag:s0] =	ssyncadd.tile.s32 @!p0 $0x1;
	_ =	shalt  }
.Lfunc_end2:
_tile_overlayer_lowered:
.L_overlay_start_2:
0xcb: {  	(tag) =	ssettag $0x2  }
0xcc: {  	s0 =	rddreg [dreg:$0x0];
	s2 =	stileid.u32  }
0xcd: {  	s1 =	rddreg [dreg:$0x1];
	p0 =	sne.s32 s2, $0x0  }
0xce: {  	s3 =	rddreg [dreg:$0x2];
	[bflag:$0x3] =	sbarrier.arrive $0xFFFF;
	s2 =	simm.s32 @!p0 $0x1C0B  }
0xcf: {  	[timem:s3], [sflag:s2] =	dma.local @!p0 [hbm:s0], s1  }
0xd0: {  	s0 =	simm.s32 @!p0 $0xB  }
0xd1: {  	_ =	swait.ge @!p0 [sflag:s0], s1  }
0xd2: {  	s1 =	ssub.s32 @!p0 $0x0, s1;
	[sflag:s0] =	ssyncset.done @!p0 $0x0  }
0xd3: {  	[sflag:s0] =	ssyncadd.s32 @!p0 s1  }
0xd4: {  	[bflag:$0x3] =	sbarrier.arrive $0xFFFF  }
0xd5: {  	_ =	shalt  }

</sc_bundles>
